<compile_context>
chip_gen: v7x
topology: tpu7x:2x2x1
jax: 0.10.2.dev20260603
libtpu: 0.0.44.dev20260713+nightly
codegen_flags: <defaults>
</compile_context>

<pallas_src>
import jax
import jax.numpy as jnp
from jax import lax
from jax.experimental import pallas as pl
from jax.experimental.pallas import tpu as pltpu
from jax.experimental.pallas import tpu_sc as plsc

_B = 128
_V = 100000
_K = 10000
_NW = 32
_RPW = _B // _NW
_CHUNK = 20000
_NCHUNK = _V // _CHUNK
_NVEC = _CHUNK // 16



_UNROLL = 5
_NHIST = 5


def _sc_body(x_hbm, thr_hbm, rowbuf, hist, tot, tout, sem0, sem1):
    c = lax.axis_index("c")
    s = lax.axis_index("s")
    wid = s * 2 + c
    lanes = lax.iota(jnp.int32, 16)
    ones16 = jnp.ones((16,), jnp.int32)
    zeros16 = jnp.zeros((16,), jnp.int32)
    sems = [sem0, sem1]

    @plsc.parallel_loop(0, 256 * _NHIST, unroll=8)
    def _(i):
        hist[pl.ds(i * 16, 16)] = zeros16

    def one_row(j, tvec):
        base = (wid * _RPW + j) * _V

        def hist_range(lo, n, himask, prefixv, shift):
            @plsc.parallel_loop(lo, lo + n, unroll=_UNROLL)
            def _(vi):
                xv = rowbuf[pl.ds(vi * 16, 16)]
                bb = lax.bitcast_convert_type(xv, jnp.uint32)
                key = jnp.where(bb >= jnp.uint32(0x80000000), ~bb,
                                bb | jnp.uint32(0x80000000))
                bucket = lax.convert_element_type(
                    (key >> jnp.uint32(shift)) & jnp.uint32(0xFF),
                    jnp.int32)
                addr = (vi % _NHIST) * 4096 + bucket * 16 + lanes
                if himask == 0:
                    plsc.addupdate_scatter(hist, [addr], ones16)
                else:
                    sel = (key & jnp.uint32(himask)) == prefixv
                    plsc.addupdate_scatter(hist, [addr], ones16, mask=sel)

        def histo_pass(himask, prefixv, shift, kremv, stream):
            if stream:
                copies = [pltpu.async_copy(
                    x_hbm.at[pl.ds(base, _CHUNK)],
                    rowbuf.at[pl.ds(0, _CHUNK)], sems[0]), None]
                for ci in range(_NCHUNK):
                    if ci + 1 < _NCHUNK:
                        copies[(ci + 1) % 2] = pltpu.async_copy(
                            x_hbm.at[pl.ds(base + (ci + 1) * _CHUNK, _CHUNK)],
                            rowbuf.at[pl.ds((ci + 1) * _CHUNK, _CHUNK)],
                            sems[(ci + 1) % 2])
                    copies[ci % 2].wait()
                    hist_range(ci * _NVEC, _NVEC, himask, prefixv, shift)
            else:
                hist_range(0, _V // 16, himask, prefixv, shift)

            @plsc.parallel_loop(0, 256, unroll=4)
            def _(b):
                acc = hist[pl.ds(b * 16, 16)]
                hist[pl.ds(b * 16, 16)] = zeros16
                for h in range(1, _NHIST):
                    acc = acc + hist[pl.ds(h * 4096 + b * 16, 16)]
                    hist[pl.ds(h * 4096 + b * 16, 16)] = zeros16
                tot[pl.ds(b * 16, 16)] = acc

            def gbody(gi, st):
                cumv, foundv, gselv, cabv = st
                g = 15 - gi
                acc = tot[pl.ds(g * 256, 16)]
                for b in range(1, 16):
                    acc = acc + tot[pl.ds(g * 256 + b * 16, 16)]
                cntv = zeros16 + jnp.sum(acc)
                newcum = cumv + cntv
                take = jnp.logical_and(newcum >= kremv,
                                       jnp.logical_not(foundv))
                gselv = jnp.where(take, zeros16 + g, gselv)
                cabv = jnp.where(take, cumv, cabv)
                return (newcum, jnp.logical_or(foundv, take), gselv, cabv)

            _, _, gselv, cabv = lax.fori_loop(
                0, 16, gbody,
                (zeros16, zeros16 < zeros16, zeros16, zeros16))
            gsel = jnp.max(gselv)

            def bbody(bi, st):
                cumv, foundv, bselv, cab2v = st
                b = 15 - bi
                cntv = zeros16 + jnp.sum(tot[pl.ds(gsel * 256 + b * 16, 16)])
                newcum = cumv + cntv
                take = jnp.logical_and(newcum >= kremv,
                                       jnp.logical_not(foundv))
                bselv = jnp.where(take, gselv * 16 + b, bselv)
                cab2v = jnp.where(take, cumv, cab2v)
                return (newcum, jnp.logical_or(foundv, take), bselv, cab2v)

            _, _, bselv, cab2v = lax.fori_loop(
                0, 16, bbody,
                (cabv, zeros16 < zeros16, zeros16, zeros16))
            return bselv, cab2v

        prefixv = jnp.zeros((16,), jnp.uint32)
        kremv = zeros16 + _K
        for lvl in range(4):
            shift = 24 - 8 * lvl
            himask = (0xFFFFFFFF << (shift + 8)) & 0xFFFFFFFF if lvl else 0
            bselv, cabovev = histo_pass(himask, prefixv, shift, kremv,
                                        stream=(lvl == 0))
            prefixv = prefixv | (
                lax.convert_element_type(bselv, jnp.uint32)
                << jnp.uint32(shift))
            kremv = kremv - cabovev

        bitsv = jnp.where(prefixv >= jnp.uint32(0x80000000),
                          prefixv ^ jnp.uint32(0x80000000), ~prefixv)
        tvalv = lax.bitcast_convert_type(bitsv, jnp.float32)
        return jnp.where(lanes == j, tvalv, tvec)

    tvec = lax.fori_loop(0, _RPW, one_row, jnp.zeros((16,), jnp.float32))
    tout[...] = tvec
    pltpu.sync_copy(tout, thr_hbm.at[wid])


_SC_SELECT_CACHE = []


def _sc_select(xflat):
    if not _SC_SELECT_CACHE:
        _SC_SELECT_CACHE.append(pl.kernel(
            _sc_body,
            jax.ShapeDtypeStruct((_NW, 16), jnp.float32),
            mesh=plsc.VectorSubcoreMesh(core_axis_name="c",
                                        subcore_axis_name="s"),
            scratch_types=[
                pltpu.VMEM((_V,), jnp.float32),
                pltpu.VMEM((4096 * _NHIST,), jnp.int32),
                pltpu.VMEM((4096,), jnp.int32),
                pltpu.VMEM((16,), jnp.float32),
                pltpu.SemaphoreType.DMA,
                pltpu.SemaphoreType.DMA,
            ],
            compiler_params=pltpu.CompilerParams(needs_layout_passes=False),
        ))
    return _SC_SELECT_CACHE[0](xflat)

_R = 16


def _tc_body(x_ref, t_ref, g_ref, p_ref, s_ref):
    x = x_ref[...]
    t = t_ref[...]
    m = jnp.max(x, axis=1, keepdims=True)
    e = jnp.where(x >= t, jnp.exp(x - m), 0.0)
    z = jnp.sum(e, axis=1, keepdims=True)
    p = e / z
    p_ref[...] = p
    vals = jnp.log(jnp.clip(p, 1e-20, 1.0)) + g_ref[...]
    vm = jnp.max(vals, axis=1, keepdims=True)
    col = lax.broadcasted_iota(jnp.int32, vals.shape, 1)
    s_ref[...] = jnp.min(jnp.where(vals == vm, col, jnp.int32(2**30)),
                         axis=1, keepdims=True)


def _tc_finish(x, t, g):
    return pl.pallas_call(
        _tc_body,
        grid=(_B // _R,),
        in_specs=[
            pl.BlockSpec((_R, _V), lambda i: (i, 0)),
            pl.BlockSpec((_R, 1), lambda i: (i, 0)),
            pl.BlockSpec((_R, _V), lambda i: (i, 0)),
        ],
        out_specs=[
            pl.BlockSpec((_R, _V), lambda i: (i, 0)),
            pl.BlockSpec((_R, 1), lambda i: (i, 0)),
        ],
        out_shape=[
            jax.ShapeDtypeStruct((_B, _V), jnp.float32),
            jax.ShapeDtypeStruct((_B, 1), jnp.int32),
        ],
        compiler_params=pltpu.CompilerParams(
            dimension_semantics=("arbitrary",),
            vmem_limit_bytes=100 * 1024 * 1024,
        ),
    )(x, t, g)


def kernel(logits):
    thr = _sc_select(logits.reshape(-1))
    t = thr[:, :_RPW].reshape(_B, 1)
    g = jax.random.gumbel(jax.random.key(42), (_B, _V), jnp.float32)
    probs, samples = _tc_finish(logits, t, g)
    return probs, samples

# --- scband reference (transcript-rebuilt; emitter-appended) ---
"""Pipeline reference for scband-music-xtransformer-81587198754820 (READ-ONLY COPY).

The authoritative reference and input builder live on the scoring server;
editing this copy changes nothing except your own understanding.
"""

import jax, jax.numpy as jnp
import numpy as np
import math

THRES = 0.9
TEMPERATURE = 1.0

def setup_inputs(seed: int = 0) -> dict:
    key = jax.random.key(seed)
    logits = jax.random.normal(key, (128, 100000), dtype=jnp.float32)
    return {"logits": logits}

def _top_k_filter(logits, thres):
    # faithful to lucidrains top_k: keep ceil((1-thres)*V) logits, scatter back, rest -inf
    k = int(math.ceil((1.0 - thres) * logits.shape[-1]))
    vals, idx = jax.lax.top_k(logits, k)
    b = logits.shape[0]
    filtered = jnp.full_like(logits, -jnp.inf)
    filtered = filtered.at[jnp.arange(b)[:, None], idx].set(vals)
    return filtered

def reference(logits):
    # sample(logits, kind='top_k', threshold=0.9, temperature=1.0)
    filtered = _top_k_filter(logits, THRES)
    probs = jax.nn.softmax(filtered / TEMPERATURE, axis=-1)
    # torch.multinomial(probs, 1) -> categorical sample with fixed key
    skey = jax.random.key(42)
    samples = jax.random.categorical(skey, jnp.log(jnp.clip(probs, 1e-20, 1.0)), axis=-1)
    return probs, samples[:, None]

if __name__ == "__main__":
    import jax
    _d = setup_inputs()
    print(jax.jit(kernel)(*tuple(_d.values())))

</pallas_src>

<mosaic_0001>
#map = affine_map<(d0, d1) -> (0)>
#map1 = affine_map<(d0, d1) -> (0, 0)>
module attributes {stable_mosaic.version = 14 : i64} {
  func.func @_sc_body(%arg0: i32, %arg1: i32, %arg2: memref<12800000xf32, #tpu.memory_space<hbm>>, %arg3: memref<32x16xf32, #tpu.memory_space<hbm>>, %arg4: memref<100000xf32, #tpu.memory_space<vmem>>, %arg5: memref<20480xi32, #tpu.memory_space<vmem>>, %arg6: memref<4096xi32, #tpu.memory_space<vmem>>, %arg7: memref<16xf32, #tpu.memory_space<vmem>>, %arg8: memref<!tpu.dma_semaphore, #tpu.memory_space<semaphore_mem>>, %arg9: memref<!tpu.dma_semaphore, #tpu.memory_space<semaphore_mem>>) attributes {dimension_semantics = [#tpu.dimension_semantics<core_parallel>, #tpu.dimension_semantics<subcore_parallel>], iteration_bounds = array<i64: 2, 16>, scalar_prefetch = 0 : i64, scratch_operands = 6 : i64, tpu.core_type = #tpu.core_type<sc_vector_subcore>, window_params = [{transform_indices = #map}, {transform_indices = #map1}]} {
    %mul3A = arith.constant 2 : i32
    %mul3A_0 = arith.muli %arg1, %mul3A : i32
    %add3A = arith.addi %mul3A_0, %arg0 : i32
    %iota3A = tpu.iota {dimensions = array<i32: 0>} : vector<16xi32>
    %broadcast_in_dim3A = arith.constant 1 : i32
    %broadcast_in_dim3A_1 = vector.broadcast %broadcast_in_dim3A : i32 to vector<16xi32>
    %broadcast_in_dim3A_2 = arith.constant 0 : i32
    %broadcast_in_dim3A_3 = vector.broadcast %broadcast_in_dim3A_2 : i32 to vector<16xi32>
    %parallel_loop3A = arith.constant 0 : i32
    %parallel_loop3A_4 = arith.constant 1280 : i32
    %parallel_loop3A_5 = arith.constant 1 : i32
    scf.for %parallel_loop3A_14 = %parallel_loop3A to %parallel_loop3A_4 step %parallel_loop3A_5  : i32 {
      %parallel_loop3A_15 = arith.constant 16 : i32
      %parallel_loop3A_16 = arith.muli %parallel_loop3A_14, %parallel_loop3A_15 : i32
      %parallel_loop3A_17 = arith.index_cast %parallel_loop3A_16 : i32 to index
      %parallel_loop3A_18 = tpu.vector_load %arg5[%parallel_loop3A_17] {strides = array<i32>} : memref<20480xi32, #tpu.memory_space<vmem>>, vector<16xi32>,
      tpu.vector_store %arg5[%parallel_loop3A_17], %broadcast_in_dim3A_3 {strides = array<i32>} : memref<20480xi32, #tpu.memory_space<vmem>>, vector<16xi32>,
    } {sc.loop_unroll_factor = 8 : i64, sc.parallel_access}
    %broadcast_in_dim3A_6 = arith.constant 0.000000e+00 : f32
    %broadcast_in_dim3A_7 = vector.broadcast %broadcast_in_dim3A_6 : f32 to vector<16xf32>
    %scan3A = arith.constant 0 : i32
    %scan3A_8 = arith.constant 4 : i32
    %scan3A_9 = arith.addi %scan3A, %scan3A_8 : i32
    %scan3A_10 = arith.constant 1 : i32
    %scan3A_11 = scf.for %scan3A_14 = %scan3A to %scan3A_9 step %scan3A_10 iter_args(%scan3A_15 = %broadcast_in_dim3A_7) -> (vector<16xf32>)  : i32 {
      %mul3A_16 = arith.constant 4 : i32
      %mul3A_17 = arith.muli %add3A, %mul3A_16 : i32
      %add3A_18 = arith.addi %mul3A_17, %scan3A_14 : i32
      %mul3A_19 = arith.constant 100000 : i32
      %mul3A_20 = arith.muli %add3A_18, %mul3A_19 : i32
      %broadcast_in_dim3A_21 = arith.constant 0 : i32
      %broadcast_in_dim3A_22 = vector.broadcast %broadcast_in_dim3A_21 : i32 to vector<16xi32>
      %add3A_23 = arith.constant 10000 : i32
      %add3A_24 = vector.broadcast %add3A_23 : i32 to vector<16xi32>
      %add3A_25 = arith.addi %broadcast_in_dim3A_3, %add3A_24 : vector<16xi32>
      %dma_start3A = arith.constant 0 : i32
      %dma_start3A_26 = tpu.memref_slice %arg4[%dma_start3A] : memref<100000xf32, #tpu.memory_space<vmem>> -> memref<20000xf32, #tpu.memory_space<vmem>>
      %dma_start3A_27 = tpu.memref_slice %arg2[%mul3A_20] : memref<12800000xf32, #tpu.memory_space<hbm>> -> memref<20000xf32, #tpu.memory_space<hbm>>
      %dma_start3A_28 = arith.constant 0 : i32
      %dma_start3A_29 = tpu.memref_slice %arg4[%dma_start3A_28] : memref<100000xf32, #tpu.memory_space<vmem>> -> memref<20000xf32, #tpu.memory_space<vmem>>
      %dma_start3A_30 = tpu.memref_slice %arg2[%mul3A_20] : memref<12800000xf32, #tpu.memory_space<hbm>> -> memref<20000xf32, #tpu.memory_space<hbm>>
      tpu.enqueue_dma source(%dma_start3A_30 : memref<20000xf32, #tpu.memory_space<hbm>>) target(%dma_start3A_29 : memref<20000xf32, #tpu.memory_space<vmem>>) target_semaphore(%arg8 : memref<!tpu.dma_semaphore, #tpu.memory_space<semaphore_mem>>)
      %add3A_31 = arith.constant 20000 : i32
      %add3A_32 = arith.addi %mul3A_20, %add3A_31 : i32
      %dma_start3A_33 = arith.constant 20000 : i32
      %dma_start3A_34 = tpu.memref_slice %arg4[%dma_start3A_33] : memref<100000xf32, #tpu.memory_space<vmem>> -> memref<20000xf32, #tpu.memory_space<vmem>>
      %dma_start3A_35 = tpu.memref_slice %arg2[%add3A_32] : memref<12800000xf32, #tpu.memory_space<hbm>> -> memref<20000xf32, #tpu.memory_space<hbm>>
      %dma_start3A_36 = arith.constant 20000 : i32
      %dma_start3A_37 = tpu.memref_slice %arg4[%dma_start3A_36] : memref<100000xf32, #tpu.memory_space<vmem>> -> memref<20000xf32, #tpu.memory_space<vmem>>
      %dma_start3A_38 = tpu.memref_slice %arg2[%add3A_32] : memref<12800000xf32, #tpu.memory_space<hbm>> -> memref<20000xf32, #tpu.memory_space<hbm>>
      tpu.enqueue_dma source(%dma_start3A_38 : memref<20000xf32, #tpu.memory_space<hbm>>) target(%dma_start3A_37 : memref<20000xf32, #tpu.memory_space<vmem>>) target_semaphore(%arg9 : memref<!tpu.dma_semaphore, #tpu.memory_space<semaphore_mem>>)
      %dma_wait3A = arith.constant 0 : i32
      %dma_wait3A_39 = tpu.memref_slice %arg4[%dma_wait3A] : memref<100000xf32, #tpu.memory_space<vmem>> -> memref<20000xf32, #tpu.memory_space<vmem>>
      %dma_wait3A_40 = tpu.memref_slice %arg2[%mul3A_20] : memref<12800000xf32, #tpu.memory_space<hbm>> -> memref<20000xf32, #tpu.memory_space<hbm>>
      %dma_wait3A_41 = arith.constant 0 : i32
      %dma_wait3A_42 = tpu.memref_slice %arg4[%dma_wait3A_41] : memref<100000xf32, #tpu.memory_space<vmem>> -> memref<20000xf32, #tpu.memory_space<vmem>>
      %dma_wait3A_43 = tpu.memref_slice %arg2[%mul3A_20] : memref<12800000xf32, #tpu.memory_space<hbm>> -> memref<20000xf32, #tpu.memory_space<hbm>>
      tpu.wait_dma2 semaphore(%arg8 : memref<!tpu.dma_semaphore, #tpu.memory_space<semaphore_mem>>) src(%dma_wait3A_43 : memref<20000xf32, #tpu.memory_space<hbm>>) dst(%dma_wait3A_42 : memref<20000xf32, #tpu.memory_space<vmem>>)
      %parallel_loop3A_44 = arith.constant 0 : i32
      %parallel_loop3A_45 = arith.constant 1250 : i32
      %parallel_loop3A_46 = arith.constant 1 : i32
      scf.for %parallel_loop3A_238 = %parallel_loop3A_44 to %parallel_loop3A_45 step %parallel_loop3A_46  : i32 {
        %parallel_loop3A_239 = arith.constant 16 : i32
        %parallel_loop3A_240 = arith.muli %parallel_loop3A_238, %parallel_loop3A_239 : i32
        %parallel_loop3A_241 = arith.index_cast %parallel_loop3A_240 : i32 to index
        %parallel_loop3A_242 = tpu.vector_load %arg4[%parallel_loop3A_241] {strides = array<i32>} : memref<100000xf32, #tpu.memory_space<vmem>>, vector<16xf32>,
        %parallel_loop3A_243 = tpu.bitcast %parallel_loop3A_242 : vector<16xf32> -> vector<16xi32>
        %parallel_loop3A_244 = arith.constant -2147483648 : i32
        %parallel_loop3A_245 = vector.broadcast %parallel_loop3A_244 : i32 to vector<16xi32>
        %parallel_loop3A_246 = arith.cmpi uge, %parallel_loop3A_243, %parallel_loop3A_245 : vector<16xi32>
        %parallel_loop3A_247 = arith.constant dense<-1> : vector<16xi32>
        %parallel_loop3A_248 = arith.xori %parallel_loop3A_243, %parallel_loop3A_247 : vector<16xi32>
        %parallel_loop3A_249 = arith.constant -2147483648 : i32
        %parallel_loop3A_250 = vector.broadcast %parallel_loop3A_249 : i32 to vector<16xi32>
        %parallel_loop3A_251 = arith.ori %parallel_loop3A_243, %parallel_loop3A_250 : vector<16xi32>
        %parallel_loop3A_252 = arith.select %parallel_loop3A_246, %parallel_loop3A_248, %parallel_loop3A_251 : vector<16xi1>, vector<16xi32>
        %parallel_loop3A_253 = arith.constant 24 : i32
        %parallel_loop3A_254 = vector.broadcast %parallel_loop3A_253 : i32 to vector<16xi32>
        %parallel_loop3A_255 = arith.shrui %parallel_loop3A_252, %parallel_loop3A_254 : vector<16xi32>
        %parallel_loop3A_256 = arith.constant 255 : i32
        %parallel_loop3A_257 = vector.broadcast %parallel_loop3A_256 : i32 to vector<16xi32>
        %parallel_loop3A_258 = arith.andi %parallel_loop3A_255, %parallel_loop3A_257 : vector<16xi32>
        %parallel_loop3A_259 = arith.constant 5 : i32
        %parallel_loop3A_260 = arith.constant 0 : i32
        %parallel_loop3A_261 = arith.cmpi eq, %parallel_loop3A_259, %parallel_loop3A_260 : i32
        %parallel_loop3A_262 = arith.constant 1 : i32
        %parallel_loop3A_263 = arith.select %parallel_loop3A_261, %parallel_loop3A_262, %parallel_loop3A_259 : i32
        %parallel_loop3A_264 = arith.remsi %parallel_loop3A_238, %parallel_loop3A_263 : i32
        %parallel_loop3A_265 = arith.constant 0 : i32
        %parallel_loop3A_266 = arith.cmpi ne, %parallel_loop3A_264, %parallel_loop3A_265 : i32
        %parallel_loop3A_267 = arith.constant 0 : i32
        %parallel_loop3A_268 = arith.cmpi slt, %parallel_loop3A_264, %parallel_loop3A_267 : i32
        %parallel_loop3A_269 = arith.constant 0 : i32
        %parallel_loop3A_270 = arith.cmpi slt, %parallel_loop3A_263, %parallel_loop3A_269 : i32
        %parallel_loop3A_271 = arith.xori %parallel_loop3A_268, %parallel_loop3A_270 : i1
        %parallel_loop3A_272 = arith.andi %parallel_loop3A_271, %parallel_loop3A_266 : i1
        %parallel_loop3A_273 = arith.addi %parallel_loop3A_264, %parallel_loop3A_263 : i32
        %parallel_loop3A_274 = arith.select %parallel_loop3A_272, %parallel_loop3A_273, %parallel_loop3A_264 : i32
        %parallel_loop3A_275 = arith.constant 4096 : i32
        %parallel_loop3A_276 = arith.muli %parallel_loop3A_274, %parallel_loop3A_275 : i32
        %parallel_loop3A_277 = arith.constant 16 : i32
        %parallel_loop3A_278 = vector.broadcast %parallel_loop3A_277 : i32 to vector<16xi32>
        %parallel_loop3A_279 = arith.muli %parallel_loop3A_258, %parallel_loop3A_278 : vector<16xi32>
        %parallel_loop3A_280 = vector.broadcast %parallel_loop3A_276 : i32 to vector<16xi32>
        %parallel_loop3A_281 = arith.addi %parallel_loop3A_280, %parallel_loop3A_279 : vector<16xi32>
        %parallel_loop3A_282 = arith.addi %parallel_loop3A_281, %iota3A : vector<16xi32>
        tpu.vector_store_idx %arg5[%parallel_loop3A_282], %broadcast_in_dim3A_1 {add = true} : memref<20480xi32, #tpu.memory_space<vmem>>[vector<16xi32>], vector<16xi32>,
      } {sc.loop_unroll_factor = 5 : i64, sc.parallel_access}
      %add3A_47 = arith.constant 40000 : i32
      %add3A_48 = arith.addi %mul3A_20, %add3A_47 : i32
      %dma_start3A_49 = arith.constant 40000 : i32
      %dma_start3A_50 = tpu.memref_slice %arg4[%dma_start3A_49] : memref<100000xf32, #tpu.memory_space<vmem>> -> memref<20000xf32, #tpu.memory_space<vmem>>
      %dma_start3A_51 = tpu.memref_slice %arg2[%add3A_48] : memref<12800000xf32, #tpu.memory_space<hbm>> -> memref<20000xf32, #tpu.memory_space<hbm>>
      %dma_start3A_52 = arith.constant 40000 : i32
      %dma_start3A_53 = tpu.memref_slice %arg4[%dma_start3A_52] : memref<100000xf32, #tpu.memory_space<vmem>> -> memref<20000xf32, #tpu.memory_space<vmem>>
      %dma_start3A_54 = tpu.memref_slice %arg2[%add3A_48] : memref<12800000xf32, #tpu.memory_space<hbm>> -> memref<20000xf32, #tpu.memory_space<hbm>>
      tpu.enqueue_dma source(%dma_start3A_54 : memref<20000xf32, #tpu.memory_space<hbm>>) target(%dma_start3A_53 : memref<20000xf32, #tpu.memory_space<vmem>>) target_semaphore(%arg8 : memref<!tpu.dma_semaphore, #tpu.memory_space<semaphore_mem>>)
      %dma_wait3A_55 = arith.constant 20000 : i32
      %dma_wait3A_56 = tpu.memref_slice %arg4[%dma_wait3A_55] : memref<100000xf32, #tpu.memory_space<vmem>> -> memref<20000xf32, #tpu.memory_space<vmem>>
      %dma_wait3A_57 = tpu.memref_slice %arg2[%add3A_32] : memref<12800000xf32, #tpu.memory_space<hbm>> -> memref<20000xf32, #tpu.memory_space<hbm>>
      %dma_wait3A_58 = arith.constant 20000 : i32
      %dma_wait3A_59 = tpu.memref_slice %arg4[%dma_wait3A_58] : memref<100000xf32, #tpu.memory_space<vmem>> -> memref<20000xf32, #tpu.memory_space<vmem>>
      %dma_wait3A_60 = tpu.memref_slice %arg2[%add3A_32] : memref<12800000xf32, #tpu.memory_space<hbm>> -> memref<20000xf32, #tpu.memory_space<hbm>>
      tpu.wait_dma2 semaphore(%arg9 : memref<!tpu.dma_semaphore, #tpu.memory_space<semaphore_mem>>) src(%dma_wait3A_60 : memref<20000xf32, #tpu.memory_space<hbm>>) dst(%dma_wait3A_59 : memref<20000xf32, #tpu.memory_space<vmem>>)
      %parallel_loop3A_61 = arith.constant 1250 : i32
      %parallel_loop3A_62 = arith.constant 2500 : i32
      %parallel_loop3A_63 = arith.constant 1 : i32
      scf.for %parallel_loop3A_238 = %parallel_loop3A_61 to %parallel_loop3A_62 step %parallel_loop3A_63  : i32 {
        %parallel_loop3A_239 = arith.constant 16 : i32
        %parallel_loop3A_240 = arith.muli %parallel_loop3A_238, %parallel_loop3A_239 : i32
        %parallel_loop3A_241 = arith.index_cast %parallel_loop3A_240 : i32 to index
        %parallel_loop3A_242 = tpu.vector_load %arg4[%parallel_loop3A_241] {strides = array<i32>} : memref<100000xf32, #tpu.memory_space<vmem>>, vector<16xf32>,
        %parallel_loop3A_243 = tpu.bitcast %parallel_loop3A_242 : vector<16xf32> -> vector<16xi32>
        %parallel_loop3A_244 = arith.constant -2147483648 : i32
        %parallel_loop3A_245 = vector.broadcast %parallel_loop3A_244 : i32 to vector<16xi32>
        %parallel_loop3A_246 = arith.cmpi uge, %parallel_loop3A_243, %parallel_loop3A_245 : vector<16xi32>
        %parallel_loop3A_247 = arith.constant dense<-1> : vector<16xi32>
        %parallel_loop3A_248 = arith.xori %parallel_loop3A_243, %parallel_loop3A_247 : vector<16xi32>
        %parallel_loop3A_249 = arith.constant -2147483648 : i32
        %parallel_loop3A_250 = vector.broadcast %parallel_loop3A_249 : i32 to vector<16xi32>
        %parallel_loop3A_251 = arith.ori %parallel_loop3A_243, %parallel_loop3A_250 : vector<16xi32>
        %parallel_loop3A_252 = arith.select %parallel_loop3A_246, %parallel_loop3A_248, %parallel_loop3A_251 : vector<16xi1>, vector<16xi32>
        %parallel_loop3A_253 = arith.constant 24 : i32
        %parallel_loop3A_254 = vector.broadcast %parallel_loop3A_253 : i32 to vector<16xi32>
        %parallel_loop3A_255 = arith.shrui %parallel_loop3A_252, %parallel_loop3A_254 : vector<16xi32>
        %parallel_loop3A_256 = arith.constant 255 : i32
        %parallel_loop3A_257 = vector.broadcast %parallel_loop3A_256 : i32 to vector<16xi32>
        %parallel_loop3A_258 = arith.andi %parallel_loop3A_255, %parallel_loop3A_257 : vector<16xi32>
        %parallel_loop3A_259 = arith.constant 5 : i32
        %parallel_loop3A_260 = arith.constant 0 : i32
        %parallel_loop3A_261 = arith.cmpi eq, %parallel_loop3A_259, %parallel_loop3A_260 : i32
        %parallel_loop3A_262 = arith.constant 1 : i32
        %parallel_loop3A_263 = arith.select %parallel_loop3A_261, %parallel_loop3A_262, %parallel_loop3A_259 : i32
        %parallel_loop3A_264 = arith.remsi %parallel_loop3A_238, %parallel_loop3A_263 : i32
        %parallel_loop3A_265 = arith.constant 0 : i32
        %parallel_loop3A_266 = arith.cmpi ne, %parallel_loop3A_264, %parallel_loop3A_265 : i32
        %parallel_loop3A_267 = arith.constant 0 : i32
        %parallel_loop3A_268 = arith.cmpi slt, %parallel_loop3A_264, %parallel_loop3A_267 : i32
        %parallel_loop3A_269 = arith.constant 0 : i32
        %parallel_loop3A_270 = arith.cmpi slt, %parallel_loop3A_263, %parallel_loop3A_269 : i32
        %parallel_loop3A_271 = arith.xori %parallel_loop3A_268, %parallel_loop3A_270 : i1
        %parallel_loop3A_272 = arith.andi %parallel_loop3A_271, %parallel_loop3A_266 : i1
        %parallel_loop3A_273 = arith.addi %parallel_loop3A_264, %parallel_loop3A_263 : i32
        %parallel_loop3A_274 = arith.select %parallel_loop3A_272, %parallel_loop3A_273, %parallel_loop3A_264 : i32
        %parallel_loop3A_275 = arith.constant 4096 : i32
        %parallel_loop3A_276 = arith.muli %parallel_loop3A_274, %parallel_loop3A_275 : i32
        %parallel_loop3A_277 = arith.constant 16 : i32
        %parallel_loop3A_278 = vector.broadcast %parallel_loop3A_277 : i32 to vector<16xi32>
        %parallel_loop3A_279 = arith.muli %parallel_loop3A_258, %parallel_loop3A_278 : vector<16xi32>
        %parallel_loop3A_280 = vector.broadcast %parallel_loop3A_276 : i32 to vector<16xi32>
        %parallel_loop3A_281 = arith.addi %parallel_loop3A_280, %parallel_loop3A_279 : vector<16xi32>
        %parallel_loop3A_282 = arith.addi %parallel_loop3A_281, %iota3A : vector<16xi32>
        tpu.vector_store_idx %arg5[%parallel_loop3A_282], %broadcast_in_dim3A_1 {add = true} : memref<20480xi32, #tpu.memory_space<vmem>>[vector<16xi32>], vector<16xi32>,
      } {sc.loop_unroll_factor = 5 : i64, sc.parallel_access}
      %add3A_64 = arith.constant 60000 : i32
      %add3A_65 = arith.addi %mul3A_20, %add3A_64 : i32
      %dma_start3A_66 = arith.constant 60000 : i32
      %dma_start3A_67 = tpu.memref_slice %arg4[%dma_start3A_66] : memref<100000xf32, #tpu.memory_space<vmem>> -> memref<20000xf32, #tpu.memory_space<vmem>>
      %dma_start3A_68 = tpu.memref_slice %arg2[%add3A_65] : memref<12800000xf32, #tpu.memory_space<hbm>> -> memref<20000xf32, #tpu.memory_space<hbm>>
      %dma_start3A_69 = arith.constant 60000 : i32
      %dma_start3A_70 = tpu.memref_slice %arg4[%dma_start3A_69] : memref<100000xf32, #tpu.memory_space<vmem>> -> memref<20000xf32, #tpu.memory_space<vmem>>
      %dma_start3A_71 = tpu.memref_slice %arg2[%add3A_65] : memref<12800000xf32, #tpu.memory_space<hbm>> -> memref<20000xf32, #tpu.memory_space<hbm>>
      tpu.enqueue_dma source(%dma_start3A_71 : memref<20000xf32, #tpu.memory_space<hbm>>) target(%dma_start3A_70 : memref<20000xf32, #tpu.memory_space<vmem>>) target_semaphore(%arg9 : memref<!tpu.dma_semaphore, #tpu.memory_space<semaphore_mem>>)
      %dma_wait3A_72 = arith.constant 40000 : i32
      %dma_wait3A_73 = tpu.memref_slice %arg4[%dma_wait3A_72] : memref<100000xf32, #tpu.memory_space<vmem>> -> memref<20000xf32, #tpu.memory_space<vmem>>
      %dma_wait3A_74 = tpu.memref_slice %arg2[%add3A_48] : memref<12800000xf32, #tpu.memory_space<hbm>> -> memref<20000xf32, #tpu.memory_space<hbm>>
      %dma_wait3A_75 = arith.constant 40000 : i32
      %dma_wait3A_76 = tpu.memref_slice %arg4[%dma_wait3A_75] : memref<100000xf32, #tpu.memory_space<vmem>> -> memref<20000xf32, #tpu.memory_space<vmem>>
      %dma_wait3A_77 = tpu.memref_slice %arg2[%add3A_48] : memref<12800000xf32, #tpu.memory_space<hbm>> -> memref<20000xf32, #tpu.memory_space<hbm>>
      tpu.wait_dma2 semaphore(%arg8 : memref<!tpu.dma_semaphore, #tpu.memory_space<semaphore_mem>>) src(%dma_wait3A_77 : memref<20000xf32, #tpu.memory_space<hbm>>) dst(%dma_wait3A_76 : memref<20000xf32, #tpu.memory_space<vmem>>)
      %parallel_loop3A_78 = arith.constant 2500 : i32
      %parallel_loop3A_79 = arith.constant 3750 : i32
      %parallel_loop3A_80 = arith.constant 1 : i32
      scf.for %parallel_loop3A_238 = %parallel_loop3A_78 to %parallel_loop3A_79 step %parallel_loop3A_80  : i32 {
        %parallel_loop3A_239 = arith.constant 16 : i32
        %parallel_loop3A_240 = arith.muli %parallel_loop3A_238, %parallel_loop3A_239 : i32
        %parallel_loop3A_241 = arith.index_cast %parallel_loop3A_240 : i32 to index
        %parallel_loop3A_242 = tpu.vector_load %arg4[%parallel_loop3A_241] {strides = array<i32>} : memref<100000xf32, #tpu.memory_space<vmem>>, vector<16xf32>,
        %parallel_loop3A_243 = tpu.bitcast %parallel_loop3A_242 : vector<16xf32> -> vector<16xi32>
        %parallel_loop3A_244 = arith.constant -2147483648 : i32
        %parallel_loop3A_245 = vector.broadcast %parallel_loop3A_244 : i32 to vector<16xi32>
        %parallel_loop3A_246 = arith.cmpi uge, %parallel_loop3A_243, %parallel_loop3A_245 : vector<16xi32>
        %parallel_loop3A_247 = arith.constant dense<-1> : vector<16xi32>
        %parallel_loop3A_248 = arith.xori %parallel_loop3A_243, %parallel_loop3A_247 : vector<16xi32>
        %parallel_loop3A_249 = arith.constant -2147483648 : i32
        %parallel_loop3A_250 = vector.broadcast %parallel_loop3A_249 : i32 to vector<16xi32>
        %parallel_loop3A_251 = arith.ori %parallel_loop3A_243, %parallel_loop3A_250 : vector<16xi32>
        %parallel_loop3A_252 = arith.select %parallel_loop3A_246, %parallel_loop3A_248, %parallel_loop3A_251 : vector<16xi1>, vector<16xi32>
        %parallel_loop3A_253 = arith.constant 24 : i32
        %parallel_loop3A_254 = vector.broadcast %parallel_loop3A_253 : i32 to vector<16xi32>
        %parallel_loop3A_255 = arith.shrui %parallel_loop3A_252, %parallel_loop3A_254 : vector<16xi32>
        %parallel_loop3A_256 = arith.constant 255 : i32
        %parallel_loop3A_257 = vector.broadcast %parallel_loop3A_256 : i32 to vector<16xi32>
        %parallel_loop3A_258 = arith.andi %parallel_loop3A_255, %parallel_loop3A_257 : vector<16xi32>
        %parallel_loop3A_259 = arith.constant 5 : i32
        %parallel_loop3A_260 = arith.constant 0 : i32
        %parallel_loop3A_261 = arith.cmpi eq, %parallel_loop3A_259, %parallel_loop3A_260 : i32
        %parallel_loop3A_262 = arith.constant 1 : i32
        %parallel_loop3A_263 = arith.select %parallel_loop3A_261, %parallel_loop3A_262, %parallel_loop3A_259 : i32
        %parallel_loop3A_264 = arith.remsi %parallel_loop3A_238, %parallel_loop3A_263 : i32
        %parallel_loop3A_265 = arith.constant 0 : i32
        %parallel_loop3A_266 = arith.cmpi ne, %parallel_loop3A_264, %parallel_loop3A_265 : i32
        %parallel_loop3A_267 = arith.constant 0 : i32
        %parallel_loop3A_268 = arith.cmpi slt, %parallel_loop3A_264, %parallel_loop3A_267 : i32
        %parallel_loop3A_269 = arith.constant 0 : i32
        %parallel_loop3A_270 = arith.cmpi slt, %parallel_loop3A_263, %parallel_loop3A_269 : i32
        %parallel_loop3A_271 = arith.xori %parallel_loop3A_268, %parallel_loop3A_270 : i1
        %parallel_loop3A_272 = arith.andi %parallel_loop3A_271, %parallel_loop3A_266 : i1
        %parallel_loop3A_273 = arith.addi %parallel_loop3A_264, %parallel_loop3A_263 : i32
        %parallel_loop3A_274 = arith.select %parallel_loop3A_272, %parallel_loop3A_273, %parallel_loop3A_264 : i32
        %parallel_loop3A_275 = arith.constant 4096 : i32
        %parallel_loop3A_276 = arith.muli %parallel_loop3A_274, %parallel_loop3A_275 : i32
        %parallel_loop3A_277 = arith.constant 16 : i32
        %parallel_loop3A_278 = vector.broadcast %parallel_loop3A_277 : i32 to vector<16xi32>
        %parallel_loop3A_279 = arith.muli %parallel_loop3A_258, %parallel_loop3A_278 : vector<16xi32>
        %parallel_loop3A_280 = vector.broadcast %parallel_loop3A_276 : i32 to vector<16xi32>
        %parallel_loop3A_281 = arith.addi %parallel_loop3A_280, %parallel_loop3A_279 : vector<16xi32>
        %parallel_loop3A_282 = arith.addi %parallel_loop3A_281, %iota3A : vector<16xi32>
        tpu.vector_store_idx %arg5[%parallel_loop3A_282], %broadcast_in_dim3A_1 {add = true} : memref<20480xi32, #tpu.memory_space<vmem>>[vector<16xi32>], vector<16xi32>,
      } {sc.loop_unroll_factor = 5 : i64, sc.parallel_access}
      %add3A_81 = arith.constant 80000 : i32
      %add3A_82 = arith.addi %mul3A_20, %add3A_81 : i32
      %dma_start3A_83 = arith.constant 80000 : i32
      %dma_start3A_84 = tpu.memref_slice %arg4[%dma_start3A_83] : memref<100000xf32, #tpu.memory_space<vmem>> -> memref<20000xf32, #tpu.memory_space<vmem>>
      %dma_start3A_85 = tpu.memref_slice %arg2[%add3A_82] : memref<12800000xf32, #tpu.memory_space<hbm>> -> memref<20000xf32, #tpu.memory_space<hbm>>
      %dma_start3A_86 = arith.constant 80000 : i32
      %dma_start3A_87 = tpu.memref_slice %arg4[%dma_start3A_86] : memref<100000xf32, #tpu.memory_space<vmem>> -> memref<20000xf32, #tpu.memory_space<vmem>>
      %dma_start3A_88 = tpu.memref_slice %arg2[%add3A_82] : memref<12800000xf32, #tpu.memory_space<hbm>> -> memref<20000xf32, #tpu.memory_space<hbm>>
      tpu.enqueue_dma source(%dma_start3A_88 : memref<20000xf32, #tpu.memory_space<hbm>>) target(%dma_start3A_87 : memref<20000xf32, #tpu.memory_space<vmem>>) target_semaphore(%arg8 : memref<!tpu.dma_semaphore, #tpu.memory_space<semaphore_mem>>)
      %dma_wait3A_89 = arith.constant 60000 : i32
      %dma_wait3A_90 = tpu.memref_slice %arg4[%dma_wait3A_89] : memref<100000xf32, #tpu.memory_space<vmem>> -> memref<20000xf32, #tpu.memory_space<vmem>>
      %dma_wait3A_91 = tpu.memref_slice %arg2[%add3A_65] : memref<12800000xf32, #tpu.memory_space<hbm>> -> memref<20000xf32, #tpu.memory_space<hbm>>
      %dma_wait3A_92 = arith.constant 60000 : i32
      %dma_wait3A_93 = tpu.memref_slice %arg4[%dma_wait3A_92] : memref<100000xf32, #tpu.memory_space<vmem>> -> memref<20000xf32, #tpu.memory_space<vmem>>
      %dma_wait3A_94 = tpu.memref_slice %arg2[%add3A_65] : memref<12800000xf32, #tpu.memory_space<hbm>> -> memref<20000xf32, #tpu.memory_space<hbm>>
      tpu.wait_dma2 semaphore(%arg9 : memref<!tpu.dma_semaphore, #tpu.memory_space<semaphore_mem>>) src(%dma_wait3A_94 : memref<20000xf32, #tpu.memory_space<hbm>>) dst(%dma_wait3A_93 : memref<20000xf32, #tpu.memory_space<vmem>>)
      %parallel_loop3A_95 = arith.constant 3750 : i32
      %parallel_loop3A_96 = arith.constant 5000 : i32
      %parallel_loop3A_97 = arith.constant 1 : i32
      scf.for %parallel_loop3A_238 = %parallel_loop3A_95 to %parallel_loop3A_96 step %parallel_loop3A_97  : i32 {
        %parallel_loop3A_239 = arith.constant 16 : i32
        %parallel_loop3A_240 = arith.muli %parallel_loop3A_238, %parallel_loop3A_239 : i32
        %parallel_loop3A_241 = arith.index_cast %parallel_loop3A_240 : i32 to index
        %parallel_loop3A_242 = tpu.vector_load %arg4[%parallel_loop3A_241] {strides = array<i32>} : memref<100000xf32, #tpu.memory_space<vmem>>, vector<16xf32>,
        %parallel_loop3A_243 = tpu.bitcast %parallel_loop3A_242 : vector<16xf32> -> vector<16xi32>
        %parallel_loop3A_244 = arith.constant -2147483648 : i32
        %parallel_loop3A_245 = vector.broadcast %parallel_loop3A_244 : i32 to vector<16xi32>
        %parallel_loop3A_246 = arith.cmpi uge, %parallel_loop3A_243, %parallel_loop3A_245 : vector<16xi32>
        %parallel_loop3A_247 = arith.constant dense<-1> : vector<16xi32>
        %parallel_loop3A_248 = arith.xori %parallel_loop3A_243, %parallel_loop3A_247 : vector<16xi32>
        %parallel_loop3A_249 = arith.constant -2147483648 : i32
        %parallel_loop3A_250 = vector.broadcast %parallel_loop3A_249 : i32 to vector<16xi32>
        %parallel_loop3A_251 = arith.ori %parallel_loop3A_243, %parallel_loop3A_250 : vector<16xi32>
        %parallel_loop3A_252 = arith.select %parallel_loop3A_246, %parallel_loop3A_248, %parallel_loop3A_251 : vector<16xi1>, vector<16xi32>
        %parallel_loop3A_253 = arith.constant 24 : i32
        %parallel_loop3A_254 = vector.broadcast %parallel_loop3A_253 : i32 to vector<16xi32>
        %parallel_loop3A_255 = arith.shrui %parallel_loop3A_252, %parallel_loop3A_254 : vector<16xi32>
        %parallel_loop3A_256 = arith.constant 255 : i32
        %parallel_loop3A_257 = vector.broadcast %parallel_loop3A_256 : i32 to vector<16xi32>
        %parallel_loop3A_258 = arith.andi %parallel_loop3A_255, %parallel_loop3A_257 : vector<16xi32>
        %parallel_loop3A_259 = arith.constant 5 : i32
        %parallel_loop3A_260 = arith.constant 0 : i32
        %parallel_loop3A_261 = arith.cmpi eq, %parallel_loop3A_259, %parallel_loop3A_260 : i32
        %parallel_loop3A_262 = arith.constant 1 : i32
        %parallel_loop3A_263 = arith.select %parallel_loop3A_261, %parallel_loop3A_262, %parallel_loop3A_259 : i32
        %parallel_loop3A_264 = arith.remsi %parallel_loop3A_238, %parallel_loop3A_263 : i32
        %parallel_loop3A_265 = arith.constant 0 : i32
        %parallel_loop3A_266 = arith.cmpi ne, %parallel_loop3A_264, %parallel_loop3A_265 : i32
        %parallel_loop3A_267 = arith.constant 0 : i32
        %parallel_loop3A_268 = arith.cmpi slt, %parallel_loop3A_264, %parallel_loop3A_267 : i32
        %parallel_loop3A_269 = arith.constant 0 : i32
        %parallel_loop3A_270 = arith.cmpi slt, %parallel_loop3A_263, %parallel_loop3A_269 : i32
        %parallel_loop3A_271 = arith.xori %parallel_loop3A_268, %parallel_loop3A_270 : i1
        %parallel_loop3A_272 = arith.andi %parallel_loop3A_271, %parallel_loop3A_266 : i1
        %parallel_loop3A_273 = arith.addi %parallel_loop3A_264, %parallel_loop3A_263 : i32
        %parallel_loop3A_274 = arith.select %parallel_loop3A_272, %parallel_loop3A_273, %parallel_loop3A_264 : i32
        %parallel_loop3A_275 = arith.constant 4096 : i32
        %parallel_loop3A_276 = arith.muli %parallel_loop3A_274, %parallel_loop3A_275 : i32
        %parallel_loop3A_277 = arith.constant 16 : i32
        %parallel_loop3A_278 = vector.broadcast %parallel_loop3A_277 : i32 to vector<16xi32>
        %parallel_loop3A_279 = arith.muli %parallel_loop3A_258, %parallel_loop3A_278 : vector<16xi32>
        %parallel_loop3A_280 = vector.broadcast %parallel_loop3A_276 : i32 to vector<16xi32>
        %parallel_loop3A_281 = arith.addi %parallel_loop3A_280, %parallel_loop3A_279 : vector<16xi32>
        %parallel_loop3A_282 = arith.addi %parallel_loop3A_281, %iota3A : vector<16xi32>
        tpu.vector_store_idx %arg5[%parallel_loop3A_282], %broadcast_in_dim3A_1 {add = true} : memref<20480xi32, #tpu.memory_space<vmem>>[vector<16xi32>], vector<16xi32>,
      } {sc.loop_unroll_factor = 5 : i64, sc.parallel_access}
      %dma_wait3A_98 = arith.constant 80000 : i32
      %dma_wait3A_99 = tpu.memref_slice %arg4[%dma_wait3A_98] : memref<100000xf32, #tpu.memory_space<vmem>> -> memref<20000xf32, #tpu.memory_space<vmem>>
      %dma_wait3A_100 = tpu.memref_slice %arg2[%add3A_82] : memref<12800000xf32, #tpu.memory_space<hbm>> -> memref<20000xf32, #tpu.memory_space<hbm>>
      %dma_wait3A_101 = arith.constant 80000 : i32
      %dma_wait3A_102 = tpu.memref_slice %arg4[%dma_wait3A_101] : memref<100000xf32, #tpu.memory_space<vmem>> -> memref<20000xf32, #tpu.memory_space<vmem>>
      %dma_wait3A_103 = tpu.memref_slice %arg2[%add3A_82] : memref<12800000xf32, #tpu.memory_space<hbm>> -> memref<20000xf32, #tpu.memory_space<hbm>>
      tpu.wait_dma2 semaphore(%arg8 : memref<!tpu.dma_semaphore, #tpu.memory_space<semaphore_mem>>) src(%dma_wait3A_103 : memref<20000xf32, #tpu.memory_space<hbm>>) dst(%dma_wait3A_102 : memref<20000xf32, #tpu.memory_space<vmem>>)
      %parallel_loop3A_104 = arith.constant 5000 : i32
      %parallel_loop3A_105 = arith.constant 6250 : i32
      %parallel_loop3A_106 = arith.constant 1 : i32
      scf.for %parallel_loop3A_238 = %parallel_loop3A_104 to %parallel_loop3A_105 step %parallel_loop3A_106  : i32 {
        %parallel_loop3A_239 = arith.constant 16 : i32
        %parallel_loop3A_240 = arith.muli %parallel_loop3A_238, %parallel_loop3A_239 : i32
        %parallel_loop3A_241 = arith.index_cast %parallel_loop3A_240 : i32 to index
        %parallel_loop3A_242 = tpu.vector_load %arg4[%parallel_loop3A_241] {strides = array<i32>} : memref<100000xf32, #tpu.memory_space<vmem>>, vector<16xf32>,
        %parallel_loop3A_243 = tpu.bitcast %parallel_loop3A_242 : vector<16xf32> -> vector<16xi32>
        %parallel_loop3A_244 = arith.constant -2147483648 : i32
        %parallel_loop3A_245 = vector.broadcast %parallel_loop3A_244 : i32 to vector<16xi32>
        %parallel_loop3A_246 = arith.cmpi uge, %parallel_loop3A_243, %parallel_loop3A_245 : vector<16xi32>
        %parallel_loop3A_247 = arith.constant dense<-1> : vector<16xi32>
        %parallel_loop3A_248 = arith.xori %parallel_loop3A_243, %parallel_loop3A_247 : vector<16xi32>
        %parallel_loop3A_249 = arith.constant -2147483648 : i32
        %parallel_loop3A_250 = vector.broadcast %parallel_loop3A_249 : i32 to vector<16xi32>
        %parallel_loop3A_251 = arith.ori %parallel_loop3A_243, %parallel_loop3A_250 : vector<16xi32>
        %parallel_loop3A_252 = arith.select %parallel_loop3A_246, %parallel_loop3A_248, %parallel_loop3A_251 : vector<16xi1>, vector<16xi32>
        %parallel_loop3A_253 = arith.constant 24 : i32
        %parallel_loop3A_254 = vector.broadcast %parallel_loop3A_253 : i32 to vector<16xi32>
        %parallel_loop3A_255 = arith.shrui %parallel_loop3A_252, %parallel_loop3A_254 : vector<16xi32>
        %parallel_loop3A_256 = arith.constant 255 : i32
        %parallel_loop3A_257 = vector.broadcast %parallel_loop3A_256 : i32 to vector<16xi32>
        %parallel_loop3A_258 = arith.andi %parallel_loop3A_255, %parallel_loop3A_257 : vector<16xi32>
        %parallel_loop3A_259 = arith.constant 5 : i32
        %parallel_loop3A_260 = arith.constant 0 : i32
        %parallel_loop3A_261 = arith.cmpi eq, %parallel_loop3A_259, %parallel_loop3A_260 : i32
        %parallel_loop3A_262 = arith.constant 1 : i32
        %parallel_loop3A_263 = arith.select %parallel_loop3A_261, %parallel_loop3A_262, %parallel_loop3A_259 : i32
        %parallel_loop3A_264 = arith.remsi %parallel_loop3A_238, %parallel_loop3A_263 : i32
        %parallel_loop3A_265 = arith.constant 0 : i32
        %parallel_loop3A_266 = arith.cmpi ne, %parallel_loop3A_264, %parallel_loop3A_265 : i32
        %parallel_loop3A_267 = arith.constant 0 : i32
        %parallel_loop3A_268 = arith.cmpi slt, %parallel_loop3A_264, %parallel_loop3A_267 : i32
        %parallel_loop3A_269 = arith.constant 0 : i32
        %parallel_loop3A_270 = arith.cmpi slt, %parallel_loop3A_263, %parallel_loop3A_269 : i32
        %parallel_loop3A_271 = arith.xori %parallel_loop3A_268, %parallel_loop3A_270 : i1
        %parallel_loop3A_272 = arith.andi %parallel_loop3A_271, %parallel_loop3A_266 : i1
        %parallel_loop3A_273 = arith.addi %parallel_loop3A_264, %parallel_loop3A_263 : i32
        %parallel_loop3A_274 = arith.select %parallel_loop3A_272, %parallel_loop3A_273, %parallel_loop3A_264 : i32
        %parallel_loop3A_275 = arith.constant 4096 : i32
        %parallel_loop3A_276 = arith.muli %parallel_loop3A_274, %parallel_loop3A_275 : i32
        %parallel_loop3A_277 = arith.constant 16 : i32
        %parallel_loop3A_278 = vector.broadcast %parallel_loop3A_277 : i32 to vector<16xi32>
        %parallel_loop3A_279 = arith.muli %parallel_loop3A_258, %parallel_loop3A_278 : vector<16xi32>
        %parallel_loop3A_280 = vector.broadcast %parallel_loop3A_276 : i32 to vector<16xi32>
        %parallel_loop3A_281 = arith.addi %parallel_loop3A_280, %parallel_loop3A_279 : vector<16xi32>
        %parallel_loop3A_282 = arith.addi %parallel_loop3A_281, %iota3A : vector<16xi32>
        tpu.vector_store_idx %arg5[%parallel_loop3A_282], %broadcast_in_dim3A_1 {add = true} : memref<20480xi32, #tpu.memory_space<vmem>>[vector<16xi32>], vector<16xi32>,
      } {sc.loop_unroll_factor = 5 : i64, sc.parallel_access}
      %parallel_loop3A_107 = arith.constant 0 : i32
      %parallel_loop3A_108 = arith.constant 256 : i32
      %parallel_loop3A_109 = arith.constant 1 : i32
      scf.for %parallel_loop3A_238 = %parallel_loop3A_107 to %parallel_loop3A_108 step %parallel_loop3A_109  : i32 {
        %parallel_loop3A_239 = arith.constant 16 : i32
        %parallel_loop3A_240 = arith.muli %parallel_loop3A_238, %parallel_loop3A_239 : i32
        %parallel_loop3A_241 = arith.index_cast %parallel_loop3A_240 : i32 to index
        %parallel_loop3A_242 = tpu.vector_load %arg5[%parallel_loop3A_241] {strides = array<i32>} : memref<20480xi32, #tpu.memory_space<vmem>>, vector<16xi32>,
        %parallel_loop3A_243 = arith.constant 16 : i32
        %parallel_loop3A_244 = arith.muli %parallel_loop3A_238, %parallel_loop3A_243 : i32
        %parallel_loop3A_245 = arith.index_cast %parallel_loop3A_244 : i32 to index
        %parallel_loop3A_246 = tpu.vector_load %arg5[%parallel_loop3A_245] {strides = array<i32>} : memref<20480xi32, #tpu.memory_space<vmem>>, vector<16xi32>,
        tpu.vector_store %arg5[%parallel_loop3A_245], %broadcast_in_dim3A_3 {strides = array<i32>} : memref<20480xi32, #tpu.memory_space<vmem>>, vector<16xi32>,
        %parallel_loop3A_247 = arith.constant 16 : i32
        %parallel_loop3A_248 = arith.muli %parallel_loop3A_238, %parallel_loop3A_247 : i32
        %parallel_loop3A_249 = arith.constant 4096 : i32
        %parallel_loop3A_250 = arith.addi %parallel_loop3A_249, %parallel_loop3A_248 : i32
        %parallel_loop3A_251 = arith.index_cast %parallel_loop3A_250 : i32 to index
        %parallel_loop3A_252 = tpu.vector_load %arg5[%parallel_loop3A_251] {strides = array<i32>} : memref<20480xi32, #tpu.memory_space<vmem>>, vector<16xi32>,
        %parallel_loop3A_253 = arith.addi %parallel_loop3A_242, %parallel_loop3A_252 : vector<16xi32>
        %parallel_loop3A_254 = arith.constant 16 : i32
        %parallel_loop3A_255 = arith.muli %parallel_loop3A_238, %parallel_loop3A_254 : i32
        %parallel_loop3A_256 = arith.constant 4096 : i32
        %parallel_loop3A_257 = arith.addi %parallel_loop3A_256, %parallel_loop3A_255 : i32
        %parallel_loop3A_258 = arith.index_cast %parallel_loop3A_257 : i32 to index
        %parallel_loop3A_259 = tpu.vector_load %arg5[%parallel_loop3A_258] {strides = array<i32>} : memref<20480xi32, #tpu.memory_space<vmem>>, vector<16xi32>,
        tpu.vector_store %arg5[%parallel_loop3A_258], %broadcast_in_dim3A_3 {strides = array<i32>} : memref<20480xi32, #tpu.memory_space<vmem>>, vector<16xi32>,
        %parallel_loop3A_260 = arith.constant 16 : i32
        %parallel_loop3A_261 = arith.muli %parallel_loop3A_238, %parallel_loop3A_260 : i32
        %parallel_loop3A_262 = arith.constant 8192 : i32
        %parallel_loop3A_263 = arith.addi %parallel_loop3A_262, %parallel_loop3A_261 : i32
        %parallel_loop3A_264 = arith.index_cast %parallel_loop3A_263 : i32 to index
        %parallel_loop3A_265 = tpu.vector_load %arg5[%parallel_loop3A_264] {strides = array<i32>} : memref<20480xi32, #tpu.memory_space<vmem>>, vector<16xi32>,
        %parallel_loop3A_266 = arith.addi %parallel_loop3A_253, %parallel_loop3A_265 : vector<16xi32>
        %parallel_loop3A_267 = arith.constant 16 : i32
        %parallel_loop3A_268 = arith.muli %parallel_loop3A_238, %parallel_loop3A_267 : i32
        %parallel_loop3A_269 = arith.constant 8192 : i32
        %parallel_loop3A_270 = arith.addi %parallel_loop3A_269, %parallel_loop3A_268 : i32
        %parallel_loop3A_271 = arith.index_cast %parallel_loop3A_270 : i32 to index
        %parallel_loop3A_272 = tpu.vector_load %arg5[%parallel_loop3A_271] {strides = array<i32>} : memref<20480xi32, #tpu.memory_space<vmem>>, vector<16xi32>,
        tpu.vector_store %arg5[%parallel_loop3A_271], %broadcast_in_dim3A_3 {strides = array<i32>} : memref<20480xi32, #tpu.memory_space<vmem>>, vector<16xi32>,
        %parallel_loop3A_273 = arith.constant 16 : i32
        %parallel_loop3A_274 = arith.muli %parallel_loop3A_238, %parallel_loop3A_273 : i32
        %parallel_loop3A_275 = arith.constant 12288 : i32
        %parallel_loop3A_276 = arith.addi %parallel_loop3A_275, %parallel_loop3A_274 : i32
        %parallel_loop3A_277 = arith.index_cast %parallel_loop3A_276 : i32 to index
        %parallel_loop3A_278 = tpu.vector_load %arg5[%parallel_loop3A_277] {strides = array<i32>} : memref<20480xi32, #tpu.memory_space<vmem>>, vector<16xi32>,
        %parallel_loop3A_279 = arith.addi %parallel_loop3A_266, %parallel_loop3A_278 : vector<16xi32>
        %parallel_loop3A_280 = arith.constant 16 : i32
        %parallel_loop3A_281 = arith.muli %parallel_loop3A_238, %parallel_loop3A_280 : i32
        %parallel_loop3A_282 = arith.constant 12288 : i32
        %parallel_loop3A_283 = arith.addi %parallel_loop3A_282, %parallel_loop3A_281 : i32
        %parallel_loop3A_284 = arith.index_cast %parallel_loop3A_283 : i32 to index
        %parallel_loop3A_285 = tpu.vector_load %arg5[%parallel_loop3A_284] {strides = array<i32>} : memref<20480xi32, #tpu.memory_space<vmem>>, vector<16xi32>,
        tpu.vector_store %arg5[%parallel_loop3A_284], %broadcast_in_dim3A_3 {strides = array<i32>} : memref<20480xi32, #tpu.memory_space<vmem>>, vector<16xi32>,
        %parallel_loop3A_286 = arith.constant 16 : i32
        %parallel_loop3A_287 = arith.muli %parallel_loop3A_238, %parallel_loop3A_286 : i32
        %parallel_loop3A_288 = arith.constant 16384 : i32
        %parallel_loop3A_289 = arith.addi %parallel_loop3A_288, %parallel_loop3A_287 : i32
        %parallel_loop3A_290 = arith.index_cast %parallel_loop3A_289 : i32 to index
        %parallel_loop3A_291 = tpu.vector_load %arg5[%parallel_loop3A_290] {strides = array<i32>} : memref<20480xi32, #tpu.memory_space<vmem>>, vector<16xi32>,
        %parallel_loop3A_292 = arith.addi %parallel_loop3A_279, %parallel_loop3A_291 : vector<16xi32>
        %parallel_loop3A_293 = arith.constant 16 : i32
        %parallel_loop3A_294 = arith.muli %parallel_loop3A_238, %parallel_loop3A_293 : i32
        %parallel_loop3A_295 = arith.constant 16384 : i32
        %parallel_loop3A_296 = arith.addi %parallel_loop3A_295, %parallel_loop3A_294 : i32
        %parallel_loop3A_297 = arith.index_cast %parallel_loop3A_296 : i32 to index
        %parallel_loop3A_298 = tpu.vector_load %arg5[%parallel_loop3A_297] {strides = array<i32>} : memref<20480xi32, #tpu.memory_space<vmem>>, vector<16xi32>,
        tpu.vector_store %arg5[%parallel_loop3A_297], %broadcast_in_dim3A_3 {strides = array<i32>} : memref<20480xi32, #tpu.memory_space<vmem>>, vector<16xi32>,
        %parallel_loop3A_299 = arith.constant 16 : i32
        %parallel_loop3A_300 = arith.muli %parallel_loop3A_238, %parallel_loop3A_299 : i32
        %parallel_loop3A_301 = arith.index_cast %parallel_loop3A_300 : i32 to index
        %parallel_loop3A_302 = tpu.vector_load %arg6[%parallel_loop3A_301] {strides = array<i32>} : memref<4096xi32, #tpu.memory_space<vmem>>, vector<16xi32>,
        tpu.vector_store %arg6[%parallel_loop3A_301], %parallel_loop3A_292 {strides = array<i32>} : memref<4096xi32, #tpu.memory_space<vmem>>, vector<16xi32>,
      } {sc.loop_unroll_factor = 4 : i64, sc.parallel_access}
      %lt3A = arith.cmpi slt, %broadcast_in_dim3A_3, %broadcast_in_dim3A_3 : vector<16xi32>
      %scan3A_110 = arith.constant 0 : i32
      %scan3A_111 = arith.constant 16 : i32
      %scan3A_112 = arith.addi %scan3A_110, %scan3A_111 : i32
      %scan3A_113 = arith.constant 1 : i32
      %scan3A_114:4 = scf.for %scan3A_238 = %scan3A_110 to %scan3A_112 step %scan3A_113 iter_args(%scan3A_239 = %broadcast_in_dim3A_3, %scan3A_240 = %lt3A, %scan3A_241 = %broadcast_in_dim3A_3, %scan3A_242 = %broadcast_in_dim3A_3) -> (vector<16xi32>, vector<16xi1>, vector<16xi32>, vector<16xi32>)  : i32 {
        %sub3A_243 = arith.constant 15 : i32
        %sub3A_244 = arith.subi %sub3A_243, %scan3A_238 : i32
        %mul3A_245 = arith.constant 256 : i32
        %mul3A_246 = arith.muli %sub3A_244, %mul3A_245 : i32
        %get3A = arith.index_cast %mul3A_246 : i32 to index
        %get3A_247 = tpu.vector_load %arg6[%get3A] {strides = array<i32>} : memref<4096xi32, #tpu.memory_space<vmem>>, vector<16xi32>,
        %mul3A_248 = arith.constant 256 : i32
        %mul3A_249 = arith.muli %sub3A_244, %mul3A_248 : i32
        %add3A_250 = arith.constant 16 : i32
        %add3A_251 = arith.addi %mul3A_249, %add3A_250 : i32
        %get3A_252 = arith.index_cast %add3A_251 : i32 to index
        %get3A_253 = tpu.vector_load %arg6[%get3A_252] {strides = array<i32>} : memref<4096xi32, #tpu.memory_space<vmem>>, vector<16xi32>,
        %add3A_254 = arith.addi %get3A_247, %get3A_253 : vector<16xi32>
        %mul3A_255 = arith.constant 256 : i32
        %mul3A_256 = arith.muli %sub3A_244, %mul3A_255 : i32
        %add3A_257 = arith.constant 32 : i32
        %add3A_258 = arith.addi %mul3A_256, %add3A_257 : i32
        %get3A_259 = arith.index_cast %add3A_258 : i32 to index
        %get3A_260 = tpu.vector_load %arg6[%get3A_259] {strides = array<i32>} : memref<4096xi32, #tpu.memory_space<vmem>>, vector<16xi32>,
        %add3A_261 = arith.addi %add3A_254, %get3A_260 : vector<16xi32>
        %mul3A_262 = arith.constant 256 : i32
        %mul3A_263 = arith.muli %sub3A_244, %mul3A_262 : i32
        %add3A_264 = arith.constant 48 : i32
        %add3A_265 = arith.addi %mul3A_263, %add3A_264 : i32
        %get3A_266 = arith.index_cast %add3A_265 : i32 to index
        %get3A_267 = tpu.vector_load %arg6[%get3A_266] {strides = array<i32>} : memref<4096xi32, #tpu.memory_space<vmem>>, vector<16xi32>,
        %add3A_268 = arith.addi %add3A_261, %get3A_267 : vector<16xi32>
        %mul3A_269 = arith.constant 256 : i32
        %mul3A_270 = arith.muli %sub3A_244, %mul3A_269 : i32
        %add3A_271 = arith.constant 64 : i32
        %add3A_272 = arith.addi %mul3A_270, %add3A_271 : i32
        %get3A_273 = arith.index_cast %add3A_272 : i32 to index
        %get3A_274 = tpu.vector_load %arg6[%get3A_273] {strides = array<i32>} : memref<4096xi32, #tpu.memory_space<vmem>>, vector<16xi32>,
        %add3A_275 = arith.addi %add3A_268, %get3A_274 : vector<16xi32>
        %mul3A_276 = arith.constant 256 : i32
        %mul3A_277 = arith.muli %sub3A_244, %mul3A_276 : i32
        %add3A_278 = arith.constant 80 : i32
        %add3A_279 = arith.addi %mul3A_277, %add3A_278 : i32
        %get3A_280 = arith.index_cast %add3A_279 : i32 to index
        %get3A_281 = tpu.vector_load %arg6[%get3A_280] {strides = array<i32>} : memref<4096xi32, #tpu.memory_space<vmem>>, vector<16xi32>,
        %add3A_282 = arith.addi %add3A_275, %get3A_281 : vector<16xi32>
        %mul3A_283 = arith.constant 256 : i32
        %mul3A_284 = arith.muli %sub3A_244, %mul3A_283 : i32
        %add3A_285 = arith.constant 96 : i32
        %add3A_286 = arith.addi %mul3A_284, %add3A_285 : i32
        %get3A_287 = arith.index_cast %add3A_286 : i32 to index
        %get3A_288 = tpu.vector_load %arg6[%get3A_287] {strides = array<i32>} : memref<4096xi32, #tpu.memory_space<vmem>>, vector<16xi32>,
        %add3A_289 = arith.addi %add3A_282, %get3A_288 : vector<16xi32>
        %mul3A_290 = arith.constant 256 : i32
        %mul3A_291 = arith.muli %sub3A_244, %mul3A_290 : i32
        %add3A_292 = arith.constant 112 : i32
        %add3A_293 = arith.addi %mul3A_291, %add3A_292 : i32
        %get3A_294 = arith.index_cast %add3A_293 : i32 to index
        %get3A_295 = tpu.vector_load %arg6[%get3A_294] {strides = array<i32>} : memref<4096xi32, #tpu.memory_space<vmem>>, vector<16xi32>,
        %add3A_296 = arith.addi %add3A_289, %get3A_295 : vector<16xi32>
        %mul3A_297 = arith.constant 256 : i32
        %mul3A_298 = arith.muli %sub3A_244, %mul3A_297 : i32
        %add3A_299 = arith.constant 128 : i32
        %add3A_300 = arith.addi %mul3A_298, %add3A_299 : i32
        %get3A_301 = arith.index_cast %add3A_300 : i32 to index
        %get3A_302 = tpu.vector_load %arg6[%get3A_301] {strides = array<i32>} : memref<4096xi32, #tpu.memory_space<vmem>>, vector<16xi32>,
        %add3A_303 = arith.addi %add3A_296, %get3A_302 : vector<16xi32>
        %mul3A_304 = arith.constant 256 : i32
        %mul3A_305 = arith.muli %sub3A_244, %mul3A_304 : i32
        %add3A_306 = arith.constant 144 : i32
        %add3A_307 = arith.addi %mul3A_305, %add3A_306 : i32
        %get3A_308 = arith.index_cast %add3A_307 : i32 to index
        %get3A_309 = tpu.vector_load %arg6[%get3A_308] {strides = array<i32>} : memref<4096xi32, #tpu.memory_space<vmem>>, vector<16xi32>,
        %add3A_310 = arith.addi %add3A_303, %get3A_309 : vector<16xi32>
        %mul3A_311 = arith.constant 256 : i32
        %mul3A_312 = arith.muli %sub3A_244, %mul3A_311 : i32
        %add3A_313 = arith.constant 160 : i32
        %add3A_314 = arith.addi %mul3A_312, %add3A_313 : i32
        %get3A_315 = arith.index_cast %add3A_314 : i32 to index
        %get3A_316 = tpu.vector_load %arg6[%get3A_315] {strides = array<i32>} : memref<4096xi32, #tpu.memory_space<vmem>>, vector<16xi32>,
        %add3A_317 = arith.addi %add3A_310, %get3A_316 : vector<16xi32>
        %mul3A_318 = arith.constant 256 : i32
        %mul3A_319 = arith.muli %sub3A_244, %mul3A_318 : i32
        %add3A_320 = arith.constant 176 : i32
        %add3A_321 = arith.addi %mul3A_319, %add3A_320 : i32
        %get3A_322 = arith.index_cast %add3A_321 : i32 to index
        %get3A_323 = tpu.vector_load %arg6[%get3A_322] {strides = array<i32>} : memref<4096xi32, #tpu.memory_space<vmem>>, vector<16xi32>,
        %add3A_324 = arith.addi %add3A_317, %get3A_323 : vector<16xi32>
        %mul3A_325 = arith.constant 256 : i32
        %mul3A_326 = arith.muli %sub3A_244, %mul3A_325 : i32
        %add3A_327 = arith.constant 192 : i32
        %add3A_328 = arith.addi %mul3A_326, %add3A_327 : i32
        %get3A_329 = arith.index_cast %add3A_328 : i32 to index
        %get3A_330 = tpu.vector_load %arg6[%get3A_329] {strides = array<i32>} : memref<4096xi32, #tpu.memory_space<vmem>>, vector<16xi32>,
        %add3A_331 = arith.addi %add3A_324, %get3A_330 : vector<16xi32>
        %mul3A_332 = arith.constant 256 : i32
        %mul3A_333 = arith.muli %sub3A_244, %mul3A_332 : i32
        %add3A_334 = arith.constant 208 : i32
        %add3A_335 = arith.addi %mul3A_333, %add3A_334 : i32
        %get3A_336 = arith.index_cast %add3A_335 : i32 to index
        %get3A_337 = tpu.vector_load %arg6[%get3A_336] {strides = array<i32>} : memref<4096xi32, #tpu.memory_space<vmem>>, vector<16xi32>,
        %add3A_338 = arith.addi %add3A_331, %get3A_337 : vector<16xi32>
        %mul3A_339 = arith.constant 256 : i32
        %mul3A_340 = arith.muli %sub3A_244, %mul3A_339 : i32
        %add3A_341 = arith.constant 224 : i32
        %add3A_342 = arith.addi %mul3A_340, %add3A_341 : i32
        %get3A_343 = arith.index_cast %add3A_342 : i32 to index
        %get3A_344 = tpu.vector_load %arg6[%get3A_343] {strides = array<i32>} : memref<4096xi32, #tpu.memory_space<vmem>>, vector<16xi32>,
        %add3A_345 = arith.addi %add3A_338, %get3A_344 : vector<16xi32>
        %mul3A_346 = arith.constant 256 : i32
        %mul3A_347 = arith.muli %sub3A_244, %mul3A_346 : i32
        %add3A_348 = arith.constant 240 : i32
        %add3A_349 = arith.addi %mul3A_347, %add3A_348 : i32
        %get3A_350 = arith.index_cast %add3A_349 : i32 to index
        %get3A_351 = tpu.vector_load %arg6[%get3A_350] {strides = array<i32>} : memref<4096xi32, #tpu.memory_space<vmem>>, vector<16xi32>,
        %add3A_352 = arith.addi %add3A_345, %get3A_351 : vector<16xi32>
        %reduce_sum3A = arith.constant true
        %reduce_sum3A_353 = vector.broadcast %reduce_sum3A : i1 to vector<16xi1>
        %reduce_sum3A_354 = tpu.scan <sum>, %add3A_352 masked %reduce_sum3A_353 : vector<16xi32>, vector<16xi1> -> vector<16xi32>
        %reduce_sum3A_355 = vector.extract %reduce_sum3A_354[15] : i32 from vector<16xi32>
        %add3A_356 = vector.broadcast %reduce_sum3A_355 : i32 to vector<16xi32>
        %add3A_357 = arith.addi %broadcast_in_dim3A_3, %add3A_356 : vector<16xi32>
        %add3A_358 = arith.addi %scan3A_239, %add3A_357 : vector<16xi32>
        %ge3A_359 = arith.cmpi sge, %add3A_358, %add3A_25 : vector<16xi32>
        %not3A_360 = arith.constant dense<true> : vector<16xi1>
        %not3A_361 = arith.xori %scan3A_240, %not3A_360 : vector<16xi1>
        %and3A = arith.andi %ge3A_359, %not3A_361 : vector<16xi1>
        %add3A_362 = vector.broadcast %sub3A_244 : i32 to vector<16xi32>
        %add3A_363 = arith.addi %broadcast_in_dim3A_3, %add3A_362 : vector<16xi32>
        %select_n3A_364 = arith.select %and3A, %add3A_363, %scan3A_241 : vector<16xi1>, vector<16xi32>
        %select_n3A_365 = arith.select %and3A, %scan3A_239, %scan3A_242 : vector<16xi1>, vector<16xi32>
        %or3A_366 = arith.ori %scan3A_240, %and3A : vector<16xi1>
        scf.yield %add3A_358, %or3A_366, %select_n3A_364, %select_n3A_365 : vector<16xi32>, vector<16xi1>, vector<16xi32>, vector<16xi32>
      }
      %scan3A_115 = arith.constant 16 : i32
      %reduce_max3A = arith.constant true
      %reduce_max3A_116 = vector.broadcast %reduce_max3A : i1 to vector<16xi1>
      %reduce_max3A_117 = arith.constant -2147483648 : i32
      %reduce_max3A_118 = vector.broadcast %reduce_max3A_117 : i32 to vector<16xi32>
      %reduce_max3A_119 = arith.xori %scan3A_114#2, %reduce_max3A_118 : vector<16xi32>
      %reduce_max3A_120 = tpu.scan <max>, %reduce_max3A_119 masked %reduce_max3A_116 : vector<16xi32>, vector<16xi1> -> vector<16xi32>
      %reduce_max3A_121 = arith.xori %reduce_max3A_120, %reduce_max3A_118 : vector<16xi32>
      %reduce_max3A_122 = vector.extract %reduce_max3A_121[15] : i32 from vector<16xi32>
      %lt3A_123 = arith.cmpi slt, %broadcast_in_dim3A_3, %broadcast_in_dim3A_3 : vector<16xi32>
      %scan3A_124 = arith.constant 0 : i32
      %scan3A_125 = arith.constant 16 : i32
      %scan3A_126 = arith.addi %scan3A_124, %scan3A_125 : i32
      %scan3A_127 = arith.constant 1 : i32
      %scan3A_128:4 = scf.for %scan3A_238 = %scan3A_124 to %scan3A_126 step %scan3A_127 iter_args(%scan3A_239 = %scan3A_114#3, %scan3A_240 = %lt3A_123, %scan3A_241 = %broadcast_in_dim3A_3, %scan3A_242 = %broadcast_in_dim3A_3) -> (vector<16xi32>, vector<16xi1>, vector<16xi32>, vector<16xi32>)  : i32 {
        %sub3A_243 = arith.constant 15 : i32
        %sub3A_244 = arith.subi %sub3A_243, %scan3A_238 : i32
        %mul3A_245 = arith.constant 256 : i32
        %mul3A_246 = arith.muli %reduce_max3A_122, %mul3A_245 : i32
        %mul3A_247 = arith.constant 16 : i32
        %mul3A_248 = arith.muli %sub3A_244, %mul3A_247 : i32
        %add3A_249 = arith.addi %mul3A_246, %mul3A_248 : i32
        %get3A = arith.index_cast %add3A_249 : i32 to index
        %get3A_250 = tpu.vector_load %arg6[%get3A] {strides = array<i32>} : memref<4096xi32, #tpu.memory_space<vmem>>, vector<16xi32>,
        %reduce_sum3A = arith.constant true
        %reduce_sum3A_251 = vector.broadcast %reduce_sum3A : i1 to vector<16xi1>
        %reduce_sum3A_252 = tpu.scan <sum>, %get3A_250 masked %reduce_sum3A_251 : vector<16xi32>, vector<16xi1> -> vector<16xi32>
        %reduce_sum3A_253 = vector.extract %reduce_sum3A_252[15] : i32 from vector<16xi32>
        %add3A_254 = vector.broadcast %reduce_sum3A_253 : i32 to vector<16xi32>
        %add3A_255 = arith.addi %broadcast_in_dim3A_3, %add3A_254 : vector<16xi32>
        %add3A_256 = arith.addi %scan3A_239, %add3A_255 : vector<16xi32>
        %ge3A_257 = arith.cmpi sge, %add3A_256, %add3A_25 : vector<16xi32>
        %not3A_258 = arith.constant dense<true> : vector<16xi1>
        %not3A_259 = arith.xori %scan3A_240, %not3A_258 : vector<16xi1>
        %and3A = arith.andi %ge3A_257, %not3A_259 : vector<16xi1>
        %mul3A_260 = arith.constant 16 : i32
        %mul3A_261 = vector.broadcast %mul3A_260 : i32 to vector<16xi32>
        %mul3A_262 = arith.muli %scan3A_114#2, %mul3A_261 : vector<16xi32>
        %add3A_263 = vector.broadcast %sub3A_244 : i32 to vector<16xi32>
        %add3A_264 = arith.addi %mul3A_262, %add3A_263 : vector<16xi32>
        %select_n3A_265 = arith.select %and3A, %add3A_264, %scan3A_241 : vector<16xi1>, vector<16xi32>
        %select_n3A_266 = arith.select %and3A, %scan3A_239, %scan3A_242 : vector<16xi1>, vector<16xi32>
        %or3A_267 = arith.ori %scan3A_240, %and3A : vector<16xi1>
        scf.yield %add3A_256, %or3A_267, %select_n3A_265, %select_n3A_266 : vector<16xi32>, vector<16xi1>, vector<16xi32>, vector<16xi32>
      }
      %scan3A_129 = arith.constant 16 : i32
      %shift_left3A = arith.constant 24 : i32
      %shift_left3A_130 = vector.broadcast %shift_left3A : i32 to vector<16xi32>
      %shift_left3A_131 = arith.shli %scan3A_128#2, %shift_left3A_130 : vector<16xi32>
      %or3A = arith.ori %broadcast_in_dim3A_22, %shift_left3A_131 : vector<16xi32>
      %sub3A = arith.subi %add3A_25, %scan3A_128#3 : vector<16xi32>
      %parallel_loop3A_132 = arith.constant 0 : i32
      %parallel_loop3A_133 = arith.constant 6250 : i32
      %parallel_loop3A_134 = arith.constant 1 : i32
      scf.for %parallel_loop3A_238 = %parallel_loop3A_132 to %parallel_loop3A_133 step %parallel_loop3A_134  : i32 {
        %parallel_loop3A_239 = arith.constant 16 : i32
        %parallel_loop3A_240 = arith.muli %parallel_loop3A_238, %parallel_loop3A_239 : i32
        %parallel_loop3A_241 = arith.index_cast %parallel_loop3A_240 : i32 to index
        %parallel_loop3A_242 = tpu.vector_load %arg4[%parallel_loop3A_241] {strides = array<i32>} : memref<100000xf32, #tpu.memory_space<vmem>>, vector<16xf32>,
        %parallel_loop3A_243 = tpu.bitcast %parallel_loop3A_242 : vector<16xf32> -> vector<16xi32>
        %parallel_loop3A_244 = arith.constant -2147483648 : i32
        %parallel_loop3A_245 = vector.broadcast %parallel_loop3A_244 : i32 to vector<16xi32>
        %parallel_loop3A_246 = arith.cmpi uge, %parallel_loop3A_243, %parallel_loop3A_245 : vector<16xi32>
        %parallel_loop3A_247 = arith.constant dense<-1> : vector<16xi32>
        %parallel_loop3A_248 = arith.xori %parallel_loop3A_243, %parallel_loop3A_247 : vector<16xi32>
        %parallel_loop3A_249 = arith.constant -2147483648 : i32
        %parallel_loop3A_250 = vector.broadcast %parallel_loop3A_249 : i32 to vector<16xi32>
        %parallel_loop3A_251 = arith.ori %parallel_loop3A_243, %parallel_loop3A_250 : vector<16xi32>
        %parallel_loop3A_252 = arith.select %parallel_loop3A_246, %parallel_loop3A_248, %parallel_loop3A_251 : vector<16xi1>, vector<16xi32>
        %parallel_loop3A_253 = arith.constant 16 : i32
        %parallel_loop3A_254 = vector.broadcast %parallel_loop3A_253 : i32 to vector<16xi32>
        %parallel_loop3A_255 = arith.shrui %parallel_loop3A_252, %parallel_loop3A_254 : vector<16xi32>
        %parallel_loop3A_256 = arith.constant 255 : i32
        %parallel_loop3A_257 = vector.broadcast %parallel_loop3A_256 : i32 to vector<16xi32>
        %parallel_loop3A_258 = arith.andi %parallel_loop3A_255, %parallel_loop3A_257 : vector<16xi32>
        %parallel_loop3A_259 = arith.constant 5 : i32
        %parallel_loop3A_260 = arith.constant 0 : i32
        %parallel_loop3A_261 = arith.cmpi eq, %parallel_loop3A_259, %parallel_loop3A_260 : i32
        %parallel_loop3A_262 = arith.constant 1 : i32
        %parallel_loop3A_263 = arith.select %parallel_loop3A_261, %parallel_loop3A_262, %parallel_loop3A_259 : i32
        %parallel_loop3A_264 = arith.remsi %parallel_loop3A_238, %parallel_loop3A_263 : i32
        %parallel_loop3A_265 = arith.constant 0 : i32
        %parallel_loop3A_266 = arith.cmpi ne, %parallel_loop3A_264, %parallel_loop3A_265 : i32
        %parallel_loop3A_267 = arith.constant 0 : i32
        %parallel_loop3A_268 = arith.cmpi slt, %parallel_loop3A_264, %parallel_loop3A_267 : i32
        %parallel_loop3A_269 = arith.constant 0 : i32
        %parallel_loop3A_270 = arith.cmpi slt, %parallel_loop3A_263, %parallel_loop3A_269 : i32
        %parallel_loop3A_271 = arith.xori %parallel_loop3A_268, %parallel_loop3A_270 : i1
        %parallel_loop3A_272 = arith.andi %parallel_loop3A_271, %parallel_loop3A_266 : i1
        %parallel_loop3A_273 = arith.addi %parallel_loop3A_264, %parallel_loop3A_263 : i32
        %parallel_loop3A_274 = arith.select %parallel_loop3A_272, %parallel_loop3A_273, %parallel_loop3A_264 : i32
        %parallel_loop3A_275 = arith.constant 4096 : i32
        %parallel_loop3A_276 = arith.muli %parallel_loop3A_274, %parallel_loop3A_275 : i32
        %parallel_loop3A_277 = arith.constant 16 : i32
        %parallel_loop3A_278 = vector.broadcast %parallel_loop3A_277 : i32 to vector<16xi32>
        %parallel_loop3A_279 = arith.muli %parallel_loop3A_258, %parallel_loop3A_278 : vector<16xi32>
        %parallel_loop3A_280 = vector.broadcast %parallel_loop3A_276 : i32 to vector<16xi32>
        %parallel_loop3A_281 = arith.addi %parallel_loop3A_280, %parallel_loop3A_279 : vector<16xi32>
        %parallel_loop3A_282 = arith.addi %parallel_loop3A_281, %iota3A : vector<16xi32>
        %parallel_loop3A_283 = arith.constant -16777216 : i32
        %parallel_loop3A_284 = vector.broadcast %parallel_loop3A_283 : i32 to vector<16xi32>
        %parallel_loop3A_285 = arith.andi %parallel_loop3A_252, %parallel_loop3A_284 : vector<16xi32>
        %parallel_loop3A_286 = arith.cmpi eq, %parallel_loop3A_285, %or3A : vector<16xi32>
        tpu.vector_store_idx %arg5[%parallel_loop3A_282], %broadcast_in_dim3A_1 masked %parallel_loop3A_286 {add = true} : memref<20480xi32, #tpu.memory_space<vmem>>[vector<16xi32>], vector<16xi32>, vector<16xi1>
      } {sc.loop_unroll_factor = 5 : i64, sc.parallel_access}
      %parallel_loop3A_135 = arith.constant 0 : i32
      %parallel_loop3A_136 = arith.constant 256 : i32
      %parallel_loop3A_137 = arith.constant 1 : i32
      scf.for %parallel_loop3A_238 = %parallel_loop3A_135 to %parallel_loop3A_136 step %parallel_loop3A_137  : i32 {
        %parallel_loop3A_239 = arith.constant 16 : i32
        %parallel_loop3A_240 = arith.muli %parallel_loop3A_238, %parallel_loop3A_239 : i32
        %parallel_loop3A_241 = arith.index_cast %parallel_loop3A_240 : i32 to index
        %parallel_loop3A_242 = tpu.vector_load %arg5[%parallel_loop3A_241] {strides = array<i32>} : memref<20480xi32, #tpu.memory_space<vmem>>, vector<16xi32>,
        %parallel_loop3A_243 = arith.constant 16 : i32
        %parallel_loop3A_244 = arith.muli %parallel_loop3A_238, %parallel_loop3A_243 : i32
        %parallel_loop3A_245 = arith.index_cast %parallel_loop3A_244 : i32 to index
        %parallel_loop3A_246 = tpu.vector_load %arg5[%parallel_loop3A_245] {strides = array<i32>} : memref<20480xi32, #tpu.memory_space<vmem>>, vector<16xi32>,
        tpu.vector_store %arg5[%parallel_loop3A_245], %broadcast_in_dim3A_3 {strides = array<i32>} : memref<20480xi32, #tpu.memory_space<vmem>>, vector<16xi32>,
        %parallel_loop3A_247 = arith.constant 16 : i32
        %parallel_loop3A_248 = arith.muli %parallel_loop3A_238, %parallel_loop3A_247 : i32
        %parallel_loop3A_249 = arith.constant 4096 : i32
        %parallel_loop3A_250 = arith.addi %parallel_loop3A_249, %parallel_loop3A_248 : i32
        %parallel_loop3A_251 = arith.index_cast %parallel_loop3A_250 : i32 to index
        %parallel_loop3A_252 = tpu.vector_load %arg5[%parallel_loop3A_251] {strides = array<i32>} : memref<20480xi32, #tpu.memory_space<vmem>>, vector<16xi32>,
        %parallel_loop3A_253 = arith.addi %parallel_loop3A_242, %parallel_loop3A_252 : vector<16xi32>
        %parallel_loop3A_254 = arith.constant 16 : i32
        %parallel_loop3A_255 = arith.muli %parallel_loop3A_238, %parallel_loop3A_254 : i32
        %parallel_loop3A_256 = arith.constant 4096 : i32
        %parallel_loop3A_257 = arith.addi %parallel_loop3A_256, %parallel_loop3A_255 : i32
        %parallel_loop3A_258 = arith.index_cast %parallel_loop3A_257 : i32 to index
        %parallel_loop3A_259 = tpu.vector_load %arg5[%parallel_loop3A_258] {strides = array<i32>} : memref<20480xi32, #tpu.memory_space<vmem>>, vector<16xi32>,
        tpu.vector_store %arg5[%parallel_loop3A_258], %broadcast_in_dim3A_3 {strides = array<i32>} : memref<20480xi32, #tpu.memory_space<vmem>>, vector<16xi32>,
        %parallel_loop3A_260 = arith.constant 16 : i32
        %parallel_loop3A_261 = arith.muli %parallel_loop3A_238, %parallel_loop3A_260 : i32
        %parallel_loop3A_262 = arith.constant 8192 : i32
        %parallel_loop3A_263 = arith.addi %parallel_loop3A_262, %parallel_loop3A_261 : i32
        %parallel_loop3A_264 = arith.index_cast %parallel_loop3A_263 : i32 to index
        %parallel_loop3A_265 = tpu.vector_load %arg5[%parallel_loop3A_264] {strides = array<i32>} : memref<20480xi32, #tpu.memory_space<vmem>>, vector<16xi32>,
        %parallel_loop3A_266 = arith.addi %parallel_loop3A_253, %parallel_loop3A_265 : vector<16xi32>
        %parallel_loop3A_267 = arith.constant 16 : i32
        %parallel_loop3A_268 = arith.muli %parallel_loop3A_238, %parallel_loop3A_267 : i32
        %parallel_loop3A_269 = arith.constant 8192 : i32
        %parallel_loop3A_270 = arith.addi %parallel_loop3A_269, %parallel_loop3A_268 : i32
        %parallel_loop3A_271 = arith.index_cast %parallel_loop3A_270 : i32 to index
        %parallel_loop3A_272 = tpu.vector_load %arg5[%parallel_loop3A_271] {strides = array<i32>} : memref<20480xi32, #tpu.memory_space<vmem>>, vector<16xi32>,
        tpu.vector_store %arg5[%parallel_loop3A_271], %broadcast_in_dim3A_3 {strides = array<i32>} : memref<20480xi32, #tpu.memory_space<vmem>>, vector<16xi32>,
        %parallel_loop3A_273 = arith.constant 16 : i32
        %parallel_loop3A_274 = arith.muli %parallel_loop3A_238, %parallel_loop3A_273 : i32
        %parallel_loop3A_275 = arith.constant 12288 : i32
        %parallel_loop3A_276 = arith.addi %parallel_loop3A_275, %parallel_loop3A_274 : i32
        %parallel_loop3A_277 = arith.index_cast %parallel_loop3A_276 : i32 to index
        %parallel_loop3A_278 = tpu.vector_load %arg5[%parallel_loop3A_277] {strides = array<i32>} : memref<20480xi32, #tpu.memory_space<vmem>>, vector<16xi32>,
        %parallel_loop3A_279 = arith.addi %parallel_loop3A_266, %parallel_loop3A_278 : vector<16xi32>
        %parallel_loop3A_280 = arith.constant 16 : i32
        %parallel_loop3A_281 = arith.muli %parallel_loop3A_238, %parallel_loop3A_280 : i32
        %parallel_loop3A_282 = arith.constant 12288 : i32
        %parallel_loop3A_283 = arith.addi %parallel_loop3A_282, %parallel_loop3A_281 : i32
        %parallel_loop3A_284 = arith.index_cast %parallel_loop3A_283 : i32 to index
        %parallel_loop3A_285 = tpu.vector_load %arg5[%parallel_loop3A_284] {strides = array<i32>} : memref<20480xi32, #tpu.memory_space<vmem>>, vector<16xi32>,
        tpu.vector_store %arg5[%parallel_loop3A_284], %broadcast_in_dim3A_3 {strides = array<i32>} : memref<20480xi32, #tpu.memory_space<vmem>>, vector<16xi32>,
        %parallel_loop3A_286 = arith.constant 16 : i32
        %parallel_loop3A_287 = arith.muli %parallel_loop3A_238, %parallel_loop3A_286 : i32
        %parallel_loop3A_288 = arith.constant 16384 : i32
        %parallel_loop3A_289 = arith.addi %parallel_loop3A_288, %parallel_loop3A_287 : i32
        %parallel_loop3A_290 = arith.index_cast %parallel_loop3A_289 : i32 to index
        %parallel_loop3A_291 = tpu.vector_load %arg5[%parallel_loop3A_290] {strides = array<i32>} : memref<20480xi32, #tpu.memory_space<vmem>>, vector<16xi32>,
        %parallel_loop3A_292 = arith.addi %parallel_loop3A_279, %parallel_loop3A_291 : vector<16xi32>
        %parallel_loop3A_293 = arith.constant 16 : i32
        %parallel_loop3A_294 = arith.muli %parallel_loop3A_238, %parallel_loop3A_293 : i32
        %parallel_loop3A_295 = arith.constant 16384 : i32
        %parallel_loop3A_296 = arith.addi %parallel_loop3A_295, %parallel_loop3A_294 : i32
        %parallel_loop3A_297 = arith.index_cast %parallel_loop3A_296 : i32 to index
        %parallel_loop3A_298 = tpu.vector_load %arg5[%parallel_loop3A_297] {strides = array<i32>} : memref<20480xi32, #tpu.memory_space<vmem>>, vector<16xi32>,
        tpu.vector_store %arg5[%parallel_loop3A_297], %broadcast_in_dim3A_3 {strides = array<i32>} : memref<20480xi32, #tpu.memory_space<vmem>>, vector<16xi32>,
        %parallel_loop3A_299 = arith.constant 16 : i32
        %parallel_loop3A_300 = arith.muli %parallel_loop3A_238, %parallel_loop3A_299 : i32
        %parallel_loop3A_301 = arith.index_cast %parallel_loop3A_300 : i32 to index
        %parallel_loop3A_302 = tpu.vector_load %arg6[%parallel_loop3A_301] {strides = array<i32>} : memref<4096xi32, #tpu.memory_space<vmem>>, vector<16xi32>,
        tpu.vector_store %arg6[%parallel_loop3A_301], %parallel_loop3A_292 {strides = array<i32>} : memref<4096xi32, #tpu.memory_space<vmem>>, vector<16xi32>,
      } {sc.loop_unroll_factor = 4 : i64, sc.parallel_access}
      %lt3A_138 = arith.cmpi slt, %broadcast_in_dim3A_3, %broadcast_in_dim3A_3 : vector<16xi32>
      %scan3A_139 = arith.constant 0 : i32
      %scan3A_140 = arith.constant 16 : i32
      %scan3A_141 = arith.addi %scan3A_139, %scan3A_140 : i32
      %scan3A_142 = arith.constant 1 : i32
      %scan3A_143:4 = scf.for %scan3A_238 = %scan3A_139 to %scan3A_141 step %scan3A_142 iter_args(%scan3A_239 = %broadcast_in_dim3A_3, %scan3A_240 = %lt3A_138, %scan3A_241 = %broadcast_in_dim3A_3, %scan3A_242 = %broadcast_in_dim3A_3) -> (vector<16xi32>, vector<16xi1>, vector<16xi32>, vector<16xi32>)  : i32 {
        %sub3A_243 = arith.constant 15 : i32
        %sub3A_244 = arith.subi %sub3A_243, %scan3A_238 : i32
        %mul3A_245 = arith.constant 256 : i32
        %mul3A_246 = arith.muli %sub3A_244, %mul3A_245 : i32
        %get3A = arith.index_cast %mul3A_246 : i32 to index
        %get3A_247 = tpu.vector_load %arg6[%get3A] {strides = array<i32>} : memref<4096xi32, #tpu.memory_space<vmem>>, vector<16xi32>,
        %mul3A_248 = arith.constant 256 : i32
        %mul3A_249 = arith.muli %sub3A_244, %mul3A_248 : i32
        %add3A_250 = arith.constant 16 : i32
        %add3A_251 = arith.addi %mul3A_249, %add3A_250 : i32
        %get3A_252 = arith.index_cast %add3A_251 : i32 to index
        %get3A_253 = tpu.vector_load %arg6[%get3A_252] {strides = array<i32>} : memref<4096xi32, #tpu.memory_space<vmem>>, vector<16xi32>,
        %add3A_254 = arith.addi %get3A_247, %get3A_253 : vector<16xi32>
        %mul3A_255 = arith.constant 256 : i32
        %mul3A_256 = arith.muli %sub3A_244, %mul3A_255 : i32
        %add3A_257 = arith.constant 32 : i32
        %add3A_258 = arith.addi %mul3A_256, %add3A_257 : i32
        %get3A_259 = arith.index_cast %add3A_258 : i32 to index
        %get3A_260 = tpu.vector_load %arg6[%get3A_259] {strides = array<i32>} : memref<4096xi32, #tpu.memory_space<vmem>>, vector<16xi32>,
        %add3A_261 = arith.addi %add3A_254, %get3A_260 : vector<16xi32>
        %mul3A_262 = arith.constant 256 : i32
        %mul3A_263 = arith.muli %sub3A_244, %mul3A_262 : i32
        %add3A_264 = arith.constant 48 : i32
        %add3A_265 = arith.addi %mul3A_263, %add3A_264 : i32
        %get3A_266 = arith.index_cast %add3A_265 : i32 to index
        %get3A_267 = tpu.vector_load %arg6[%get3A_266] {strides = array<i32>} : memref<4096xi32, #tpu.memory_space<vmem>>, vector<16xi32>,
        %add3A_268 = arith.addi %add3A_261, %get3A_267 : vector<16xi32>
        %mul3A_269 = arith.constant 256 : i32
        %mul3A_270 = arith.muli %sub3A_244, %mul3A_269 : i32
        %add3A_271 = arith.constant 64 : i32
        %add3A_272 = arith.addi %mul3A_270, %add3A_271 : i32
        %get3A_273 = arith.index_cast %add3A_272 : i32 to index
        %get3A_274 = tpu.vector_load %arg6[%get3A_273] {strides = array<i32>} : memref<4096xi32, #tpu.memory_space<vmem>>, vector<16xi32>,
        %add3A_275 = arith.addi %add3A_268, %get3A_274 : vector<16xi32>
        %mul3A_276 = arith.constant 256 : i32
        %mul3A_277 = arith.muli %sub3A_244, %mul3A_276 : i32
        %add3A_278 = arith.constant 80 : i32
        %add3A_279 = arith.addi %mul3A_277, %add3A_278 : i32
        %get3A_280 = arith.index_cast %add3A_279 : i32 to index
        %get3A_281 = tpu.vector_load %arg6[%get3A_280] {strides = array<i32>} : memref<4096xi32, #tpu.memory_space<vmem>>, vector<16xi32>,
        %add3A_282 = arith.addi %add3A_275, %get3A_281 : vector<16xi32>
        %mul3A_283 = arith.constant 256 : i32
        %mul3A_284 = arith.muli %sub3A_244, %mul3A_283 : i32
        %add3A_285 = arith.constant 96 : i32
        %add3A_286 = arith.addi %mul3A_284, %add3A_285 : i32
        %get3A_287 = arith.index_cast %add3A_286 : i32 to index
        %get3A_288 = tpu.vector_load %arg6[%get3A_287] {strides = array<i32>} : memref<4096xi32, #tpu.memory_space<vmem>>, vector<16xi32>,
        %add3A_289 = arith.addi %add3A_282, %get3A_288 : vector<16xi32>
        %mul3A_290 = arith.constant 256 : i32
        %mul3A_291 = arith.muli %sub3A_244, %mul3A_290 : i32
        %add3A_292 = arith.constant 112 : i32
        %add3A_293 = arith.addi %mul3A_291, %add3A_292 : i32
        %get3A_294 = arith.index_cast %add3A_293 : i32 to index
        %get3A_295 = tpu.vector_load %arg6[%get3A_294] {strides = array<i32>} : memref<4096xi32, #tpu.memory_space<vmem>>, vector<16xi32>,
        %add3A_296 = arith.addi %add3A_289, %get3A_295 : vector<16xi32>
        %mul3A_297 = arith.constant 256 : i32
        %mul3A_298 = arith.muli %sub3A_244, %mul3A_297 : i32
        %add3A_299 = arith.constant 128 : i32
        %add3A_300 = arith.addi %mul3A_298, %add3A_299 : i32
        %get3A_301 = arith.index_cast %add3A_300 : i32 to index
        %get3A_302 = tpu.vector_load %arg6[%get3A_301] {strides = array<i32>} : memref<4096xi32, #tpu.memory_space<vmem>>, vector<16xi32>,
        %add3A_303 = arith.addi %add3A_296, %get3A_302 : vector<16xi32>
        %mul3A_304 = arith.constant 256 : i32
        %mul3A_305 = arith.muli %sub3A_244, %mul3A_304 : i32
        %add3A_306 = arith.constant 144 : i32
        %add3A_307 = arith.addi %mul3A_305, %add3A_306 : i32
        %get3A_308 = arith.index_cast %add3A_307 : i32 to index
        %get3A_309 = tpu.vector_load %arg6[%get3A_308] {strides = array<i32>} : memref<4096xi32, #tpu.memory_space<vmem>>, vector<16xi32>,
        %add3A_310 = arith.addi %add3A_303, %get3A_309 : vector<16xi32>
        %mul3A_311 = arith.constant 256 : i32
        %mul3A_312 = arith.muli %sub3A_244, %mul3A_311 : i32
        %add3A_313 = arith.constant 160 : i32
        %add3A_314 = arith.addi %mul3A_312, %add3A_313 : i32
        %get3A_315 = arith.index_cast %add3A_314 : i32 to index
        %get3A_316 = tpu.vector_load %arg6[%get3A_315] {strides = array<i32>} : memref<4096xi32, #tpu.memory_space<vmem>>, vector<16xi32>,
        %add3A_317 = arith.addi %add3A_310, %get3A_316 : vector<16xi32>
        %mul3A_318 = arith.constant 256 : i32
        %mul3A_319 = arith.muli %sub3A_244, %mul3A_318 : i32
        %add3A_320 = arith.constant 176 : i32
        %add3A_321 = arith.addi %mul3A_319, %add3A_320 : i32
        %get3A_322 = arith.index_cast %add3A_321 : i32 to index
        %get3A_323 = tpu.vector_load %arg6[%get3A_322] {strides = array<i32>} : memref<4096xi32, #tpu.memory_space<vmem>>, vector<16xi32>,
        %add3A_324 = arith.addi %add3A_317, %get3A_323 : vector<16xi32>
        %mul3A_325 = arith.constant 256 : i32
        %mul3A_326 = arith.muli %sub3A_244, %mul3A_325 : i32
        %add3A_327 = arith.constant 192 : i32
        %add3A_328 = arith.addi %mul3A_326, %add3A_327 : i32
        %get3A_329 = arith.index_cast %add3A_328 : i32 to index
        %get3A_330 = tpu.vector_load %arg6[%get3A_329] {strides = array<i32>} : memref<4096xi32, #tpu.memory_space<vmem>>, vector<16xi32>,
        %add3A_331 = arith.addi %add3A_324, %get3A_330 : vector<16xi32>
        %mul3A_332 = arith.constant 256 : i32
        %mul3A_333 = arith.muli %sub3A_244, %mul3A_332 : i32
        %add3A_334 = arith.constant 208 : i32
        %add3A_335 = arith.addi %mul3A_333, %add3A_334 : i32
        %get3A_336 = arith.index_cast %add3A_335 : i32 to index
        %get3A_337 = tpu.vector_load %arg6[%get3A_336] {strides = array<i32>} : memref<4096xi32, #tpu.memory_space<vmem>>, vector<16xi32>,
        %add3A_338 = arith.addi %add3A_331, %get3A_337 : vector<16xi32>
        %mul3A_339 = arith.constant 256 : i32
        %mul3A_340 = arith.muli %sub3A_244, %mul3A_339 : i32
        %add3A_341 = arith.constant 224 : i32
        %add3A_342 = arith.addi %mul3A_340, %add3A_341 : i32
        %get3A_343 = arith.index_cast %add3A_342 : i32 to index
        %get3A_344 = tpu.vector_load %arg6[%get3A_343] {strides = array<i32>} : memref<4096xi32, #tpu.memory_space<vmem>>, vector<16xi32>,
        %add3A_345 = arith.addi %add3A_338, %get3A_344 : vector<16xi32>
        %mul3A_346 = arith.constant 256 : i32
        %mul3A_347 = arith.muli %sub3A_244, %mul3A_346 : i32
        %add3A_348 = arith.constant 240 : i32
        %add3A_349 = arith.addi %mul3A_347, %add3A_348 : i32
        %get3A_350 = arith.index_cast %add3A_349 : i32 to index
        %get3A_351 = tpu.vector_load %arg6[%get3A_350] {strides = array<i32>} : memref<4096xi32, #tpu.memory_space<vmem>>, vector<16xi32>,
        %add3A_352 = arith.addi %add3A_345, %get3A_351 : vector<16xi32>
        %reduce_sum3A = arith.constant true
        %reduce_sum3A_353 = vector.broadcast %reduce_sum3A : i1 to vector<16xi1>
        %reduce_sum3A_354 = tpu.scan <sum>, %add3A_352 masked %reduce_sum3A_353 : vector<16xi32>, vector<16xi1> -> vector<16xi32>
        %reduce_sum3A_355 = vector.extract %reduce_sum3A_354[15] : i32 from vector<16xi32>
        %add3A_356 = vector.broadcast %reduce_sum3A_355 : i32 to vector<16xi32>
        %add3A_357 = arith.addi %broadcast_in_dim3A_3, %add3A_356 : vector<16xi32>
        %add3A_358 = arith.addi %scan3A_239, %add3A_357 : vector<16xi32>
        %ge3A_359 = arith.cmpi sge, %add3A_358, %sub3A : vector<16xi32>
        %not3A_360 = arith.constant dense<true> : vector<16xi1>
        %not3A_361 = arith.xori %scan3A_240, %not3A_360 : vector<16xi1>
        %and3A = arith.andi %ge3A_359, %not3A_361 : vector<16xi1>
        %add3A_362 = vector.broadcast %sub3A_244 : i32 to vector<16xi32>
        %add3A_363 = arith.addi %broadcast_in_dim3A_3, %add3A_362 : vector<16xi32>
        %select_n3A_364 = arith.select %and3A, %add3A_363, %scan3A_241 : vector<16xi1>, vector<16xi32>
        %select_n3A_365 = arith.select %and3A, %scan3A_239, %scan3A_242 : vector<16xi1>, vector<16xi32>
        %or3A_366 = arith.ori %scan3A_240, %and3A : vector<16xi1>
        scf.yield %add3A_358, %or3A_366, %select_n3A_364, %select_n3A_365 : vector<16xi32>, vector<16xi1>, vector<16xi32>, vector<16xi32>
      }
      %scan3A_144 = arith.constant 16 : i32
      %reduce_max3A_145 = arith.constant true
      %reduce_max3A_146 = vector.broadcast %reduce_max3A_145 : i1 to vector<16xi1>
      %reduce_max3A_147 = arith.constant -2147483648 : i32
      %reduce_max3A_148 = vector.broadcast %reduce_max3A_147 : i32 to vector<16xi32>
      %reduce_max3A_149 = arith.xori %scan3A_143#2, %reduce_max3A_148 : vector<16xi32>
      %reduce_max3A_150 = tpu.scan <max>, %reduce_max3A_149 masked %reduce_max3A_146 : vector<16xi32>, vector<16xi1> -> vector<16xi32>
      %reduce_max3A_151 = arith.xori %reduce_max3A_150, %reduce_max3A_148 : vector<16xi32>
      %reduce_max3A_152 = vector.extract %reduce_max3A_151[15] : i32 from vector<16xi32>
      %lt3A_153 = arith.cmpi slt, %broadcast_in_dim3A_3, %broadcast_in_dim3A_3 : vector<16xi32>
      %scan3A_154 = arith.constant 0 : i32
      %scan3A_155 = arith.constant 16 : i32
      %scan3A_156 = arith.addi %scan3A_154, %scan3A_155 : i32
      %scan3A_157 = arith.constant 1 : i32
      %scan3A_158:4 = scf.for %scan3A_238 = %scan3A_154 to %scan3A_156 step %scan3A_157 iter_args(%scan3A_239 = %scan3A_143#3, %scan3A_240 = %lt3A_153, %scan3A_241 = %broadcast_in_dim3A_3, %scan3A_242 = %broadcast_in_dim3A_3) -> (vector<16xi32>, vector<16xi1>, vector<16xi32>, vector<16xi32>)  : i32 {
        %sub3A_243 = arith.constant 15 : i32
        %sub3A_244 = arith.subi %sub3A_243, %scan3A_238 : i32
        %mul3A_245 = arith.constant 256 : i32
        %mul3A_246 = arith.muli %reduce_max3A_152, %mul3A_245 : i32
        %mul3A_247 = arith.constant 16 : i32
        %mul3A_248 = arith.muli %sub3A_244, %mul3A_247 : i32
        %add3A_249 = arith.addi %mul3A_246, %mul3A_248 : i32
        %get3A = arith.index_cast %add3A_249 : i32 to index
        %get3A_250 = tpu.vector_load %arg6[%get3A] {strides = array<i32>} : memref<4096xi32, #tpu.memory_space<vmem>>, vector<16xi32>,
        %reduce_sum3A = arith.constant true
        %reduce_sum3A_251 = vector.broadcast %reduce_sum3A : i1 to vector<16xi1>
        %reduce_sum3A_252 = tpu.scan <sum>, %get3A_250 masked %reduce_sum3A_251 : vector<16xi32>, vector<16xi1> -> vector<16xi32>
        %reduce_sum3A_253 = vector.extract %reduce_sum3A_252[15] : i32 from vector<16xi32>
        %add3A_254 = vector.broadcast %reduce_sum3A_253 : i32 to vector<16xi32>
        %add3A_255 = arith.addi %broadcast_in_dim3A_3, %add3A_254 : vector<16xi32>
        %add3A_256 = arith.addi %scan3A_239, %add3A_255 : vector<16xi32>
        %ge3A_257 = arith.cmpi sge, %add3A_256, %sub3A : vector<16xi32>
        %not3A_258 = arith.constant dense<true> : vector<16xi1>
        %not3A_259 = arith.xori %scan3A_240, %not3A_258 : vector<16xi1>
        %and3A = arith.andi %ge3A_257, %not3A_259 : vector<16xi1>
        %mul3A_260 = arith.constant 16 : i32
        %mul3A_261 = vector.broadcast %mul3A_260 : i32 to vector<16xi32>
        %mul3A_262 = arith.muli %scan3A_143#2, %mul3A_261 : vector<16xi32>
        %add3A_263 = vector.broadcast %sub3A_244 : i32 to vector<16xi32>
        %add3A_264 = arith.addi %mul3A_262, %add3A_263 : vector<16xi32>
        %select_n3A_265 = arith.select %and3A, %add3A_264, %scan3A_241 : vector<16xi1>, vector<16xi32>
        %select_n3A_266 = arith.select %and3A, %scan3A_239, %scan3A_242 : vector<16xi1>, vector<16xi32>
        %or3A_267 = arith.ori %scan3A_240, %and3A : vector<16xi1>
        scf.yield %add3A_256, %or3A_267, %select_n3A_265, %select_n3A_266 : vector<16xi32>, vector<16xi1>, vector<16xi32>, vector<16xi32>
      }
      %scan3A_159 = arith.constant 16 : i32
      %shift_left3A_160 = arith.constant 16 : i32
      %shift_left3A_161 = vector.broadcast %shift_left3A_160 : i32 to vector<16xi32>
      %shift_left3A_162 = arith.shli %scan3A_158#2, %shift_left3A_161 : vector<16xi32>
      %or3A_163 = arith.ori %or3A, %shift_left3A_162 : vector<16xi32>
      %sub3A_164 = arith.subi %sub3A, %scan3A_158#3 : vector<16xi32>
      %parallel_loop3A_165 = arith.constant 0 : i32
      %parallel_loop3A_166 = arith.constant 6250 : i32
      %parallel_loop3A_167 = arith.constant 1 : i32
      scf.for %parallel_loop3A_238 = %parallel_loop3A_165 to %parallel_loop3A_166 step %parallel_loop3A_167  : i32 {
        %parallel_loop3A_239 = arith.constant 16 : i32
        %parallel_loop3A_240 = arith.muli %parallel_loop3A_238, %parallel_loop3A_239 : i32
        %parallel_loop3A_241 = arith.index_cast %parallel_loop3A_240 : i32 to index
        %parallel_loop3A_242 = tpu.vector_load %arg4[%parallel_loop3A_241] {strides = array<i32>} : memref<100000xf32, #tpu.memory_space<vmem>>, vector<16xf32>,
        %parallel_loop3A_243 = tpu.bitcast %parallel_loop3A_242 : vector<16xf32> -> vector<16xi32>
        %parallel_loop3A_244 = arith.constant -2147483648 : i32
        %parallel_loop3A_245 = vector.broadcast %parallel_loop3A_244 : i32 to vector<16xi32>
        %parallel_loop3A_246 = arith.cmpi uge, %parallel_loop3A_243, %parallel_loop3A_245 : vector<16xi32>
        %parallel_loop3A_247 = arith.constant dense<-1> : vector<16xi32>
        %parallel_loop3A_248 = arith.xori %parallel_loop3A_243, %parallel_loop3A_247 : vector<16xi32>
        %parallel_loop3A_249 = arith.constant -2147483648 : i32
        %parallel_loop3A_250 = vector.broadcast %parallel_loop3A_249 : i32 to vector<16xi32>
        %parallel_loop3A_251 = arith.ori %parallel_loop3A_243, %parallel_loop3A_250 : vector<16xi32>
        %parallel_loop3A_252 = arith.select %parallel_loop3A_246, %parallel_loop3A_248, %parallel_loop3A_251 : vector<16xi1>, vector<16xi32>
        %parallel_loop3A_253 = arith.constant 8 : i32
        %parallel_loop3A_254 = vector.broadcast %parallel_loop3A_253 : i32 to vector<16xi32>
        %parallel_loop3A_255 = arith.shrui %parallel_loop3A_252, %parallel_loop3A_254 : vector<16xi32>
        %parallel_loop3A_256 = arith.constant 255 : i32
        %parallel_loop3A_257 = vector.broadcast %parallel_loop3A_256 : i32 to vector<16xi32>
        %parallel_loop3A_258 = arith.andi %parallel_loop3A_255, %parallel_loop3A_257 : vector<16xi32>
        %parallel_loop3A_259 = arith.constant 5 : i32
        %parallel_loop3A_260 = arith.constant 0 : i32
        %parallel_loop3A_261 = arith.cmpi eq, %parallel_loop3A_259, %parallel_loop3A_260 : i32
        %parallel_loop3A_262 = arith.constant 1 : i32
        %parallel_loop3A_263 = arith.select %parallel_loop3A_261, %parallel_loop3A_262, %parallel_loop3A_259 : i32
        %parallel_loop3A_264 = arith.remsi %parallel_loop3A_238, %parallel_loop3A_263 : i32
        %parallel_loop3A_265 = arith.constant 0 : i32
        %parallel_loop3A_266 = arith.cmpi ne, %parallel_loop3A_264, %parallel_loop3A_265 : i32
        %parallel_loop3A_267 = arith.constant 0 : i32
        %parallel_loop3A_268 = arith.cmpi slt, %parallel_loop3A_264, %parallel_loop3A_267 : i32
        %parallel_loop3A_269 = arith.constant 0 : i32
        %parallel_loop3A_270 = arith.cmpi slt, %parallel_loop3A_263, %parallel_loop3A_269 : i32
        %parallel_loop3A_271 = arith.xori %parallel_loop3A_268, %parallel_loop3A_270 : i1
        %parallel_loop3A_272 = arith.andi %parallel_loop3A_271, %parallel_loop3A_266 : i1
        %parallel_loop3A_273 = arith.addi %parallel_loop3A_264, %parallel_loop3A_263 : i32
        %parallel_loop3A_274 = arith.select %parallel_loop3A_272, %parallel_loop3A_273, %parallel_loop3A_264 : i32
        %parallel_loop3A_275 = arith.constant 4096 : i32
        %parallel_loop3A_276 = arith.muli %parallel_loop3A_274, %parallel_loop3A_275 : i32
        %parallel_loop3A_277 = arith.constant 16 : i32
        %parallel_loop3A_278 = vector.broadcast %parallel_loop3A_277 : i32 to vector<16xi32>
        %parallel_loop3A_279 = arith.muli %parallel_loop3A_258, %parallel_loop3A_278 : vector<16xi32>
        %parallel_loop3A_280 = vector.broadcast %parallel_loop3A_276 : i32 to vector<16xi32>
        %parallel_loop3A_281 = arith.addi %parallel_loop3A_280, %parallel_loop3A_279 : vector<16xi32>
        %parallel_loop3A_282 = arith.addi %parallel_loop3A_281, %iota3A : vector<16xi32>
        %parallel_loop3A_283 = arith.constant -65536 : i32
        %parallel_loop3A_284 = vector.broadcast %parallel_loop3A_283 : i32 to vector<16xi32>
        %parallel_loop3A_285 = arith.andi %parallel_loop3A_252, %parallel_loop3A_284 : vector<16xi32>
        %parallel_loop3A_286 = arith.cmpi eq, %parallel_loop3A_285, %or3A_163 : vector<16xi32>
        tpu.vector_store_idx %arg5[%parallel_loop3A_282], %broadcast_in_dim3A_1 masked %parallel_loop3A_286 {add = true} : memref<20480xi32, #tpu.memory_space<vmem>>[vector<16xi32>], vector<16xi32>, vector<16xi1>
      } {sc.loop_unroll_factor = 5 : i64, sc.parallel_access}
      %parallel_loop3A_168 = arith.constant 0 : i32
      %parallel_loop3A_169 = arith.constant 256 : i32
      %parallel_loop3A_170 = arith.constant 1 : i32
      scf.for %parallel_loop3A_238 = %parallel_loop3A_168 to %parallel_loop3A_169 step %parallel_loop3A_170  : i32 {
        %parallel_loop3A_239 = arith.constant 16 : i32
        %parallel_loop3A_240 = arith.muli %parallel_loop3A_238, %parallel_loop3A_239 : i32
        %parallel_loop3A_241 = arith.index_cast %parallel_loop3A_240 : i32 to index
        %parallel_loop3A_242 = tpu.vector_load %arg5[%parallel_loop3A_241] {strides = array<i32>} : memref<20480xi32, #tpu.memory_space<vmem>>, vector<16xi32>,
        %parallel_loop3A_243 = arith.constant 16 : i32
        %parallel_loop3A_244 = arith.muli %parallel_loop3A_238, %parallel_loop3A_243 : i32
        %parallel_loop3A_245 = arith.index_cast %parallel_loop3A_244 : i32 to index
        %parallel_loop3A_246 = tpu.vector_load %arg5[%parallel_loop3A_245] {strides = array<i32>} : memref<20480xi32, #tpu.memory_space<vmem>>, vector<16xi32>,
        tpu.vector_store %arg5[%parallel_loop3A_245], %broadcast_in_dim3A_3 {strides = array<i32>} : memref<20480xi32, #tpu.memory_space<vmem>>, vector<16xi32>,
        %parallel_loop3A_247 = arith.constant 16 : i32
        %parallel_loop3A_248 = arith.muli %parallel_loop3A_238, %parallel_loop3A_247 : i32
        %parallel_loop3A_249 = arith.constant 4096 : i32
        %parallel_loop3A_250 = arith.addi %parallel_loop3A_249, %parallel_loop3A_248 : i32
        %parallel_loop3A_251 = arith.index_cast %parallel_loop3A_250 : i32 to index
        %parallel_loop3A_252 = tpu.vector_load %arg5[%parallel_loop3A_251] {strides = array<i32>} : memref<20480xi32, #tpu.memory_space<vmem>>, vector<16xi32>,
        %parallel_loop3A_253 = arith.addi %parallel_loop3A_242, %parallel_loop3A_252 : vector<16xi32>
        %parallel_loop3A_254 = arith.constant 16 : i32
        %parallel_loop3A_255 = arith.muli %parallel_loop3A_238, %parallel_loop3A_254 : i32
        %parallel_loop3A_256 = arith.constant 4096 : i32
        %parallel_loop3A_257 = arith.addi %parallel_loop3A_256, %parallel_loop3A_255 : i32
        %parallel_loop3A_258 = arith.index_cast %parallel_loop3A_257 : i32 to index
        %parallel_loop3A_259 = tpu.vector_load %arg5[%parallel_loop3A_258] {strides = array<i32>} : memref<20480xi32, #tpu.memory_space<vmem>>, vector<16xi32>,
        tpu.vector_store %arg5[%parallel_loop3A_258], %broadcast_in_dim3A_3 {strides = array<i32>} : memref<20480xi32, #tpu.memory_space<vmem>>, vector<16xi32>,
        %parallel_loop3A_260 = arith.constant 16 : i32
        %parallel_loop3A_261 = arith.muli %parallel_loop3A_238, %parallel_loop3A_260 : i32
        %parallel_loop3A_262 = arith.constant 8192 : i32
        %parallel_loop3A_263 = arith.addi %parallel_loop3A_262, %parallel_loop3A_261 : i32
        %parallel_loop3A_264 = arith.index_cast %parallel_loop3A_263 : i32 to index
        %parallel_loop3A_265 = tpu.vector_load %arg5[%parallel_loop3A_264] {strides = array<i32>} : memref<20480xi32, #tpu.memory_space<vmem>>, vector<16xi32>,
        %parallel_loop3A_266 = arith.addi %parallel_loop3A_253, %parallel_loop3A_265 : vector<16xi32>
        %parallel_loop3A_267 = arith.constant 16 : i32
        %parallel_loop3A_268 = arith.muli %parallel_loop3A_238, %parallel_loop3A_267 : i32
        %parallel_loop3A_269 = arith.constant 8192 : i32
        %parallel_loop3A_270 = arith.addi %parallel_loop3A_269, %parallel_loop3A_268 : i32
        %parallel_loop3A_271 = arith.index_cast %parallel_loop3A_270 : i32 to index
        %parallel_loop3A_272 = tpu.vector_load %arg5[%parallel_loop3A_271] {strides = array<i32>} : memref<20480xi32, #tpu.memory_space<vmem>>, vector<16xi32>,
        tpu.vector_store %arg5[%parallel_loop3A_271], %broadcast_in_dim3A_3 {strides = array<i32>} : memref<20480xi32, #tpu.memory_space<vmem>>, vector<16xi32>,
        %parallel_loop3A_273 = arith.constant 16 : i32
        %parallel_loop3A_274 = arith.muli %parallel_loop3A_238, %parallel_loop3A_273 : i32
        %parallel_loop3A_275 = arith.constant 12288 : i32
        %parallel_loop3A_276 = arith.addi %parallel_loop3A_275, %parallel_loop3A_274 : i32
        %parallel_loop3A_277 = arith.index_cast %parallel_loop3A_276 : i32 to index
        %parallel_loop3A_278 = tpu.vector_load %arg5[%parallel_loop3A_277] {strides = array<i32>} : memref<20480xi32, #tpu.memory_space<vmem>>, vector<16xi32>,
        %parallel_loop3A_279 = arith.addi %parallel_loop3A_266, %parallel_loop3A_278 : vector<16xi32>
        %parallel_loop3A_280 = arith.constant 16 : i32
        %parallel_loop3A_281 = arith.muli %parallel_loop3A_238, %parallel_loop3A_280 : i32
        %parallel_loop3A_282 = arith.constant 12288 : i32
        %parallel_loop3A_283 = arith.addi %parallel_loop3A_282, %parallel_loop3A_281 : i32
        %parallel_loop3A_284 = arith.index_cast %parallel_loop3A_283 : i32 to index
        %parallel_loop3A_285 = tpu.vector_load %arg5[%parallel_loop3A_284] {strides = array<i32>} : memref<20480xi32, #tpu.memory_space<vmem>>, vector<16xi32>,
        tpu.vector_store %arg5[%parallel_loop3A_284], %broadcast_in_dim3A_3 {strides = array<i32>} : memref<20480xi32, #tpu.memory_space<vmem>>, vector<16xi32>,
        %parallel_loop3A_286 = arith.constant 16 : i32
        %parallel_loop3A_287 = arith.muli %parallel_loop3A_238, %parallel_loop3A_286 : i32
        %parallel_loop3A_288 = arith.constant 16384 : i32
        %parallel_loop3A_289 = arith.addi %parallel_loop3A_288, %parallel_loop3A_287 : i32
        %parallel_loop3A_290 = arith.index_cast %parallel_loop3A_289 : i32 to index
        %parallel_loop3A_291 = tpu.vector_load %arg5[%parallel_loop3A_290] {strides = array<i32>} : memref<20480xi32, #tpu.memory_space<vmem>>, vector<16xi32>,
        %parallel_loop3A_292 = arith.addi %parallel_loop3A_279, %parallel_loop3A_291 : vector<16xi32>
        %parallel_loop3A_293 = arith.constant 16 : i32
        %parallel_loop3A_294 = arith.muli %parallel_loop3A_238, %parallel_loop3A_293 : i32
        %parallel_loop3A_295 = arith.constant 16384 : i32
        %parallel_loop3A_296 = arith.addi %parallel_loop3A_295, %parallel_loop3A_294 : i32
        %parallel_loop3A_297 = arith.index_cast %parallel_loop3A_296 : i32 to index
        %parallel_loop3A_298 = tpu.vector_load %arg5[%parallel_loop3A_297] {strides = array<i32>} : memref<20480xi32, #tpu.memory_space<vmem>>, vector<16xi32>,
        tpu.vector_store %arg5[%parallel_loop3A_297], %broadcast_in_dim3A_3 {strides = array<i32>} : memref<20480xi32, #tpu.memory_space<vmem>>, vector<16xi32>,
        %parallel_loop3A_299 = arith.constant 16 : i32
        %parallel_loop3A_300 = arith.muli %parallel_loop3A_238, %parallel_loop3A_299 : i32
        %parallel_loop3A_301 = arith.index_cast %parallel_loop3A_300 : i32 to index
        %parallel_loop3A_302 = tpu.vector_load %arg6[%parallel_loop3A_301] {strides = array<i32>} : memref<4096xi32, #tpu.memory_space<vmem>>, vector<16xi32>,
        tpu.vector_store %arg6[%parallel_loop3A_301], %parallel_loop3A_292 {strides = array<i32>} : memref<4096xi32, #tpu.memory_space<vmem>>, vector<16xi32>,
      } {sc.loop_unroll_factor = 4 : i64, sc.parallel_access}
      %lt3A_171 = arith.cmpi slt, %broadcast_in_dim3A_3, %broadcast_in_dim3A_3 : vector<16xi32>
      %scan3A_172 = arith.constant 0 : i32
      %scan3A_173 = arith.constant 16 : i32
      %scan3A_174 = arith.addi %scan3A_172, %scan3A_173 : i32
      %scan3A_175 = arith.constant 1 : i32
      %scan3A_176:4 = scf.for %scan3A_238 = %scan3A_172 to %scan3A_174 step %scan3A_175 iter_args(%scan3A_239 = %broadcast_in_dim3A_3, %scan3A_240 = %lt3A_171, %scan3A_241 = %broadcast_in_dim3A_3, %scan3A_242 = %broadcast_in_dim3A_3) -> (vector<16xi32>, vector<16xi1>, vector<16xi32>, vector<16xi32>)  : i32 {
        %sub3A_243 = arith.constant 15 : i32
        %sub3A_244 = arith.subi %sub3A_243, %scan3A_238 : i32
        %mul3A_245 = arith.constant 256 : i32
        %mul3A_246 = arith.muli %sub3A_244, %mul3A_245 : i32
        %get3A = arith.index_cast %mul3A_246 : i32 to index
        %get3A_247 = tpu.vector_load %arg6[%get3A] {strides = array<i32>} : memref<4096xi32, #tpu.memory_space<vmem>>, vector<16xi32>,
        %mul3A_248 = arith.constant 256 : i32
        %mul3A_249 = arith.muli %sub3A_244, %mul3A_248 : i32
        %add3A_250 = arith.constant 16 : i32
        %add3A_251 = arith.addi %mul3A_249, %add3A_250 : i32
        %get3A_252 = arith.index_cast %add3A_251 : i32 to index
        %get3A_253 = tpu.vector_load %arg6[%get3A_252] {strides = array<i32>} : memref<4096xi32, #tpu.memory_space<vmem>>, vector<16xi32>,
        %add3A_254 = arith.addi %get3A_247, %get3A_253 : vector<16xi32>
        %mul3A_255 = arith.constant 256 : i32
        %mul3A_256 = arith.muli %sub3A_244, %mul3A_255 : i32
        %add3A_257 = arith.constant 32 : i32
        %add3A_258 = arith.addi %mul3A_256, %add3A_257 : i32
        %get3A_259 = arith.index_cast %add3A_258 : i32 to index
        %get3A_260 = tpu.vector_load %arg6[%get3A_259] {strides = array<i32>} : memref<4096xi32, #tpu.memory_space<vmem>>, vector<16xi32>,
        %add3A_261 = arith.addi %add3A_254, %get3A_260 : vector<16xi32>
        %mul3A_262 = arith.constant 256 : i32
        %mul3A_263 = arith.muli %sub3A_244, %mul3A_262 : i32
        %add3A_264 = arith.constant 48 : i32
        %add3A_265 = arith.addi %mul3A_263, %add3A_264 : i32
        %get3A_266 = arith.index_cast %add3A_265 : i32 to index
        %get3A_267 = tpu.vector_load %arg6[%get3A_266] {strides = array<i32>} : memref<4096xi32, #tpu.memory_space<vmem>>, vector<16xi32>,
        %add3A_268 = arith.addi %add3A_261, %get3A_267 : vector<16xi32>
        %mul3A_269 = arith.constant 256 : i32
        %mul3A_270 = arith.muli %sub3A_244, %mul3A_269 : i32
        %add3A_271 = arith.constant 64 : i32
        %add3A_272 = arith.addi %mul3A_270, %add3A_271 : i32
        %get3A_273 = arith.index_cast %add3A_272 : i32 to index
        %get3A_274 = tpu.vector_load %arg6[%get3A_273] {strides = array<i32>} : memref<4096xi32, #tpu.memory_space<vmem>>, vector<16xi32>,
        %add3A_275 = arith.addi %add3A_268, %get3A_274 : vector<16xi32>
        %mul3A_276 = arith.constant 256 : i32
        %mul3A_277 = arith.muli %sub3A_244, %mul3A_276 : i32
        %add3A_278 = arith.constant 80 : i32
        %add3A_279 = arith.addi %mul3A_277, %add3A_278 : i32
        %get3A_280 = arith.index_cast %add3A_279 : i32 to index
        %get3A_281 = tpu.vector_load %arg6[%get3A_280] {strides = array<i32>} : memref<4096xi32, #tpu.memory_space<vmem>>, vector<16xi32>,
        %add3A_282 = arith.addi %add3A_275, %get3A_281 : vector<16xi32>
        %mul3A_283 = arith.constant 256 : i32
        %mul3A_284 = arith.muli %sub3A_244, %mul3A_283 : i32
        %add3A_285 = arith.constant 96 : i32
        %add3A_286 = arith.addi %mul3A_284, %add3A_285 : i32
        %get3A_287 = arith.index_cast %add3A_286 : i32 to index
        %get3A_288 = tpu.vector_load %arg6[%get3A_287] {strides = array<i32>} : memref<4096xi32, #tpu.memory_space<vmem>>, vector<16xi32>,
        %add3A_289 = arith.addi %add3A_282, %get3A_288 : vector<16xi32>
        %mul3A_290 = arith.constant 256 : i32
        %mul3A_291 = arith.muli %sub3A_244, %mul3A_290 : i32
        %add3A_292 = arith.constant 112 : i32
        %add3A_293 = arith.addi %mul3A_291, %add3A_292 : i32
        %get3A_294 = arith.index_cast %add3A_293 : i32 to index
        %get3A_295 = tpu.vector_load %arg6[%get3A_294] {strides = array<i32>} : memref<4096xi32, #tpu.memory_space<vmem>>, vector<16xi32>,
        %add3A_296 = arith.addi %add3A_289, %get3A_295 : vector<16xi32>
        %mul3A_297 = arith.constant 256 : i32
        %mul3A_298 = arith.muli %sub3A_244, %mul3A_297 : i32
        %add3A_299 = arith.constant 128 : i32
        %add3A_300 = arith.addi %mul3A_298, %add3A_299 : i32
        %get3A_301 = arith.index_cast %add3A_300 : i32 to index
        %get3A_302 = tpu.vector_load %arg6[%get3A_301] {strides = array<i32>} : memref<4096xi32, #tpu.memory_space<vmem>>, vector<16xi32>,
        %add3A_303 = arith.addi %add3A_296, %get3A_302 : vector<16xi32>
        %mul3A_304 = arith.constant 256 : i32
        %mul3A_305 = arith.muli %sub3A_244, %mul3A_304 : i32
        %add3A_306 = arith.constant 144 : i32
        %add3A_307 = arith.addi %mul3A_305, %add3A_306 : i32
        %get3A_308 = arith.index_cast %add3A_307 : i32 to index
        %get3A_309 = tpu.vector_load %arg6[%get3A_308] {strides = array<i32>} : memref<4096xi32, #tpu.memory_space<vmem>>, vector<16xi32>,
        %add3A_310 = arith.addi %add3A_303, %get3A_309 : vector<16xi32>
        %mul3A_311 = arith.constant 256 : i32
        %mul3A_312 = arith.muli %sub3A_244, %mul3A_311 : i32
        %add3A_313 = arith.constant 160 : i32
        %add3A_314 = arith.addi %mul3A_312, %add3A_313 : i32
        %get3A_315 = arith.index_cast %add3A_314 : i32 to index
        %get3A_316 = tpu.vector_load %arg6[%get3A_315] {strides = array<i32>} : memref<4096xi32, #tpu.memory_space<vmem>>, vector<16xi32>,
        %add3A_317 = arith.addi %add3A_310, %get3A_316 : vector<16xi32>
        %mul3A_318 = arith.constant 256 : i32
        %mul3A_319 = arith.muli %sub3A_244, %mul3A_318 : i32
        %add3A_320 = arith.constant 176 : i32
        %add3A_321 = arith.addi %mul3A_319, %add3A_320 : i32
        %get3A_322 = arith.index_cast %add3A_321 : i32 to index
        %get3A_323 = tpu.vector_load %arg6[%get3A_322] {strides = array<i32>} : memref<4096xi32, #tpu.memory_space<vmem>>, vector<16xi32>,
        %add3A_324 = arith.addi %add3A_317, %get3A_323 : vector<16xi32>
        %mul3A_325 = arith.constant 256 : i32
        %mul3A_326 = arith.muli %sub3A_244, %mul3A_325 : i32
        %add3A_327 = arith.constant 192 : i32
        %add3A_328 = arith.addi %mul3A_326, %add3A_327 : i32
        %get3A_329 = arith.index_cast %add3A_328 : i32 to index
        %get3A_330 = tpu.vector_load %arg6[%get3A_329] {strides = array<i32>} : memref<4096xi32, #tpu.memory_space<vmem>>, vector<16xi32>,
        %add3A_331 = arith.addi %add3A_324, %get3A_330 : vector<16xi32>
        %mul3A_332 = arith.constant 256 : i32
        %mul3A_333 = arith.muli %sub3A_244, %mul3A_332 : i32
        %add3A_334 = arith.constant 208 : i32
        %add3A_335 = arith.addi %mul3A_333, %add3A_334 : i32
        %get3A_336 = arith.index_cast %add3A_335 : i32 to index
        %get3A_337 = tpu.vector_load %arg6[%get3A_336] {strides = array<i32>} : memref<4096xi32, #tpu.memory_space<vmem>>, vector<16xi32>,
        %add3A_338 = arith.addi %add3A_331, %get3A_337 : vector<16xi32>
        %mul3A_339 = arith.constant 256 : i32
        %mul3A_340 = arith.muli %sub3A_244, %mul3A_339 : i32
        %add3A_341 = arith.constant 224 : i32
        %add3A_342 = arith.addi %mul3A_340, %add3A_341 : i32
        %get3A_343 = arith.index_cast %add3A_342 : i32 to index
        %get3A_344 = tpu.vector_load %arg6[%get3A_343] {strides = array<i32>} : memref<4096xi32, #tpu.memory_space<vmem>>, vector<16xi32>,
        %add3A_345 = arith.addi %add3A_338, %get3A_344 : vector<16xi32>
        %mul3A_346 = arith.constant 256 : i32
        %mul3A_347 = arith.muli %sub3A_244, %mul3A_346 : i32
        %add3A_348 = arith.constant 240 : i32
        %add3A_349 = arith.addi %mul3A_347, %add3A_348 : i32
        %get3A_350 = arith.index_cast %add3A_349 : i32 to index
        %get3A_351 = tpu.vector_load %arg6[%get3A_350] {strides = array<i32>} : memref<4096xi32, #tpu.memory_space<vmem>>, vector<16xi32>,
        %add3A_352 = arith.addi %add3A_345, %get3A_351 : vector<16xi32>
        %reduce_sum3A = arith.constant true
        %reduce_sum3A_353 = vector.broadcast %reduce_sum3A : i1 to vector<16xi1>
        %reduce_sum3A_354 = tpu.scan <sum>, %add3A_352 masked %reduce_sum3A_353 : vector<16xi32>, vector<16xi1> -> vector<16xi32>
        %reduce_sum3A_355 = vector.extract %reduce_sum3A_354[15] : i32 from vector<16xi32>
        %add3A_356 = vector.broadcast %reduce_sum3A_355 : i32 to vector<16xi32>
        %add3A_357 = arith.addi %broadcast_in_dim3A_3, %add3A_356 : vector<16xi32>
        %add3A_358 = arith.addi %scan3A_239, %add3A_357 : vector<16xi32>
        %ge3A_359 = arith.cmpi sge, %add3A_358, %sub3A_164 : vector<16xi32>
        %not3A_360 = arith.constant dense<true> : vector<16xi1>
        %not3A_361 = arith.xori %scan3A_240, %not3A_360 : vector<16xi1>
        %and3A = arith.andi %ge3A_359, %not3A_361 : vector<16xi1>
        %add3A_362 = vector.broadcast %sub3A_244 : i32 to vector<16xi32>
        %add3A_363 = arith.addi %broadcast_in_dim3A_3, %add3A_362 : vector<16xi32>
        %select_n3A_364 = arith.select %and3A, %add3A_363, %scan3A_241 : vector<16xi1>, vector<16xi32>
        %select_n3A_365 = arith.select %and3A, %scan3A_239, %scan3A_242 : vector<16xi1>, vector<16xi32>
        %or3A_366 = arith.ori %scan3A_240, %and3A : vector<16xi1>
        scf.yield %add3A_358, %or3A_366, %select_n3A_364, %select_n3A_365 : vector<16xi32>, vector<16xi1>, vector<16xi32>, vector<16xi32>
      }
      %scan3A_177 = arith.constant 16 : i32
      %reduce_max3A_178 = arith.constant true
      %reduce_max3A_179 = vector.broadcast %reduce_max3A_178 : i1 to vector<16xi1>
      %reduce_max3A_180 = arith.constant -2147483648 : i32
      %reduce_max3A_181 = vector.broadcast %reduce_max3A_180 : i32 to vector<16xi32>
      %reduce_max3A_182 = arith.xori %scan3A_176#2, %reduce_max3A_181 : vector<16xi32>
      %reduce_max3A_183 = tpu.scan <max>, %reduce_max3A_182 masked %reduce_max3A_179 : vector<16xi32>, vector<16xi1> -> vector<16xi32>
      %reduce_max3A_184 = arith.xori %reduce_max3A_183, %reduce_max3A_181 : vector<16xi32>
      %reduce_max3A_185 = vector.extract %reduce_max3A_184[15] : i32 from vector<16xi32>
      %lt3A_186 = arith.cmpi slt, %broadcast_in_dim3A_3, %broadcast_in_dim3A_3 : vector<16xi32>
      %scan3A_187 = arith.constant 0 : i32
      %scan3A_188 = arith.constant 16 : i32
      %scan3A_189 = arith.addi %scan3A_187, %scan3A_188 : i32
      %scan3A_190 = arith.constant 1 : i32
      %scan3A_191:4 = scf.for %scan3A_238 = %scan3A_187 to %scan3A_189 step %scan3A_190 iter_args(%scan3A_239 = %scan3A_176#3, %scan3A_240 = %lt3A_186, %scan3A_241 = %broadcast_in_dim3A_3, %scan3A_242 = %broadcast_in_dim3A_3) -> (vector<16xi32>, vector<16xi1>, vector<16xi32>, vector<16xi32>)  : i32 {
        %sub3A_243 = arith.constant 15 : i32
        %sub3A_244 = arith.subi %sub3A_243, %scan3A_238 : i32
        %mul3A_245 = arith.constant 256 : i32
        %mul3A_246 = arith.muli %reduce_max3A_185, %mul3A_245 : i32
        %mul3A_247 = arith.constant 16 : i32
        %mul3A_248 = arith.muli %sub3A_244, %mul3A_247 : i32
        %add3A_249 = arith.addi %mul3A_246, %mul3A_248 : i32
        %get3A = arith.index_cast %add3A_249 : i32 to index
        %get3A_250 = tpu.vector_load %arg6[%get3A] {strides = array<i32>} : memref<4096xi32, #tpu.memory_space<vmem>>, vector<16xi32>,
        %reduce_sum3A = arith.constant true
        %reduce_sum3A_251 = vector.broadcast %reduce_sum3A : i1 to vector<16xi1>
        %reduce_sum3A_252 = tpu.scan <sum>, %get3A_250 masked %reduce_sum3A_251 : vector<16xi32>, vector<16xi1> -> vector<16xi32>
        %reduce_sum3A_253 = vector.extract %reduce_sum3A_252[15] : i32 from vector<16xi32>
        %add3A_254 = vector.broadcast %reduce_sum3A_253 : i32 to vector<16xi32>
        %add3A_255 = arith.addi %broadcast_in_dim3A_3, %add3A_254 : vector<16xi32>
        %add3A_256 = arith.addi %scan3A_239, %add3A_255 : vector<16xi32>
        %ge3A_257 = arith.cmpi sge, %add3A_256, %sub3A_164 : vector<16xi32>
        %not3A_258 = arith.constant dense<true> : vector<16xi1>
        %not3A_259 = arith.xori %scan3A_240, %not3A_258 : vector<16xi1>
        %and3A = arith.andi %ge3A_257, %not3A_259 : vector<16xi1>
        %mul3A_260 = arith.constant 16 : i32
        %mul3A_261 = vector.broadcast %mul3A_260 : i32 to vector<16xi32>
        %mul3A_262 = arith.muli %scan3A_176#2, %mul3A_261 : vector<16xi32>
        %add3A_263 = vector.broadcast %sub3A_244 : i32 to vector<16xi32>
        %add3A_264 = arith.addi %mul3A_262, %add3A_263 : vector<16xi32>
        %select_n3A_265 = arith.select %and3A, %add3A_264, %scan3A_241 : vector<16xi1>, vector<16xi32>
        %select_n3A_266 = arith.select %and3A, %scan3A_239, %scan3A_242 : vector<16xi1>, vector<16xi32>
        %or3A_267 = arith.ori %scan3A_240, %and3A : vector<16xi1>
        scf.yield %add3A_256, %or3A_267, %select_n3A_265, %select_n3A_266 : vector<16xi32>, vector<16xi1>, vector<16xi32>, vector<16xi32>
      }
      %scan3A_192 = arith.constant 16 : i32
      %shift_left3A_193 = arith.constant 8 : i32
      %shift_left3A_194 = vector.broadcast %shift_left3A_193 : i32 to vector<16xi32>
      %shift_left3A_195 = arith.shli %scan3A_191#2, %shift_left3A_194 : vector<16xi32>
      %or3A_196 = arith.ori %or3A_163, %shift_left3A_195 : vector<16xi32>
      %sub3A_197 = arith.subi %sub3A_164, %scan3A_191#3 : vector<16xi32>
      %parallel_loop3A_198 = arith.constant 0 : i32
      %parallel_loop3A_199 = arith.constant 6250 : i32
      %parallel_loop3A_200 = arith.constant 1 : i32
      scf.for %parallel_loop3A_238 = %parallel_loop3A_198 to %parallel_loop3A_199 step %parallel_loop3A_200  : i32 {
        %parallel_loop3A_239 = arith.constant 16 : i32
        %parallel_loop3A_240 = arith.muli %parallel_loop3A_238, %parallel_loop3A_239 : i32
        %parallel_loop3A_241 = arith.index_cast %parallel_loop3A_240 : i32 to index
        %parallel_loop3A_242 = tpu.vector_load %arg4[%parallel_loop3A_241] {strides = array<i32>} : memref<100000xf32, #tpu.memory_space<vmem>>, vector<16xf32>,
        %parallel_loop3A_243 = tpu.bitcast %parallel_loop3A_242 : vector<16xf32> -> vector<16xi32>
        %parallel_loop3A_244 = arith.constant -2147483648 : i32
        %parallel_loop3A_245 = vector.broadcast %parallel_loop3A_244 : i32 to vector<16xi32>
        %parallel_loop3A_246 = arith.cmpi uge, %parallel_loop3A_243, %parallel_loop3A_245 : vector<16xi32>
        %parallel_loop3A_247 = arith.constant dense<-1> : vector<16xi32>
        %parallel_loop3A_248 = arith.xori %parallel_loop3A_243, %parallel_loop3A_247 : vector<16xi32>
        %parallel_loop3A_249 = arith.constant -2147483648 : i32
        %parallel_loop3A_250 = vector.broadcast %parallel_loop3A_249 : i32 to vector<16xi32>
        %parallel_loop3A_251 = arith.ori %parallel_loop3A_243, %parallel_loop3A_250 : vector<16xi32>
        %parallel_loop3A_252 = arith.select %parallel_loop3A_246, %parallel_loop3A_248, %parallel_loop3A_251 : vector<16xi1>, vector<16xi32>
        %parallel_loop3A_253 = arith.constant 0 : i32
        %parallel_loop3A_254 = vector.broadcast %parallel_loop3A_253 : i32 to vector<16xi32>
        %parallel_loop3A_255 = arith.shrui %parallel_loop3A_252, %parallel_loop3A_254 : vector<16xi32>
        %parallel_loop3A_256 = arith.constant 255 : i32
        %parallel_loop3A_257 = vector.broadcast %parallel_loop3A_256 : i32 to vector<16xi32>
        %parallel_loop3A_258 = arith.andi %parallel_loop3A_255, %parallel_loop3A_257 : vector<16xi32>
        %parallel_loop3A_259 = arith.constant 5 : i32
        %parallel_loop3A_260 = arith.constant 0 : i32
        %parallel_loop3A_261 = arith.cmpi eq, %parallel_loop3A_259, %parallel_loop3A_260 : i32
        %parallel_loop3A_262 = arith.constant 1 : i32
        %parallel_loop3A_263 = arith.select %parallel_loop3A_261, %parallel_loop3A_262, %parallel_loop3A_259 : i32
        %parallel_loop3A_264 = arith.remsi %parallel_loop3A_238, %parallel_loop3A_263 : i32
        %parallel_loop3A_265 = arith.constant 0 : i32
        %parallel_loop3A_266 = arith.cmpi ne, %parallel_loop3A_264, %parallel_loop3A_265 : i32
        %parallel_loop3A_267 = arith.constant 0 : i32
        %parallel_loop3A_268 = arith.cmpi slt, %parallel_loop3A_264, %parallel_loop3A_267 : i32
        %parallel_loop3A_269 = arith.constant 0 : i32
        %parallel_loop3A_270 = arith.cmpi slt, %parallel_loop3A_263, %parallel_loop3A_269 : i32
        %parallel_loop3A_271 = arith.xori %parallel_loop3A_268, %parallel_loop3A_270 : i1
        %parallel_loop3A_272 = arith.andi %parallel_loop3A_271, %parallel_loop3A_266 : i1
        %parallel_loop3A_273 = arith.addi %parallel_loop3A_264, %parallel_loop3A_263 : i32
        %parallel_loop3A_274 = arith.select %parallel_loop3A_272, %parallel_loop3A_273, %parallel_loop3A_264 : i32
        %parallel_loop3A_275 = arith.constant 4096 : i32
        %parallel_loop3A_276 = arith.muli %parallel_loop3A_274, %parallel_loop3A_275 : i32
        %parallel_loop3A_277 = arith.constant 16 : i32
        %parallel_loop3A_278 = vector.broadcast %parallel_loop3A_277 : i32 to vector<16xi32>
        %parallel_loop3A_279 = arith.muli %parallel_loop3A_258, %parallel_loop3A_278 : vector<16xi32>
        %parallel_loop3A_280 = vector.broadcast %parallel_loop3A_276 : i32 to vector<16xi32>
        %parallel_loop3A_281 = arith.addi %parallel_loop3A_280, %parallel_loop3A_279 : vector<16xi32>
        %parallel_loop3A_282 = arith.addi %parallel_loop3A_281, %iota3A : vector<16xi32>
        %parallel_loop3A_283 = arith.constant -256 : i32
        %parallel_loop3A_284 = vector.broadcast %parallel_loop3A_283 : i32 to vector<16xi32>
        %parallel_loop3A_285 = arith.andi %parallel_loop3A_252, %parallel_loop3A_284 : vector<16xi32>
        %parallel_loop3A_286 = arith.cmpi eq, %parallel_loop3A_285, %or3A_196 : vector<16xi32>
        tpu.vector_store_idx %arg5[%parallel_loop3A_282], %broadcast_in_dim3A_1 masked %parallel_loop3A_286 {add = true} : memref<20480xi32, #tpu.memory_space<vmem>>[vector<16xi32>], vector<16xi32>, vector<16xi1>
      } {sc.loop_unroll_factor = 5 : i64, sc.parallel_access}
      %parallel_loop3A_201 = arith.constant 0 : i32
      %parallel_loop3A_202 = arith.constant 256 : i32
      %parallel_loop3A_203 = arith.constant 1 : i32
      scf.for %parallel_loop3A_238 = %parallel_loop3A_201 to %parallel_loop3A_202 step %parallel_loop3A_203  : i32 {
        %parallel_loop3A_239 = arith.constant 16 : i32
        %parallel_loop3A_240 = arith.muli %parallel_loop3A_238, %parallel_loop3A_239 : i32
        %parallel_loop3A_241 = arith.index_cast %parallel_loop3A_240 : i32 to index
        %parallel_loop3A_242 = tpu.vector_load %arg5[%parallel_loop3A_241] {strides = array<i32>} : memref<20480xi32, #tpu.memory_space<vmem>>, vector<16xi32>,
        %parallel_loop3A_243 = arith.constant 16 : i32
        %parallel_loop3A_244 = arith.muli %parallel_loop3A_238, %parallel_loop3A_243 : i32
        %parallel_loop3A_245 = arith.index_cast %parallel_loop3A_244 : i32 to index
        %parallel_loop3A_246 = tpu.vector_load %arg5[%parallel_loop3A_245] {strides = array<i32>} : memref<20480xi32, #tpu.memory_space<vmem>>, vector<16xi32>,
        tpu.vector_store %arg5[%parallel_loop3A_245], %broadcast_in_dim3A_3 {strides = array<i32>} : memref<20480xi32, #tpu.memory_space<vmem>>, vector<16xi32>,
        %parallel_loop3A_247 = arith.constant 16 : i32
        %parallel_loop3A_248 = arith.muli %parallel_loop3A_238, %parallel_loop3A_247 : i32
        %parallel_loop3A_249 = arith.constant 4096 : i32
        %parallel_loop3A_250 = arith.addi %parallel_loop3A_249, %parallel_loop3A_248 : i32
        %parallel_loop3A_251 = arith.index_cast %parallel_loop3A_250 : i32 to index
        %parallel_loop3A_252 = tpu.vector_load %arg5[%parallel_loop3A_251] {strides = array<i32>} : memref<20480xi32, #tpu.memory_space<vmem>>, vector<16xi32>,
        %parallel_loop3A_253 = arith.addi %parallel_loop3A_242, %parallel_loop3A_252 : vector<16xi32>
        %parallel_loop3A_254 = arith.constant 16 : i32
        %parallel_loop3A_255 = arith.muli %parallel_loop3A_238, %parallel_loop3A_254 : i32
        %parallel_loop3A_256 = arith.constant 4096 : i32
        %parallel_loop3A_257 = arith.addi %parallel_loop3A_256, %parallel_loop3A_255 : i32
        %parallel_loop3A_258 = arith.index_cast %parallel_loop3A_257 : i32 to index
        %parallel_loop3A_259 = tpu.vector_load %arg5[%parallel_loop3A_258] {strides = array<i32>} : memref<20480xi32, #tpu.memory_space<vmem>>, vector<16xi32>,
        tpu.vector_store %arg5[%parallel_loop3A_258], %broadcast_in_dim3A_3 {strides = array<i32>} : memref<20480xi32, #tpu.memory_space<vmem>>, vector<16xi32>,
        %parallel_loop3A_260 = arith.constant 16 : i32
        %parallel_loop3A_261 = arith.muli %parallel_loop3A_238, %parallel_loop3A_260 : i32
        %parallel_loop3A_262 = arith.constant 8192 : i32
        %parallel_loop3A_263 = arith.addi %parallel_loop3A_262, %parallel_loop3A_261 : i32
        %parallel_loop3A_264 = arith.index_cast %parallel_loop3A_263 : i32 to index
        %parallel_loop3A_265 = tpu.vector_load %arg5[%parallel_loop3A_264] {strides = array<i32>} : memref<20480xi32, #tpu.memory_space<vmem>>, vector<16xi32>,
        %parallel_loop3A_266 = arith.addi %parallel_loop3A_253, %parallel_loop3A_265 : vector<16xi32>
        %parallel_loop3A_267 = arith.constant 16 : i32
        %parallel_loop3A_268 = arith.muli %parallel_loop3A_238, %parallel_loop3A_267 : i32
        %parallel_loop3A_269 = arith.constant 8192 : i32
        %parallel_loop3A_270 = arith.addi %parallel_loop3A_269, %parallel_loop3A_268 : i32
        %parallel_loop3A_271 = arith.index_cast %parallel_loop3A_270 : i32 to index
        %parallel_loop3A_272 = tpu.vector_load %arg5[%parallel_loop3A_271] {strides = array<i32>} : memref<20480xi32, #tpu.memory_space<vmem>>, vector<16xi32>,
        tpu.vector_store %arg5[%parallel_loop3A_271], %broadcast_in_dim3A_3 {strides = array<i32>} : memref<20480xi32, #tpu.memory_space<vmem>>, vector<16xi32>,
        %parallel_loop3A_273 = arith.constant 16 : i32
        %parallel_loop3A_274 = arith.muli %parallel_loop3A_238, %parallel_loop3A_273 : i32
        %parallel_loop3A_275 = arith.constant 12288 : i32
        %parallel_loop3A_276 = arith.addi %parallel_loop3A_275, %parallel_loop3A_274 : i32
        %parallel_loop3A_277 = arith.index_cast %parallel_loop3A_276 : i32 to index
        %parallel_loop3A_278 = tpu.vector_load %arg5[%parallel_loop3A_277] {strides = array<i32>} : memref<20480xi32, #tpu.memory_space<vmem>>, vector<16xi32>,
        %parallel_loop3A_279 = arith.addi %parallel_loop3A_266, %parallel_loop3A_278 : vector<16xi32>
        %parallel_loop3A_280 = arith.constant 16 : i32
        %parallel_loop3A_281 = arith.muli %parallel_loop3A_238, %parallel_loop3A_280 : i32
        %parallel_loop3A_282 = arith.constant 12288 : i32
        %parallel_loop3A_283 = arith.addi %parallel_loop3A_282, %parallel_loop3A_281 : i32
        %parallel_loop3A_284 = arith.index_cast %parallel_loop3A_283 : i32 to index
        %parallel_loop3A_285 = tpu.vector_load %arg5[%parallel_loop3A_284] {strides = array<i32>} : memref<20480xi32, #tpu.memory_space<vmem>>, vector<16xi32>,
        tpu.vector_store %arg5[%parallel_loop3A_284], %broadcast_in_dim3A_3 {strides = array<i32>} : memref<20480xi32, #tpu.memory_space<vmem>>, vector<16xi32>,
        %parallel_loop3A_286 = arith.constant 16 : i32
        %parallel_loop3A_287 = arith.muli %parallel_loop3A_238, %parallel_loop3A_286 : i32
        %parallel_loop3A_288 = arith.constant 16384 : i32
        %parallel_loop3A_289 = arith.addi %parallel_loop3A_288, %parallel_loop3A_287 : i32
        %parallel_loop3A_290 = arith.index_cast %parallel_loop3A_289 : i32 to index
        %parallel_loop3A_291 = tpu.vector_load %arg5[%parallel_loop3A_290] {strides = array<i32>} : memref<20480xi32, #tpu.memory_space<vmem>>, vector<16xi32>,
        %parallel_loop3A_292 = arith.addi %parallel_loop3A_279, %parallel_loop3A_291 : vector<16xi32>
        %parallel_loop3A_293 = arith.constant 16 : i32
        %parallel_loop3A_294 = arith.muli %parallel_loop3A_238, %parallel_loop3A_293 : i32
        %parallel_loop3A_295 = arith.constant 16384 : i32
        %parallel_loop3A_296 = arith.addi %parallel_loop3A_295, %parallel_loop3A_294 : i32
        %parallel_loop3A_297 = arith.index_cast %parallel_loop3A_296 : i32 to index
        %parallel_loop3A_298 = tpu.vector_load %arg5[%parallel_loop3A_297] {strides = array<i32>} : memref<20480xi32, #tpu.memory_space<vmem>>, vector<16xi32>,
        tpu.vector_store %arg5[%parallel_loop3A_297], %broadcast_in_dim3A_3 {strides = array<i32>} : memref<20480xi32, #tpu.memory_space<vmem>>, vector<16xi32>,
        %parallel_loop3A_299 = arith.constant 16 : i32
        %parallel_loop3A_300 = arith.muli %parallel_loop3A_238, %parallel_loop3A_299 : i32
        %parallel_loop3A_301 = arith.index_cast %parallel_loop3A_300 : i32 to index
        %parallel_loop3A_302 = tpu.vector_load %arg6[%parallel_loop3A_301] {strides = array<i32>} : memref<4096xi32, #tpu.memory_space<vmem>>, vector<16xi32>,
        tpu.vector_store %arg6[%parallel_loop3A_301], %parallel_loop3A_292 {strides = array<i32>} : memref<4096xi32, #tpu.memory_space<vmem>>, vector<16xi32>,
      } {sc.loop_unroll_factor = 4 : i64, sc.parallel_access}
      %lt3A_204 = arith.cmpi slt, %broadcast_in_dim3A_3, %broadcast_in_dim3A_3 : vector<16xi32>
      %scan3A_205 = arith.constant 0 : i32
      %scan3A_206 = arith.constant 16 : i32
      %scan3A_207 = arith.addi %scan3A_205, %scan3A_206 : i32
      %scan3A_208 = arith.constant 1 : i32
      %scan3A_209:4 = scf.for %scan3A_238 = %scan3A_205 to %scan3A_207 step %scan3A_208 iter_args(%scan3A_239 = %broadcast_in_dim3A_3, %scan3A_240 = %lt3A_204, %scan3A_241 = %broadcast_in_dim3A_3, %scan3A_242 = %broadcast_in_dim3A_3) -> (vector<16xi32>, vector<16xi1>, vector<16xi32>, vector<16xi32>)  : i32 {
        %sub3A_243 = arith.constant 15 : i32
        %sub3A_244 = arith.subi %sub3A_243, %scan3A_238 : i32
        %mul3A_245 = arith.constant 256 : i32
        %mul3A_246 = arith.muli %sub3A_244, %mul3A_245 : i32
        %get3A = arith.index_cast %mul3A_246 : i32 to index
        %get3A_247 = tpu.vector_load %arg6[%get3A] {strides = array<i32>} : memref<4096xi32, #tpu.memory_space<vmem>>, vector<16xi32>,
        %mul3A_248 = arith.constant 256 : i32
        %mul3A_249 = arith.muli %sub3A_244, %mul3A_248 : i32
        %add3A_250 = arith.constant 16 : i32
        %add3A_251 = arith.addi %mul3A_249, %add3A_250 : i32
        %get3A_252 = arith.index_cast %add3A_251 : i32 to index
        %get3A_253 = tpu.vector_load %arg6[%get3A_252] {strides = array<i32>} : memref<4096xi32, #tpu.memory_space<vmem>>, vector<16xi32>,
        %add3A_254 = arith.addi %get3A_247, %get3A_253 : vector<16xi32>
        %mul3A_255 = arith.constant 256 : i32
        %mul3A_256 = arith.muli %sub3A_244, %mul3A_255 : i32
        %add3A_257 = arith.constant 32 : i32
        %add3A_258 = arith.addi %mul3A_256, %add3A_257 : i32
        %get3A_259 = arith.index_cast %add3A_258 : i32 to index
        %get3A_260 = tpu.vector_load %arg6[%get3A_259] {strides = array<i32>} : memref<4096xi32, #tpu.memory_space<vmem>>, vector<16xi32>,
        %add3A_261 = arith.addi %add3A_254, %get3A_260 : vector<16xi32>
        %mul3A_262 = arith.constant 256 : i32
        %mul3A_263 = arith.muli %sub3A_244, %mul3A_262 : i32
        %add3A_264 = arith.constant 48 : i32
        %add3A_265 = arith.addi %mul3A_263, %add3A_264 : i32
        %get3A_266 = arith.index_cast %add3A_265 : i32 to index
        %get3A_267 = tpu.vector_load %arg6[%get3A_266] {strides = array<i32>} : memref<4096xi32, #tpu.memory_space<vmem>>, vector<16xi32>,
        %add3A_268 = arith.addi %add3A_261, %get3A_267 : vector<16xi32>
        %mul3A_269 = arith.constant 256 : i32
        %mul3A_270 = arith.muli %sub3A_244, %mul3A_269 : i32
        %add3A_271 = arith.constant 64 : i32
        %add3A_272 = arith.addi %mul3A_270, %add3A_271 : i32
        %get3A_273 = arith.index_cast %add3A_272 : i32 to index
        %get3A_274 = tpu.vector_load %arg6[%get3A_273] {strides = array<i32>} : memref<4096xi32, #tpu.memory_space<vmem>>, vector<16xi32>,
        %add3A_275 = arith.addi %add3A_268, %get3A_274 : vector<16xi32>
        %mul3A_276 = arith.constant 256 : i32
        %mul3A_277 = arith.muli %sub3A_244, %mul3A_276 : i32
        %add3A_278 = arith.constant 80 : i32
        %add3A_279 = arith.addi %mul3A_277, %add3A_278 : i32
        %get3A_280 = arith.index_cast %add3A_279 : i32 to index
        %get3A_281 = tpu.vector_load %arg6[%get3A_280] {strides = array<i32>} : memref<4096xi32, #tpu.memory_space<vmem>>, vector<16xi32>,
        %add3A_282 = arith.addi %add3A_275, %get3A_281 : vector<16xi32>
        %mul3A_283 = arith.constant 256 : i32
        %mul3A_284 = arith.muli %sub3A_244, %mul3A_283 : i32
        %add3A_285 = arith.constant 96 : i32
        %add3A_286 = arith.addi %mul3A_284, %add3A_285 : i32
        %get3A_287 = arith.index_cast %add3A_286 : i32 to index
        %get3A_288 = tpu.vector_load %arg6[%get3A_287] {strides = array<i32>} : memref<4096xi32, #tpu.memory_space<vmem>>, vector<16xi32>,
        %add3A_289 = arith.addi %add3A_282, %get3A_288 : vector<16xi32>
        %mul3A_290 = arith.constant 256 : i32
        %mul3A_291 = arith.muli %sub3A_244, %mul3A_290 : i32
        %add3A_292 = arith.constant 112 : i32
        %add3A_293 = arith.addi %mul3A_291, %add3A_292 : i32
        %get3A_294 = arith.index_cast %add3A_293 : i32 to index
        %get3A_295 = tpu.vector_load %arg6[%get3A_294] {strides = array<i32>} : memref<4096xi32, #tpu.memory_space<vmem>>, vector<16xi32>,
        %add3A_296 = arith.addi %add3A_289, %get3A_295 : vector<16xi32>
        %mul3A_297 = arith.constant 256 : i32
        %mul3A_298 = arith.muli %sub3A_244, %mul3A_297 : i32
        %add3A_299 = arith.constant 128 : i32
        %add3A_300 = arith.addi %mul3A_298, %add3A_299 : i32
        %get3A_301 = arith.index_cast %add3A_300 : i32 to index
        %get3A_302 = tpu.vector_load %arg6[%get3A_301] {strides = array<i32>} : memref<4096xi32, #tpu.memory_space<vmem>>, vector<16xi32>,
        %add3A_303 = arith.addi %add3A_296, %get3A_302 : vector<16xi32>
        %mul3A_304 = arith.constant 256 : i32
        %mul3A_305 = arith.muli %sub3A_244, %mul3A_304 : i32
        %add3A_306 = arith.constant 144 : i32
        %add3A_307 = arith.addi %mul3A_305, %add3A_306 : i32
        %get3A_308 = arith.index_cast %add3A_307 : i32 to index
        %get3A_309 = tpu.vector_load %arg6[%get3A_308] {strides = array<i32>} : memref<4096xi32, #tpu.memory_space<vmem>>, vector<16xi32>,
        %add3A_310 = arith.addi %add3A_303, %get3A_309 : vector<16xi32>
        %mul3A_311 = arith.constant 256 : i32
        %mul3A_312 = arith.muli %sub3A_244, %mul3A_311 : i32
        %add3A_313 = arith.constant 160 : i32
        %add3A_314 = arith.addi %mul3A_312, %add3A_313 : i32
        %get3A_315 = arith.index_cast %add3A_314 : i32 to index
        %get3A_316 = tpu.vector_load %arg6[%get3A_315] {strides = array<i32>} : memref<4096xi32, #tpu.memory_space<vmem>>, vector<16xi32>,
        %add3A_317 = arith.addi %add3A_310, %get3A_316 : vector<16xi32>
        %mul3A_318 = arith.constant 256 : i32
        %mul3A_319 = arith.muli %sub3A_244, %mul3A_318 : i32
        %add3A_320 = arith.constant 176 : i32
        %add3A_321 = arith.addi %mul3A_319, %add3A_320 : i32
        %get3A_322 = arith.index_cast %add3A_321 : i32 to index
        %get3A_323 = tpu.vector_load %arg6[%get3A_322] {strides = array<i32>} : memref<4096xi32, #tpu.memory_space<vmem>>, vector<16xi32>,
        %add3A_324 = arith.addi %add3A_317, %get3A_323 : vector<16xi32>
        %mul3A_325 = arith.constant 256 : i32
        %mul3A_326 = arith.muli %sub3A_244, %mul3A_325 : i32
        %add3A_327 = arith.constant 192 : i32
        %add3A_328 = arith.addi %mul3A_326, %add3A_327 : i32
        %get3A_329 = arith.index_cast %add3A_328 : i32 to index
        %get3A_330 = tpu.vector_load %arg6[%get3A_329] {strides = array<i32>} : memref<4096xi32, #tpu.memory_space<vmem>>, vector<16xi32>,
        %add3A_331 = arith.addi %add3A_324, %get3A_330 : vector<16xi32>
        %mul3A_332 = arith.constant 256 : i32
        %mul3A_333 = arith.muli %sub3A_244, %mul3A_332 : i32
        %add3A_334 = arith.constant 208 : i32
        %add3A_335 = arith.addi %mul3A_333, %add3A_334 : i32
        %get3A_336 = arith.index_cast %add3A_335 : i32 to index
        %get3A_337 = tpu.vector_load %arg6[%get3A_336] {strides = array<i32>} : memref<4096xi32, #tpu.memory_space<vmem>>, vector<16xi32>,
        %add3A_338 = arith.addi %add3A_331, %get3A_337 : vector<16xi32>
        %mul3A_339 = arith.constant 256 : i32
        %mul3A_340 = arith.muli %sub3A_244, %mul3A_339 : i32
        %add3A_341 = arith.constant 224 : i32
        %add3A_342 = arith.addi %mul3A_340, %add3A_341 : i32
        %get3A_343 = arith.index_cast %add3A_342 : i32 to index
        %get3A_344 = tpu.vector_load %arg6[%get3A_343] {strides = array<i32>} : memref<4096xi32, #tpu.memory_space<vmem>>, vector<16xi32>,
        %add3A_345 = arith.addi %add3A_338, %get3A_344 : vector<16xi32>
        %mul3A_346 = arith.constant 256 : i32
        %mul3A_347 = arith.muli %sub3A_244, %mul3A_346 : i32
        %add3A_348 = arith.constant 240 : i32
        %add3A_349 = arith.addi %mul3A_347, %add3A_348 : i32
        %get3A_350 = arith.index_cast %add3A_349 : i32 to index
        %get3A_351 = tpu.vector_load %arg6[%get3A_350] {strides = array<i32>} : memref<4096xi32, #tpu.memory_space<vmem>>, vector<16xi32>,
        %add3A_352 = arith.addi %add3A_345, %get3A_351 : vector<16xi32>
        %reduce_sum3A = arith.constant true
        %reduce_sum3A_353 = vector.broadcast %reduce_sum3A : i1 to vector<16xi1>
        %reduce_sum3A_354 = tpu.scan <sum>, %add3A_352 masked %reduce_sum3A_353 : vector<16xi32>, vector<16xi1> -> vector<16xi32>
        %reduce_sum3A_355 = vector.extract %reduce_sum3A_354[15] : i32 from vector<16xi32>
        %add3A_356 = vector.broadcast %reduce_sum3A_355 : i32 to vector<16xi32>
        %add3A_357 = arith.addi %broadcast_in_dim3A_3, %add3A_356 : vector<16xi32>
        %add3A_358 = arith.addi %scan3A_239, %add3A_357 : vector<16xi32>
        %ge3A_359 = arith.cmpi sge, %add3A_358, %sub3A_197 : vector<16xi32>
        %not3A_360 = arith.constant dense<true> : vector<16xi1>
        %not3A_361 = arith.xori %scan3A_240, %not3A_360 : vector<16xi1>
        %and3A = arith.andi %ge3A_359, %not3A_361 : vector<16xi1>
        %add3A_362 = vector.broadcast %sub3A_244 : i32 to vector<16xi32>
        %add3A_363 = arith.addi %broadcast_in_dim3A_3, %add3A_362 : vector<16xi32>
        %select_n3A_364 = arith.select %and3A, %add3A_363, %scan3A_241 : vector<16xi1>, vector<16xi32>
        %select_n3A_365 = arith.select %and3A, %scan3A_239, %scan3A_242 : vector<16xi1>, vector<16xi32>
        %or3A_366 = arith.ori %scan3A_240, %and3A : vector<16xi1>
        scf.yield %add3A_358, %or3A_366, %select_n3A_364, %select_n3A_365 : vector<16xi32>, vector<16xi1>, vector<16xi32>, vector<16xi32>
      }
      %scan3A_210 = arith.constant 16 : i32
      %reduce_max3A_211 = arith.constant true
      %reduce_max3A_212 = vector.broadcast %reduce_max3A_211 : i1 to vector<16xi1>
      %reduce_max3A_213 = arith.constant -2147483648 : i32
      %reduce_max3A_214 = vector.broadcast %reduce_max3A_213 : i32 to vector<16xi32>
      %reduce_max3A_215 = arith.xori %scan3A_209#2, %reduce_max3A_214 : vector<16xi32>
      %reduce_max3A_216 = tpu.scan <max>, %reduce_max3A_215 masked %reduce_max3A_212 : vector<16xi32>, vector<16xi1> -> vector<16xi32>
      %reduce_max3A_217 = arith.xori %reduce_max3A_216, %reduce_max3A_214 : vector<16xi32>
      %reduce_max3A_218 = vector.extract %reduce_max3A_217[15] : i32 from vector<16xi32>
      %lt3A_219 = arith.cmpi slt, %broadcast_in_dim3A_3, %broadcast_in_dim3A_3 : vector<16xi32>
      %scan3A_220 = arith.constant 0 : i32
      %scan3A_221 = arith.constant 16 : i32
      %scan3A_222 = arith.addi %scan3A_220, %scan3A_221 : i32
      %scan3A_223 = arith.constant 1 : i32
      %scan3A_224:4 = scf.for %scan3A_238 = %scan3A_220 to %scan3A_222 step %scan3A_223 iter_args(%scan3A_239 = %scan3A_209#3, %scan3A_240 = %lt3A_219, %scan3A_241 = %broadcast_in_dim3A_3, %scan3A_242 = %broadcast_in_dim3A_3) -> (vector<16xi32>, vector<16xi1>, vector<16xi32>, vector<16xi32>)  : i32 {
        %sub3A_243 = arith.constant 15 : i32
        %sub3A_244 = arith.subi %sub3A_243, %scan3A_238 : i32
        %mul3A_245 = arith.constant 256 : i32
        %mul3A_246 = arith.muli %reduce_max3A_218, %mul3A_245 : i32
        %mul3A_247 = arith.constant 16 : i32
        %mul3A_248 = arith.muli %sub3A_244, %mul3A_247 : i32
        %add3A_249 = arith.addi %mul3A_246, %mul3A_248 : i32
        %get3A = arith.index_cast %add3A_249 : i32 to index
        %get3A_250 = tpu.vector_load %arg6[%get3A] {strides = array<i32>} : memref<4096xi32, #tpu.memory_space<vmem>>, vector<16xi32>,
        %reduce_sum3A = arith.constant true
        %reduce_sum3A_251 = vector.broadcast %reduce_sum3A : i1 to vector<16xi1>
        %reduce_sum3A_252 = tpu.scan <sum>, %get3A_250 masked %reduce_sum3A_251 : vector<16xi32>, vector<16xi1> -> vector<16xi32>
        %reduce_sum3A_253 = vector.extract %reduce_sum3A_252[15] : i32 from vector<16xi32>
        %add3A_254 = vector.broadcast %reduce_sum3A_253 : i32 to vector<16xi32>
        %add3A_255 = arith.addi %broadcast_in_dim3A_3, %add3A_254 : vector<16xi32>
        %add3A_256 = arith.addi %scan3A_239, %add3A_255 : vector<16xi32>
        %ge3A_257 = arith.cmpi sge, %add3A_256, %sub3A_197 : vector<16xi32>
        %not3A_258 = arith.constant dense<true> : vector<16xi1>
        %not3A_259 = arith.xori %scan3A_240, %not3A_258 : vector<16xi1>
        %and3A = arith.andi %ge3A_257, %not3A_259 : vector<16xi1>
        %mul3A_260 = arith.constant 16 : i32
        %mul3A_261 = vector.broadcast %mul3A_260 : i32 to vector<16xi32>
        %mul3A_262 = arith.muli %scan3A_209#2, %mul3A_261 : vector<16xi32>
        %add3A_263 = vector.broadcast %sub3A_244 : i32 to vector<16xi32>
        %add3A_264 = arith.addi %mul3A_262, %add3A_263 : vector<16xi32>
        %select_n3A_265 = arith.select %and3A, %add3A_264, %scan3A_241 : vector<16xi1>, vector<16xi32>
        %select_n3A_266 = arith.select %and3A, %scan3A_239, %scan3A_242 : vector<16xi1>, vector<16xi32>
        %or3A_267 = arith.ori %scan3A_240, %and3A : vector<16xi1>
        scf.yield %add3A_256, %or3A_267, %select_n3A_265, %select_n3A_266 : vector<16xi32>, vector<16xi1>, vector<16xi32>, vector<16xi32>
      }
      %scan3A_225 = arith.constant 16 : i32
      %shift_left3A_226 = arith.constant 0 : i32
      %shift_left3A_227 = vector.broadcast %shift_left3A_226 : i32 to vector<16xi32>
      %shift_left3A_228 = arith.shli %scan3A_224#2, %shift_left3A_227 : vector<16xi32>
      %or3A_229 = arith.ori %or3A_196, %shift_left3A_228 : vector<16xi32>
      %sub3A_230 = arith.subi %sub3A_197, %scan3A_224#3 : vector<16xi32>
      %ge3A = arith.constant -2147483648 : i32
      %ge3A_231 = vector.broadcast %ge3A : i32 to vector<16xi32>
      %ge3A_232 = arith.cmpi uge, %or3A_229, %ge3A_231 : vector<16xi32>
      %xor3A = arith.constant -2147483648 : i32
      %xor3A_233 = vector.broadcast %xor3A : i32 to vector<16xi32>
      %xor3A_234 = arith.xori %or3A_229, %xor3A_233 : vector<16xi32>
      %not3A = arith.constant dense<-1> : vector<16xi32>
      %not3A_235 = arith.xori %or3A_229, %not3A : vector<16xi32>
      %select_n3A = arith.select %ge3A_232, %xor3A_234, %not3A_235 : vector<16xi1>, vector<16xi32>
      %bitcast_convert_type3A = tpu.bitcast %select_n3A : vector<16xi32> -> vector<16xf32>
      %eq3A = vector.broadcast %scan3A_14 : i32 to vector<16xi32>
      %eq3A_236 = arith.cmpi eq, %iota3A, %eq3A : vector<16xi32>
      %select_n3A_237 = arith.select %eq3A_236, %bitcast_convert_type3A, %scan3A_15 : vector<16xi1>, vector<16xf32>
      scf.yield %select_n3A_237 : vector<16xf32>
    }
    %scan3A_12 = arith.constant 4 : i32
    %swap3A = arith.constant 0 : index
    %swap3A_13 = tpu.vector_load %arg7[%swap3A] {strides = array<i32>} : memref<16xf32, #tpu.memory_space<vmem>>, vector<16xf32>,
    tpu.vector_store %arg7[%swap3A], %scan3A_11 {strides = array<i32>} : memref<16xf32, #tpu.memory_space<vmem>>, vector<16xf32>,
    "tpu.region"() ({
      %run_scoped3A = tpu.sem_alloc : memref<!tpu.dma_semaphore, #tpu.memory_space<semaphore_mem>>
      %dma_start3A = arith.constant 0 : i32
      %dma_start3A_14 = tpu.memref_slice %arg3[%add3A, %dma_start3A] : memref<32x16xf32, #tpu.memory_space<hbm>> -> memref<1x16xf32, #tpu.memory_space<hbm>>
      %dma_start3A_15 = tpu.memref_squeeze %dma_start3A_14 : memref<1x16xf32, #tpu.memory_space<hbm>> -> memref<16xf32, #tpu.memory_space<hbm>>
      %dma_start3A_16 = arith.constant 0 : i32
      %dma_start3A_17 = tpu.memref_slice %arg3[%add3A, %dma_start3A_16] : memref<32x16xf32, #tpu.memory_space<hbm>> -> memref<1x16xf32, #tpu.memory_space<hbm>>
      %dma_start3A_18 = tpu.memref_squeeze %dma_start3A_17 : memref<1x16xf32, #tpu.memory_space<hbm>> -> memref<16xf32, #tpu.memory_space<hbm>>
      tpu.enqueue_dma source(%arg7 : memref<16xf32, #tpu.memory_space<vmem>>) target(%dma_start3A_18 : memref<16xf32, #tpu.memory_space<hbm>>) target_semaphore(%run_scoped3A : memref<!tpu.dma_semaphore, #tpu.memory_space<semaphore_mem>>)
      %dma_wait3A = arith.constant 0 : i32
      %dma_wait3A_19 = tpu.memref_slice %arg3[%add3A, %dma_wait3A] : memref<32x16xf32, #tpu.memory_space<hbm>> -> memref<1x16xf32, #tpu.memory_space<hbm>>
      %dma_wait3A_20 = tpu.memref_squeeze %dma_wait3A_19 : memref<1x16xf32, #tpu.memory_space<hbm>> -> memref<16xf32, #tpu.memory_space<hbm>>
      %dma_wait3A_21 = arith.constant 0 : i32
      %dma_wait3A_22 = tpu.memref_slice %arg3[%add3A, %dma_wait3A_21] : memref<32x16xf32, #tpu.memory_space<hbm>> -> memref<1x16xf32, #tpu.memory_space<hbm>>
      %dma_wait3A_23 = tpu.memref_squeeze %dma_wait3A_22 : memref<1x16xf32, #tpu.memory_space<hbm>> -> memref<16xf32, #tpu.memory_space<hbm>>
      tpu.wait_dma2 semaphore(%run_scoped3A : memref<!tpu.dma_semaphore, #tpu.memory_space<semaphore_mem>>) src(%arg7 : memref<16xf32, #tpu.memory_space<vmem>>) dst(%dma_wait3A_23 : memref<16xf32, #tpu.memory_space<hbm>>)
      tpu.yield
    }) : () -> ()
    return
  }
}

module attributes {stable_mosaic.version = 14 : i64} {
  func.func @_tc_body(%arg0: i32, %arg1: memref<16x100000xf32, #tpu.memory_space<vmem>>, %arg2: memref<16x1xf32, #tpu.memory_space<vmem>>, %arg3: memref<16x100000xf32, #tpu.memory_space<vmem>>, %arg4: memref<16x100000xf32, #tpu.memory_space<vmem>>, %arg5: memref<16x1xi32, #tpu.memory_space<vmem>>) attributes {dimension_semantics = [#tpu.dimension_semantics<arbitrary>], iteration_bounds = array<i64: 8>, scalar_prefetch = 0 : i64, scratch_operands = 0 : i64, tpu.core_type = #tpu.core_type<tc>, window_params = [{transform_indices = @transform_0, window_bounds = array<i64: 16, 100000>}, {transform_indices = @transform_1, window_bounds = array<i64: 16, 1>}, {transform_indices = @transform_2, window_bounds = array<i64: 16, 100000>}, {transform_indices = @transform_3, window_bounds = array<i64: 16, 100000>}, {transform_indices = @transform_4, window_bounds = array<i64: 16, 1>}]} {
    %get3A = arith.constant 0 : index
    %get3A_0 = arith.constant 0 : index
    %get3A_1 = vector.load %arg1[%get3A, %get3A_0] : memref<16x100000xf32, #tpu.memory_space<vmem>>, vector<16x100000xf32>
    %get3A_2 = arith.constant 0 : index
    %get3A_3 = arith.constant 0 : index
    %get3A_4 = vector.load %arg2[%get3A_2, %get3A_3] : memref<16x1xf32, #tpu.memory_space<vmem>>, vector<16x1xf32>
    %reduce_max3A = arith.constant dense<0xFF800000> : vector<16xf32>
    %reduce_max3A_5 = vector.multi_reduction <maximumf>, %get3A_1, %reduce_max3A [1] : vector<16x100000xf32> to vector<16xf32>
    %broadcast_in_dim3A = vector.shape_cast %reduce_max3A_5 : vector<16xf32> to vector<16x1xf32>
    %ge3A = vector.broadcast %get3A_4 : vector<16x1xf32> to vector<16x100000xf32>
    %ge3A_6 = arith.cmpf oge, %get3A_1, %ge3A : vector<16x100000xf32>
    %sub3A = vector.broadcast %broadcast_in_dim3A : vector<16x1xf32> to vector<16x100000xf32>
    %sub3A_7 = arith.subf %get3A_1, %sub3A : vector<16x100000xf32>
    %exp3A = math.exp %sub3A_7 : vector<16x100000xf32>
    %jit3A = arith.constant 0.000000e+00 : f32
    %broadcast_in_dim3A_8 = vector.broadcast %jit3A : f32 to vector<16x100000xf32>
    %select_n3A = arith.select %ge3A_6, %exp3A, %broadcast_in_dim3A_8 : vector<16x100000xi1>, vector<16x100000xf32>
    %reduce_sum3A = arith.constant dense<0.000000e+00> : vector<16xf32>
    %reduce_sum3A_9 = vector.multi_reduction <add>, %select_n3A, %reduce_sum3A [1] : vector<16x100000xf32> to vector<16xf32>
    %broadcast_in_dim3A_10 = vector.shape_cast %reduce_sum3A_9 : vector<16xf32> to vector<16x1xf32>
    %div3A = vector.broadcast %broadcast_in_dim3A_10 : vector<16x1xf32> to vector<16x100000xf32>
    %div3A_11 = arith.divf %select_n3A, %div3A : vector<16x100000xf32>
    %swap3A = arith.constant 0 : index
    %swap3A_12 = arith.constant 0 : index
    %swap3A_13 = vector.load %arg4[%swap3A, %swap3A_12] : memref<16x100000xf32, #tpu.memory_space<vmem>>, vector<16x100000xf32>
    tpu.vector_store %arg4[%swap3A, %swap3A_12], %div3A_11 {strides = array<i32>} : memref<16x100000xf32, #tpu.memory_space<vmem>>, vector<16x100000xf32>,
    %jit3A_14 = arith.constant 9.99999968E-21 : f32
    %jit3A_15 = arith.constant 1.000000e+00 : f32
    %max3A = vector.broadcast %jit3A_14 : f32 to vector<16x100000xf32>
    %max3A_16 = arith.maximumf %max3A, %div3A_11 : vector<16x100000xf32>
    %min3A = vector.broadcast %jit3A_15 : f32 to vector<16x100000xf32>
    %min3A_17 = arith.minimumf %min3A, %max3A_16 : vector<16x100000xf32>
    %log3A = math.log %min3A_17 : vector<16x100000xf32>
    %get3A_18 = arith.constant 0 : index
    %get3A_19 = arith.constant 0 : index
    %get3A_20 = vector.load %arg3[%get3A_18, %get3A_19] : memref<16x100000xf32, #tpu.memory_space<vmem>>, vector<16x100000xf32>
    %add3A = arith.addf %log3A, %get3A_20 : vector<16x100000xf32>
    %reduce_max3A_21 = arith.constant dense<0xFF800000> : vector<16xf32>
    %reduce_max3A_22 = vector.multi_reduction <maximumf>, %add3A, %reduce_max3A_21 [1] : vector<16x100000xf32> to vector<16xf32>
    %broadcast_in_dim3A_23 = vector.shape_cast %reduce_max3A_22 : vector<16xf32> to vector<16x1xf32>
    %iota3A = tpu.iota {dimensions = array<i32: 1>} : vector<16x100000xi32>
    %eq3A = vector.broadcast %broadcast_in_dim3A_23 : vector<16x1xf32> to vector<16x100000xf32>
    %eq3A_24 = arith.cmpf oeq, %add3A, %eq3A : vector<16x100000xf32>
    %jit3A_25 = arith.constant 1073741824 : i32
    %broadcast_in_dim3A_26 = vector.broadcast %jit3A_25 : i32 to vector<16x100000xi32>
    %select_n3A_27 = arith.select %eq3A_24, %iota3A, %broadcast_in_dim3A_26 : vector<16x100000xi1>, vector<16x100000xi32>
    %reduce_min3A = arith.constant dense<2147483647> : vector<16xi32>
    %reduce_min3A_28 = vector.multi_reduction <minsi>, %select_n3A_27, %reduce_min3A [1] : vector<16x100000xi32> to vector<16xi32>
    %broadcast_in_dim3A_29 = vector.shape_cast %reduce_min3A_28 : vector<16xi32> to vector<16x1xi32>
    %swap3A_30 = arith.constant 0 : index
    %swap3A_31 = arith.constant 0 : index
    %swap3A_32 = vector.load %arg5[%swap3A_30, %swap3A_31] : memref<16x1xi32, #tpu.memory_space<vmem>>, vector<16x1xi32>
    tpu.vector_store %arg5[%swap3A_30, %swap3A_31], %broadcast_in_dim3A_29 {strides = array<i32>} : memref<16x1xi32, #tpu.memory_space<vmem>>, vector<16x1xi32>,
    return
  }
  func.func @transform_0(%arg0: i32) -> (i32, i32) {
    %c0_i32 = arith.constant 0 : i32
    %c0_i32_0 = arith.constant 0 : i32
    return %arg0, %c0_i32 : i32, i32
  }
  func.func @transform_1(%arg0: i32) -> (i32, i32) {
    %c0_i32 = arith.constant 0 : i32
    %c0_i32_0 = arith.constant 0 : i32
    return %arg0, %c0_i32 : i32, i32
  }
  func.func @transform_2(%arg0: i32) -> (i32, i32) {
    %c0_i32 = arith.constant 0 : i32
    %c0_i32_0 = arith.constant 0 : i32
    return %arg0, %c0_i32 : i32, i32
  }
  func.func @transform_3(%arg0: i32) -> (i32, i32) {
    %c0_i32 = arith.constant 0 : i32
    %c0_i32_0 = arith.constant 0 : i32
    return %arg0, %c0_i32 : i32, i32
  }
  func.func @transform_4(%arg0: i32) -> (i32, i32) {
    %c0_i32 = arith.constant 0 : i32
    %c0_i32_0 = arith.constant 0 : i32
    return %arg0, %c0_i32 : i32, i32
  }
}

</mosaic_0001>

<sc_bundles>
// kernel: kernel.4.cloned.1.call-start
scs
__scs_entry_jumppad:
0x0: {  	(pc) =	sbr.rel $0x88, $3  }
0x1: {  	(tag) =	ssettag $0x0;
	lr =	simm.s32 $0x1  }
0x2: {  	[smem:$0x3FA0] =	sst lr;
	_ =	strace $0xD0000000  }
0x3: {  	_ = 	snop  }
0x4: {  	_ = 	snop  }
0x5: {  	_ = 	snop  }
0x6: {  	_ = 	snop  }
0x7: {  	_ = 	snop  }
__scs_overlays_trampoline_lowered:
0x8: {  	[smem:$0x3FAF] =	sst s0  }
0x9: {  	[smem:$0x3FB0] =	sst s1  }
0xa: {  	[smem:$0x3FB1] =	sst s2  }
0xb: {  	[smem:$0x3FB2] =	sst s3  }
0xc: {  	[smem:$0x3FB3] =	sst s4  }
0xd: {  	[smem:$0x3FB4] =	sst s5  }
0xe: {  	[smem:$0x3FB5] =	sst s6  }
0xf: {  	[smem:$0x3FB6] =	sst s7  }
0x10: {  	[smem:$0x3FB7] =	sst s8  }
0x11: {  	[smem:$0x3FB8] =	sst s9;
	s0 =	simm.s32 @!p0 $0x0  }
0x12: {  	s1 =	sld [smem:$0x3F9E];
	s0 =	simm.s32 @p0 $0x1  }
0x13: {  	[smem:$0x3FB9] =	sst s0;
	s0 =	simm.s32 @!p1 $0x0  }
0x14: {  	s2 =	sld [smem:$0x3F9D];
	s0 =	simm.s32 @p1 $0x1  }
0x15: {  	[smem:$0x3FBA] =	sst s0;
	s0 =	simm.s32 @!p2 $0x0  }
0x16: {  	s3 =	sld [smem:$0x3FDB];
	s0 =	simm.s32 @p2 $0x1  }
0x17: {  	s4 =	simm.s32 $0x1BF5;
	[smem:$0x3FBC] =	sst s0  }
0x18: {  	s0 =	sld [smem:$0x3F9F];
	_ =	swait.ge [sflag:s4], $0x0  }
0x19: {  	s7 =	sld [smem:$0x3FA0]  }
0x1a: {  	s8 =	sadd.s32 $0xFFFFE003, lr  }
0x1b: {  	s9 =	sadd.s32 $0xFFFFFEF7, lr;
	s5 =	simm.s32 $0xFFFFFFFF;
	p2 =	slt.u32 s8, $0xFFFFF086  }
0x1c: {  	p1 =	slt.u32 s9, $0xF7A;
	s5 =	simm.s32 @!p2 $0x0  }
0x1d: {  	s5 =	simm.s32 @p1 $0x1;
	p0 =	seq.s32 s7, s2  }
0x1e: {  	s7 =	smul.u32 @!p0 $0xF7A, s2;
	p2 =	seq.s32 @!p0 s5, $0x0  }
0x1f: {  	s9 =	smul.u32 $0xF7A, s1;
	s8 =	simm.s32 @!p0 $0x1BF5;
	p2 =	por !p2, p0  }
0x20: {  	[sflag:s8] =	ssyncset.s32 @!p0 $0xFFFFF086;
	s6 =	sadd.s32 @!p0 s3, s7;
	s7 =	simm.s32 @!p0 $0x108  }
0x21: {  	s3 =	sadd.s32 s3, s9;
	s6 =	sadd.s32 @!p0 $0x88, s6;
	s7 =	simm.s32 @p2 $0x1082  }
0x22: {  	[simem:s7], [sflag:s8] =	dma.local @!p0 [hbm:s6], $0xF7A  }
0x23: {  	s9 =	sor.u32 $0xD0000000, s2;
	s6 =	simm.s32 $0x108;
	_ =	swait.ge @!p0 [sflag:s8], $0x0  }
0x24: {  	s3 =	sadd.s32 $0x88, s3;
	s6 =	simm.s32 @!p1 $0x1082;
	[sflag:s4] =	ssyncset.s32 $0xFFFFF086  }
0x25: {  	[simem:s6], [sflag:s4] =	dma.local [hbm:s3], $0xF7A  }
0x26: {  	[smem:$0x3FA0] =	sst s1;
	(tag) =	ssettag s2;
	_ =	strace s9  }
0x27: {  	s1 =	sld [smem:$0x3FB0]  }
0x28: {  	s2 =	sld [smem:$0x3FB1]  }
0x29: {  	s4 =	sld [smem:$0x3FB3]  }
0x2a: {  	p0 =	seq.s32 s5, $0x0;
	s5 =	sld [smem:$0x3FB4]  }
0x2b: {  	s6 =	sld [smem:$0x3FB5]  }
0x2c: {  	s7 =	sld [smem:$0x3FB6]  }
0x2d: {  	s3 =	simm.s32 $0x108;
	s8 =	sld [smem:$0x3FB7]  }
0x2e: {  	s3 =	simm.s32 @!p0 $0x1082;
	s9 =	sld [smem:$0x3FB8]  }
0x2f: {  	lr =	sadd.s32 s0, s3;
	s0 =	sld [smem:$0x3FAF]  }
0x30: {  	s3 =	sld [smem:$0x3FB2]  }
0x31: {  	[smem:$0x3FBB] =	sst s10  }
0x32: {  	s10 =	sld [smem:$0x3FB9];
	_ =	sdelay $0x3  }
0x33: {  	p0 =	seq.s32 s10, $0x1;
	s10 =	sld [smem:$0x3FBB];
	_ =	sdelay $0x3  }
0x34: {  	[smem:$0x3FBB] =	sst s10  }
0x35: {  	s10 =	sld [smem:$0x3FBA];
	_ =	sdelay $0x3  }
0x36: {  	p1 =	seq.s32 s10, $0x1;
	s10 =	sld [smem:$0x3FBB];
	_ =	sdelay $0x3  }
0x37: {  	[smem:$0x3FBB] =	sst s10  }
0x38: {  	s10 =	sld [smem:$0x3FBC]  }
0x39: {  	_ = 	snop;
	(pc) =	sbr.ind lr, $3  }
0x3a: {  	_ = 	snop  }
0x3b: {  	_ = 	snop  }
0x3c: {  	p2 =	seq.s32 s10, $0x1;
	s10 =	sld [smem:$0x3FBB]  }
0x3d: {  	_ =	shalt  }
0x3e: {  	_ =	shalt  }
0x3f: {  	_ =	shalt  }
0x40: {  	_ =	shalt  }
0x41: {  	_ =	shalt  }
0x42: {  	_ =	shalt  }
0x43: {  	_ =	shalt  }
0x44: {  	_ =	shalt  }
0x45: {  	_ =	shalt  }
0x46: {  	_ =	shalt  }
0x47: {  	_ =	shalt  }
0x48: {  	_ =	shalt  }
0x49: {  	_ =	shalt  }
0x4a: {  	_ =	shalt  }
0x4b: {  	_ =	shalt  }
0x4c: {  	_ =	shalt  }
0x4d: {  	_ =	shalt  }
0x4e: {  	_ =	shalt  }
0x4f: {  	_ =	shalt  }
0x50: {  	_ =	shalt  }
0x51: {  	_ =	shalt  }
0x52: {  	_ =	shalt  }
0x53: {  	_ =	shalt  }
0x54: {  	_ =	shalt  }
0x55: {  	_ =	shalt  }
0x56: {  	_ =	shalt  }
0x57: {  	_ =	shalt  }
0x58: {  	_ =	shalt  }
0x59: {  	_ =	shalt  }
0x5a: {  	_ =	shalt  }
0x5b: {  	_ =	shalt  }
0x5c: {  	_ =	shalt  }
0x5d: {  	_ =	shalt  }
0x5e: {  	_ =	shalt  }
0x5f: {  	_ =	shalt  }
0x60: {  	_ =	shalt  }
0x61: {  	_ =	shalt  }
0x62: {  	_ =	shalt  }
0x63: {  	_ =	shalt  }
0x64: {  	_ =	shalt  }
0x65: {  	_ =	shalt  }
0x66: {  	_ =	shalt  }
0x67: {  	_ =	shalt  }
0x68: {  	_ =	shalt  }
0x69: {  	_ =	shalt  }
0x6a: {  	_ =	shalt  }
0x6b: {  	_ =	shalt  }
0x6c: {  	_ =	shalt  }
0x6d: {  	_ =	shalt  }
0x6e: {  	_ =	shalt  }
0x6f: {  	_ =	shalt  }
0x70: {  	_ =	shalt  }
0x71: {  	_ =	shalt  }
0x72: {  	_ =	shalt  }
0x73: {  	_ =	shalt  }
0x74: {  	_ =	shalt  }
0x75: {  	_ =	shalt  }
0x76: {  	_ =	shalt  }
0x77: {  	_ =	shalt  }
0x78: {  	_ =	shalt  }
0x79: {  	_ =	shalt  }
0x7a: {  	_ =	shalt  }
0x7b: {  	_ =	shalt  }
0x7c: {  	_ =	shalt  }
0x7d: {  	_ =	shalt  }
0x7e: {  	_ =	shalt  }
0x7f: {  	_ =	shalt  }
0x80: {  	_ =	shalt  }
0x81: {  	_ =	shalt  }
0x82: {  	_ =	shalt  }
0x83: {  	_ =	shalt  }
0x84: {  	_ =	shalt  }
0x85: {  	_ =	shalt  }
0x86: {  	_ =	shalt  }
0x87: {  	_ =	shalt  }
.Lfunc_end0:
.L_simem_size_0:
called_computation_lowered:
.L_overlay_start_0:
0x88: {  	s2 =	sld [smem:$0x3FD9]  }
0x89: {  	s3 =	sld [smem:$0x3FFE];
	_ =	sdelay $0x1  }
0x8a: {  	s1 =	srdreg.scid  }
0x8b: {  	s0 =	sand.u32 $0x1, s1  }
0x8c: {  	s14 =	sshll.u32 s0, $0xA;
	s2 =	sadd.s32 s3, s2  }
0x8d: {  	s2 =	sadd.s32 s2, s14  }
0x8e: {  	[smem:$0x3FC7] =	sst s2  }
0x8f: {  	_ = 	snop  }
0x90: {  	s2 =	sld [smem:$0x3FD0];
	_ =	sdelay $0x2  }
0x91: {  	s15 =	simm.s32 $0xA;
	s4 =	simm.s32 $0x10  }
0x92: {  	[smem:s4], [sflag:s15] =	dma.local [hbm:s2], $0x1  }
0x93: {  	_ =	swait.eq [sflag:s15], $0x1  }
0x94: {  	[sflag:s15] =	ssyncset.done $0x0  }
0x95: {  	[sflag:s15] =	ssyncadd.s32 $0xFFFFFFFF  }
0x96: {  	s16 =	sld [smem:$0x10];
	(tm) =	ssettm $0x1  }
0x97: {  	s17 =	sld [smem:$0x3FFB];
	_ =	sdelay $0x3  }
0x98: {  	_ =	strace s17  }
0x99: {  	s3 =	sld [smem:$0x3FFC];
	_ =	sdelay $0x3  }
0x9a: {  	_ =	strace s3  }
0x9b: {  	s3 =	sld [smem:$0x3FFD];
	_ =	sdelay $0x3  }
0x9c: {  	_ =	strace s3  }
0x9d: {  	_ =	strace $0x8FFFFFFF  }
0x9e: {  	s18 =	sld [smem:$0x3FDB];
	_ =	sdelay $0x1  }
0x9f: {  	s19 =	simm.s32 $_scs_section_size  }
0xa0: {  	s5 =	simm.s32 $_size__tile_overlayer_lowered;
	s6 =	simm.s32 $_tile_overlayer_lowered  }
0xa1: {  	s22 =	simm.s32 $0x1BFF;
	s21 =	sshll.u32 s6, $0x1;
	s3 =	sadd.s32 s19, s18  }
0xa2: {  	s7 =	simm.s32 $0x0;
	s20 =	sshll.u32 s5, $0x1;
	s5 =	sadd.s32 s21, s3  }
0xa3: {  	[timem:s7], [sflag:s22] =	dma.local [hbm:s5], s20  }
0xa4: {  	_ =	swait.ge [sflag:s22], s20  }
0xa5: {  	s4 =	ssub.s32 $0x0, s20;
	[sflag:s22] =	ssyncset.done $0x0  }
0xa6: {  	[sflag:s22] =	ssyncadd.s32 s4;
	_ =	sdelay $0x1  }
0xa7: {  	s23 =	simm.s32 $0x1B8B  }
0xa8: {  	_ =	swait.ge [sflag:s23], $0x1  }
0xa9: {  	[sflag:s23] =	ssyncset.done $0x0  }
0xaa: {  	s25 =	simm.s32 $0x1B8E;
	s24 =	sld [smem:$0x3FFE];
	[sflag:s23] =	ssyncadd.s32 $0xFFFFFFFF  }
0xab: {  	s26 =	simm.s32 $execute0_lowered;
	[smem:$0x3FD2] =	sst s25  }
0xac: {  	s5 =	sshll.u32 s26, $0x1;
	_ =	strace $0x80000046;
	[dreg:$0x1] =	wrdreg $0xFFFFFFFF  }
0xad: {  	s28 =	simm.s32 $_size_execute0_lowered;
	s3 =	sadd.s32 s3, s5;
	[dreg:$0x0] =	wrdreg $0x0  }
0xae: {  	s5 =	sshll.u32 s28, $0x1;
	[dreg:$0x2] =	wrdreg s3  }
0xaf: {  	[dreg:$0x3] =	wrdreg s5  }
0xb0: {  	[dreg:$0x4] =	wrdreg $0xC0  }
0xb1: {  	_ =	task [dreg:s7], $0x5FFFF  }
0xb2: {  	[dreg:$0x1] =	wrdreg $0xFFFFFFFF  }
0xb3: {  	[dreg:$0x0] =	wrdreg $0x60  }
0xb4: {  	[dreg:$0x2] =	wrdreg s16  }
0xb5: {  	[dreg:$0x3] =	wrdreg s24  }
0xb6: {  	[dreg:$0x4] =	wrdreg $0x9  }
0xb7: {  	_ =	task.clear_ibuf [dreg:s7], $0x5FFFF;
	_ =	strace $0x90000046  }
0xb8: {  	s29 =	simm.s32 $0x9;
	_ =	strace $0x80000048  }
0xb9: {  	_ =	swait.ge [sflag:s29], $0x1  }
0xba: {  	[sflag:s29] =	ssyncadd.s32 $0xFFFFFFFF  }
0xbb: {  	_ =	strace $0x90000048  }
0xbc: {  	_ =	sfence  }
0xbd: {  	s30 =	sld [smem:$0x0];
	_ =	sdelay $0x2  }
0xbe: {  	s31 =	sshll.u32 s1, $0xD;
	s1 =	sshrl.u32 s1, $0x2  }
0xbf: {  	s3 =	sand.u32 $0x4000, s31;
	s1 =	sadd.s32 s1, s30  }
0xc0: {  	s0 =	sor.u32 s3, s0;
	s1 =	sshll.u32 s1, $0x11  }
0xc1: {  	s0 =	sor.u32 s1, s0  }
0xc2: {  	s0 =	sadd.s32 $0x8F2B, s0  }
0xc3: {  	[sflag:s0] =	ssyncadd.remote.s32 $0x1  }
0xc4: {  	_ =	sfence.sel $0xFFFF  }
0xc5: {  	[dreg:$0x0] =	wrdreg $0xFFFFFFFF;
	(pc) =	sbr.abs _section_cstart, $3  }
0xc6: {  	[dreg:$0x1] =	wrdreg $0xFFFFFFFF  }
0xc7: {  	_ =	task.clear_ibuf [dreg:s7], $0x2FFFF;
	_ =	strace $0x9FFFFFFF  }
0xc8: {  	(tm) =	ssettm $0x7FFFFFFF  }
0xc9: {  	_ =	shalt  }
tec
execute0_lowered:
.L_overlay_start_1:
0x0: {  	(tag) =	ssettag $0x1  }
0x1: {  	s2 =	rddreg [dreg:$0x0]  }
0x2: {  	s4 =	rddreg [dreg:$0x1]  }
0x3: {  	s0 =	rddreg [dreg:$0x2]  }
0x4: {  	s5 =	srdreg.scid;
	s1 =	stileid.u32  }
0x5: {  	s3 =	simm.s32 $0x0;
	s9 =	simm.s32 $0x18700;
	s10 =	simm.s32 $0x9C40  }
0x6: {  	s11 =	simm.s32 $0x2;
	s12 =	simm.s32 $0xEA60;
	s13 =	simm.s32 $0x13880  }
0x7: {  	s14 =	simm.s32 $0x1E700;
	s5 =	sand.u32 $0x1, s5;
	s6 =	sshll.u32 s1, $0x1  }
0x8: {  	s15 =	simm.s32 $0x3;
	s16 =	simm.s32 $0x0;
	s6 =	sor.u32 s5, s6  }
0x9: {  	[smem:$0x7FF] =	sst s3;
	s5 =	ssub.s32 $0x2, s5;
	s7 =	sshll.u32 s6, $0x4  }
0xa: {  	v0 =	vimm.s32 $0x0;
	v1 =	vlaneseq.u32;
	v2 =	vimm.s32 $0x1;
	_ =	strace $0x80000047;
	s8 =	sshrl.u32 s5, $0x1;
	s7 =	sadd.s32 s7, s4  }
0xb: {  	vm0 =	vmxor vm0, vm0;
	v7 =	vimm.s32 $0x80000000;
	v3 =	vor.u32 $0x1000, v1;
	s8 =	ssub.s32 s5, s8;
	s4 =	sshll.u32 s6, $0x2;
	s5 =	sadd.s32 $0x187A00, s7  }
0xc: {  	v4 =	vor.u32 $0x2000, v1;
	v5 =	vor.u32 $0x3000, v1;
	v6 =	vor.u32 $0x4000, v1;
	s6 =	smax.u32 s8, $0x1;
	s7 =	simm.s32 $0x4E20;
	s8 =	simm.s32 $0x1  }
.LBB2_1:
0xd: {  	s17 =	simm.s32 $0x18740  }
0xe: {  	[tilespmem:s17+$0xFFFFFFC0] =	vst v0  }
0xf: {  	[tilespmem:s17+$0x30] =	vst v0  }
0x10: {  	[tilespmem:s17+$0x20] =	vst v0  }
0x11: {  	[tilespmem:s17+$0x10] =	vst v0  }
0x12: {  	[tilespmem:s17+$0x0] =	vst v0  }
0x13: {  	[tilespmem:s17+$0xFFFFFFF0] =	vst v0  }
0x14: {  	s18 =	simm.s32 $0x0;
	[tilespmem:s17+$0xFFFFFFE0] =	vst v0  }
.LBB2_2:
0x15: {  	s18 =	sadd.s32 $0x8, s18;
	[tilespmem:s17+$0xFFFFFFD0] =	vst v0;
	s17 =	sadd.s32 $0x80, s17;
	v8 =	vimm.f32 $0.0e+00  }
0x16: {  	[tilespmem:s17+$0xFFFFFFC0] =	vst v0;
	p0 =	slt.u32 s18, $0x4F8  }
0x17: {  	[tilespmem:s17+$0x30] =	vst v0  }
.Ltmp0:
0x18: {  	[tilespmem:s17+$0x20] =	vst v0;
	(pc) =	sbr.rel @p0 .LBB2_2-.Ltmp0, $4  }
0x19: {  	[tilespmem:s17+$0x10] =	vst v0  }
0x1a: {  	[tilespmem:s17+$0x0] =	vst v0  }
0x1b: {  	[tilespmem:s17+$0xFFFFFFF0] =	vst v0  }
0x1c: {  	[tilespmem:s17+$0xFFFFFFE0] =	vst v0  }
0x1d: {  	[tilespmem:s17+$0xFFFFFFD0] =	vst v0;
	s17 =	simm.s32 $0x0  }
.LBB2_4:
0x1e: {  	s18 =	sadd.s32 s4, s17  }
0x1f: {  	s18 =	smul.u32 $0x186A0, s18;
	_ =	sdelay $0x1  }
0x20: {  	s18 =	sshrl.u32 s18, $0x3  }
0x21: {  	s18 =	sadd.s32 s2, s18  }
0x22: {  	[tilespmem:s3], [sflag:$0x1] =	stream.linear.gather [hbm4b:s18+s3], $0x4E20, $0x38;
	[tilespmem:$0x1E780] =	vst v63  }
0x23: {  	s19 =	sadd.s32 $0x9C4, s18  }
0x24: {  	[tilespmem:s7], [sflag:$0x2] =	stream.linear.gather [hbm4b:s19+s3], $0x4E20, $0x38;
	[tilespmem:$0x1E780] =	vst v63  }
0x25: {  	_ =	swait.ge [sflag:s8], $0x4E20  }
0x26: {  	[sflag:s8] =	ssyncset.done $0x0  }
0x27: {  	s31 =	simm.s32 $0x20;
	[sflag:s8] =	ssyncadd.s32 $0xFFFFB1E0  }
0x28: {  	v9 =	vld [tilespmem:s31+$0x20]  }
0x29: {  	v11 =	vld [tilespmem:s31+$0xFFFFFFF0]  }
0x2a: {  	v13 =	vld [tilespmem:s31+$0x0]  }
0x2b: {  	v16 =	vld [tilespmem:s31+$0x10]  }
0x2c: {  	v14 =	vld [tilespmem:s31+$0xFFFFFFE0];
	_ =	sdelay $0x1  }
0x2d: {  	vm2 =	vlt.s32 v9, $0x0;
	v10 =	vxor.u32 $0xFFFFFFFF, v9;
	v9 =	vor.u32 $0x80000000, v9  }
0x2e: {  	vm1 =	vlt.s32 v11, $0x0;
	v9 =	vsel vm2, v10, v9  }
0x2f: {  	v12 =	vxor.u32 $0xFFFFFFFF, v13;
	vm3 =	vlt.s32 v16, $0x0;
	v9 =	vshrl.u32 v9, $0x14  }
0x30: {  	vm4 =	vlt.s32 v14, $0x0;
	v15 =	vxor.u32 $0xFFFFFFFF, v14;
	v9 =	vand.u32 $0xFF0, v9  }
0x31: {  	v14 =	vor.u32 $0x80000000, v14;
	v10 =	vxor.u32 $0xFFFFFFFF, v11;
	v9 =	vor.u32 v6, v9  }
0x32: {  	v11 =	vor.u32 $0x80000000, v11;
	vm2 =	vlt.s32 v13, $0x0;
	v13 =	vor.u32 $0x80000000, v13  }
0x33: {  	s20 =	simm.s32 $0x70;
	s19 =	simm.s32 $0x0;
	v14 =	vsel vm4, v15, v14;
	v15 =	vxor.u32 $0xFFFFFFFF, v16;
	v16 =	vor.u32 $0x80000000, v16  }
.LBB2_5:
0x34: {  	v17 =	vld [tilespmem:s20+$0x20];
	s19 =	sadd.s32 $0x5, s19;
	v10 =	vsel vm1, v10, v11;
	v11 =	vsel vm2, v12, v13;
	v12 =	vsel vm3, v15, v16  }
0x35: {  	v14 =	vshrl.u32 v14, $0x14;
	v13 =	vld [tilespmem:s20+$0xFFFFFFF0];
	p0 =	slt.u32 s19, $0x4DD;
	v10 =	vshrl.u32 v10, $0x14;
	v11 =	vshrl.u32 v11, $0x14  }
0x36: {  	v14 =	vand.u32 $0xFF0, v14;
	v12 =	vshrl.u32 v12, $0x14;
	v10 =	vand.u32 $0xFF0, v10;
	[tilespmem:v9+s9+$0x0] =	vst.idx.add.s32.msk $0xffff, v2  }
0x37: {  	v14 =	vor.u32 v1, v14;
	v11 =	vand.u32 $0xFF0, v11;
	v12 =	vand.u32 $0xFF0, v12;
	v9 =	vld [tilespmem:s20+$0x0]  }
0x38: {  	v15 =	vor.u32 v3, v10;
	v18 =	vor.u32 v4, v11;
	v19 =	vor.u32 v5, v12;
	v16 =	vld [tilespmem:s20+$0x10]  }
0x39: {  	v20 =	vld [tilespmem:s20+$0xFFFFFFE0];
	vm2 =	vlt.s32 v17, $0x0;
	v11 =	vxor.u32 $0xFFFFFFFF, v17;
	v12 =	vor.u32 $0x80000000, v17  }
0x3a: {  	vm1 =	vlt.s32 v13, $0x0;
	v10 =	vxor.u32 $0xFFFFFFFF, v13;
	v12 =	vsel vm2, v11, v12  }
.Ltmp1:
0x3b: {  	v11 =	vor.u32 $0x80000000, v13;
	v13 =	vshrl.u32 v12, $0x14;
	(pc) =	sbr.rel @p0 .LBB2_5-.Ltmp1, $4  }
0x3c: {  	vm2 =	vlt.s32 v9, $0x0;
	v12 =	vxor.u32 $0xFFFFFFFF, v9;
	v17 =	vand.u32 $0xFF0, v13;
	[tilespmem:v14+s9+$0x0] =	vst.idx.add.s32.msk $0xffff, v2  }
0x3d: {  	v13 =	vor.u32 $0x80000000, v9;
	vm3 =	vlt.s32 v16, $0x0;
	v9 =	vor.u32 v6, v17;
	[tilespmem:v15+s9+$0x0] =	vst.idx.add.s32.msk $0xffff, v2  }
0x3e: {  	vm4 =	vlt.s32 v20, $0x0;
	v14 =	vxor.u32 $0xFFFFFFFF, v20;
	v15 =	vor.u32 $0x80000000, v20;
	[tilespmem:v18+s9+$0x0] =	vst.idx.add.s32.msk $0xffff, v2  }
0x3f: {  	s20 =	sadd.s32 $0x50, s20;
	v14 =	vsel vm4, v14, v15;
	v15 =	vxor.u32 $0xFFFFFFFF, v16;
	v16 =	vor.u32 $0x80000000, v16;
	[tilespmem:v19+s9+$0x0] =	vst.idx.add.s32.msk $0xffff, v2  }
0x40: {  	v10 =	vsel vm1, v10, v11;
	v11 =	vsel vm2, v12, v13;
	v12 =	vshrl.u32 v14, $0x14  }
0x41: {  	v13 =	vsel vm3, v15, v16;
	v10 =	vshrl.u32 v10, $0x14;
	v12 =	vand.u32 $0xFF0, v12  }
0x42: {  	v11 =	vshrl.u32 v11, $0x14;
	v10 =	vand.u32 $0xFF0, v10;
	v12 =	vor.u32 v1, v12  }
0x43: {  	v13 =	vshrl.u32 v13, $0x14;
	v11 =	vand.u32 $0xFF0, v11;
	v10 =	vor.u32 v3, v10  }
0x44: {  	v13 =	vand.u32 $0xFF0, v13;
	v11 =	vor.u32 v4, v11  }
0x45: {  	v13 =	vor.u32 v5, v13  }
0x46: {  	[tilespmem:v9+s9+$0x0] =	vst.idx.add.s32.msk $0xffff, v2  }
0x47: {  	[tilespmem:v12+s9+$0x0] =	vst.idx.add.s32.msk $0xffff, v2  }
0x48: {  	[tilespmem:v10+s9+$0x0] =	vst.idx.add.s32.msk $0xffff, v2  }
0x49: {  	[tilespmem:v11+s9+$0x0] =	vst.idx.add.s32.msk $0xffff, v2  }
0x4a: {  	s19 =	sadd.s32 $0x1388, s18;
	[tilespmem:v13+s9+$0x0] =	vst.idx.add.s32.msk $0xffff, v2  }
0x4b: {  	[tilespmem:s10], [sflag:$0x1] =	stream.linear.gather [hbm4b:s19+s3], $0x4E20, $0x38;
	[tilespmem:$0x1E780] =	vst v63  }
0x4c: {  	_ =	swait.ge [sflag:s11], $0x4E20  }
0x4d: {  	[sflag:s11] =	ssyncset.done $0x0  }
0x4e: {  	s31 =	simm.s32 $0x4E60;
	[sflag:s11] =	ssyncadd.s32 $0xFFFFB1E0  }
0x4f: {  	v9 =	vld [tilespmem:s31+$0x0]  }
0x50: {  	v11 =	vld [tilespmem:s31+$0xFFFFFFD0]  }
0x51: {  	v13 =	vld [tilespmem:s31+$0xFFFFFFE0]  }
0x52: {  	v16 =	vld [tilespmem:s31+$0xFFFFFFF0]  }
0x53: {  	v14 =	vld [tilespmem:s31+$0xFFFFFFC0];
	_ =	sdelay $0x1  }
0x54: {  	vm2 =	vlt.s32 v9, $0x0;
	v10 =	vxor.u32 $0xFFFFFFFF, v9;
	v9 =	vor.u32 $0x80000000, v9  }
0x55: {  	vm1 =	vlt.s32 v11, $0x0;
	v9 =	vsel vm2, v10, v9  }
0x56: {  	v12 =	vxor.u32 $0xFFFFFFFF, v13;
	vm3 =	vlt.s32 v16, $0x0;
	v9 =	vshrl.u32 v9, $0x14  }
0x57: {  	vm4 =	vlt.s32 v14, $0x0;
	v15 =	vxor.u32 $0xFFFFFFFF, v14;
	v9 =	vand.u32 $0xFF0, v9  }
0x58: {  	v14 =	vor.u32 $0x80000000, v14;
	v10 =	vxor.u32 $0xFFFFFFFF, v11;
	v9 =	vor.u32 v6, v9  }
0x59: {  	v11 =	vor.u32 $0x80000000, v11;
	vm2 =	vlt.s32 v13, $0x0;
	v13 =	vor.u32 $0x80000000, v13  }
0x5a: {  	s20 =	simm.s32 $0x4EB0;
	s19 =	simm.s32 $0x4E2;
	v14 =	vsel vm4, v15, v14;
	v15 =	vxor.u32 $0xFFFFFFFF, v16;
	v16 =	vor.u32 $0x80000000, v16  }
.LBB2_7:
0x5b: {  	v17 =	vld [tilespmem:s20+$0x0];
	s19 =	sadd.s32 $0x5, s19;
	v10 =	vsel vm1, v10, v11;
	v11 =	vsel vm2, v12, v13;
	v12 =	vsel vm3, v15, v16  }
0x5c: {  	v14 =	vshrl.u32 v14, $0x14;
	v13 =	vld [tilespmem:s20+$0xFFFFFFD0];
	p0 =	slt.u32 s19, $0x9BF;
	v10 =	vshrl.u32 v10, $0x14;
	v11 =	vshrl.u32 v11, $0x14  }
0x5d: {  	v14 =	vand.u32 $0xFF0, v14;
	v12 =	vshrl.u32 v12, $0x14;
	v10 =	vand.u32 $0xFF0, v10;
	[tilespmem:v9+s9+$0x0] =	vst.idx.add.s32.msk $0xffff, v2  }
0x5e: {  	v14 =	vor.u32 v1, v14;
	v11 =	vand.u32 $0xFF0, v11;
	v12 =	vand.u32 $0xFF0, v12;
	v9 =	vld [tilespmem:s20+$0xFFFFFFE0]  }
0x5f: {  	v15 =	vor.u32 v3, v10;
	v18 =	vor.u32 v4, v11;
	v19 =	vor.u32 v5, v12;
	v16 =	vld [tilespmem:s20+$0xFFFFFFF0]  }
0x60: {  	v20 =	vld [tilespmem:s20+$0xFFFFFFC0];
	vm2 =	vlt.s32 v17, $0x0;
	v11 =	vxor.u32 $0xFFFFFFFF, v17;
	v12 =	vor.u32 $0x80000000, v17  }
0x61: {  	vm1 =	vlt.s32 v13, $0x0;
	v10 =	vxor.u32 $0xFFFFFFFF, v13;
	v12 =	vsel vm2, v11, v12  }
.Ltmp2:
0x62: {  	v11 =	vor.u32 $0x80000000, v13;
	v13 =	vshrl.u32 v12, $0x14;
	(pc) =	sbr.rel @p0 .LBB2_7-.Ltmp2, $4  }
0x63: {  	vm2 =	vlt.s32 v9, $0x0;
	v12 =	vxor.u32 $0xFFFFFFFF, v9;
	v17 =	vand.u32 $0xFF0, v13;
	[tilespmem:v14+s9+$0x0] =	vst.idx.add.s32.msk $0xffff, v2  }
0x64: {  	v13 =	vor.u32 $0x80000000, v9;
	vm3 =	vlt.s32 v16, $0x0;
	v9 =	vor.u32 v6, v17;
	[tilespmem:v15+s9+$0x0] =	vst.idx.add.s32.msk $0xffff, v2  }
0x65: {  	vm4 =	vlt.s32 v20, $0x0;
	v14 =	vxor.u32 $0xFFFFFFFF, v20;
	v15 =	vor.u32 $0x80000000, v20;
	[tilespmem:v18+s9+$0x0] =	vst.idx.add.s32.msk $0xffff, v2  }
0x66: {  	s20 =	sadd.s32 $0x50, s20;
	v14 =	vsel vm4, v14, v15;
	v15 =	vxor.u32 $0xFFFFFFFF, v16;
	v16 =	vor.u32 $0x80000000, v16;
	[tilespmem:v19+s9+$0x0] =	vst.idx.add.s32.msk $0xffff, v2  }
0x67: {  	v10 =	vsel vm1, v10, v11;
	v11 =	vsel vm2, v12, v13;
	v12 =	vshrl.u32 v14, $0x14  }
0x68: {  	v13 =	vsel vm3, v15, v16;
	v10 =	vshrl.u32 v10, $0x14;
	v12 =	vand.u32 $0xFF0, v12  }
0x69: {  	v11 =	vshrl.u32 v11, $0x14;
	v10 =	vand.u32 $0xFF0, v10;
	v12 =	vor.u32 v1, v12  }
0x6a: {  	v13 =	vshrl.u32 v13, $0x14;
	v11 =	vand.u32 $0xFF0, v11;
	v10 =	vor.u32 v3, v10  }
0x6b: {  	v13 =	vand.u32 $0xFF0, v13;
	v11 =	vor.u32 v4, v11  }
0x6c: {  	v13 =	vor.u32 v5, v13  }
0x6d: {  	[tilespmem:v9+s9+$0x0] =	vst.idx.add.s32.msk $0xffff, v2  }
0x6e: {  	[tilespmem:v12+s9+$0x0] =	vst.idx.add.s32.msk $0xffff, v2  }
0x6f: {  	[tilespmem:v10+s9+$0x0] =	vst.idx.add.s32.msk $0xffff, v2  }
0x70: {  	[tilespmem:v11+s9+$0x0] =	vst.idx.add.s32.msk $0xffff, v2  }
0x71: {  	s19 =	sadd.s32 $0x1D4C, s18;
	[tilespmem:v13+s9+$0x0] =	vst.idx.add.s32.msk $0xffff, v2  }
0x72: {  	[tilespmem:s12], [sflag:$0x2] =	stream.linear.gather [hbm4b:s19+s3], $0x4E20, $0x38;
	[tilespmem:$0x1E780] =	vst v63  }
0x73: {  	_ =	swait.ge [sflag:s8], $0x4E20  }
0x74: {  	[sflag:s8] =	ssyncset.done $0x0  }
0x75: {  	s31 =	simm.s32 $0x9C80;
	[sflag:s8] =	ssyncadd.s32 $0xFFFFB1E0  }
0x76: {  	v9 =	vld [tilespmem:s31+$0x0]  }
0x77: {  	v11 =	vld [tilespmem:s31+$0xFFFFFFD0]  }
0x78: {  	v13 =	vld [tilespmem:s31+$0xFFFFFFE0]  }
0x79: {  	v16 =	vld [tilespmem:s31+$0xFFFFFFF0]  }
0x7a: {  	v14 =	vld [tilespmem:s31+$0xFFFFFFC0];
	_ =	sdelay $0x1  }
0x7b: {  	vm2 =	vlt.s32 v9, $0x0;
	v10 =	vxor.u32 $0xFFFFFFFF, v9;
	v9 =	vor.u32 $0x80000000, v9  }
0x7c: {  	vm1 =	vlt.s32 v11, $0x0;
	v9 =	vsel vm2, v10, v9  }
0x7d: {  	v12 =	vxor.u32 $0xFFFFFFFF, v13;
	vm3 =	vlt.s32 v16, $0x0;
	v9 =	vshrl.u32 v9, $0x14  }
0x7e: {  	vm4 =	vlt.s32 v14, $0x0;
	v15 =	vxor.u32 $0xFFFFFFFF, v14;
	v9 =	vand.u32 $0xFF0, v9  }
0x7f: {  	v14 =	vor.u32 $0x80000000, v14;
	v10 =	vxor.u32 $0xFFFFFFFF, v11;
	v9 =	vor.u32 v6, v9  }
0x80: {  	v11 =	vor.u32 $0x80000000, v11;
	vm2 =	vlt.s32 v13, $0x0;
	v13 =	vor.u32 $0x80000000, v13  }
0x81: {  	s20 =	simm.s32 $0x9CD0;
	s19 =	simm.s32 $0x9C4;
	v14 =	vsel vm4, v15, v14;
	v15 =	vxor.u32 $0xFFFFFFFF, v16;
	v16 =	vor.u32 $0x80000000, v16  }
.LBB2_9:
0x82: {  	v17 =	vld [tilespmem:s20+$0x0];
	s19 =	sadd.s32 $0x5, s19;
	v10 =	vsel vm1, v10, v11;
	v11 =	vsel vm2, v12, v13;
	v12 =	vsel vm3, v15, v16  }
0x83: {  	v14 =	vshrl.u32 v14, $0x14;
	v13 =	vld [tilespmem:s20+$0xFFFFFFD0];
	p0 =	slt.u32 s19, $0xEA1;
	v10 =	vshrl.u32 v10, $0x14;
	v11 =	vshrl.u32 v11, $0x14  }
0x84: {  	v14 =	vand.u32 $0xFF0, v14;
	v12 =	vshrl.u32 v12, $0x14;
	v10 =	vand.u32 $0xFF0, v10;
	[tilespmem:v9+s9+$0x0] =	vst.idx.add.s32.msk $0xffff, v2  }
0x85: {  	v14 =	vor.u32 v1, v14;
	v11 =	vand.u32 $0xFF0, v11;
	v12 =	vand.u32 $0xFF0, v12;
	v9 =	vld [tilespmem:s20+$0xFFFFFFE0]  }
0x86: {  	v15 =	vor.u32 v3, v10;
	v18 =	vor.u32 v4, v11;
	v19 =	vor.u32 v5, v12;
	v16 =	vld [tilespmem:s20+$0xFFFFFFF0]  }
0x87: {  	v20 =	vld [tilespmem:s20+$0xFFFFFFC0];
	vm2 =	vlt.s32 v17, $0x0;
	v11 =	vxor.u32 $0xFFFFFFFF, v17;
	v12 =	vor.u32 $0x80000000, v17  }
0x88: {  	vm1 =	vlt.s32 v13, $0x0;
	v10 =	vxor.u32 $0xFFFFFFFF, v13;
	v12 =	vsel vm2, v11, v12  }
.Ltmp3:
0x89: {  	v11 =	vor.u32 $0x80000000, v13;
	v13 =	vshrl.u32 v12, $0x14;
	(pc) =	sbr.rel @p0 .LBB2_9-.Ltmp3, $4  }
0x8a: {  	vm2 =	vlt.s32 v9, $0x0;
	v12 =	vxor.u32 $0xFFFFFFFF, v9;
	v17 =	vand.u32 $0xFF0, v13;
	[tilespmem:v14+s9+$0x0] =	vst.idx.add.s32.msk $0xffff, v2  }
0x8b: {  	v13 =	vor.u32 $0x80000000, v9;
	vm3 =	vlt.s32 v16, $0x0;
	v9 =	vor.u32 v6, v17;
	[tilespmem:v15+s9+$0x0] =	vst.idx.add.s32.msk $0xffff, v2  }
0x8c: {  	vm4 =	vlt.s32 v20, $0x0;
	v14 =	vxor.u32 $0xFFFFFFFF, v20;
	v15 =	vor.u32 $0x80000000, v20;
	[tilespmem:v18+s9+$0x0] =	vst.idx.add.s32.msk $0xffff, v2  }
0x8d: {  	s20 =	sadd.s32 $0x50, s20;
	v14 =	vsel vm4, v14, v15;
	v15 =	vxor.u32 $0xFFFFFFFF, v16;
	v16 =	vor.u32 $0x80000000, v16;
	[tilespmem:v19+s9+$0x0] =	vst.idx.add.s32.msk $0xffff, v2  }
0x8e: {  	v10 =	vsel vm1, v10, v11;
	v11 =	vsel vm2, v12, v13;
	v12 =	vshrl.u32 v14, $0x14  }
0x8f: {  	v13 =	vsel vm3, v15, v16;
	v10 =	vshrl.u32 v10, $0x14;
	v12 =	vand.u32 $0xFF0, v12  }
0x90: {  	v11 =	vshrl.u32 v11, $0x14;
	v10 =	vand.u32 $0xFF0, v10;
	v12 =	vor.u32 v1, v12  }
0x91: {  	v13 =	vshrl.u32 v13, $0x14;
	v11 =	vand.u32 $0xFF0, v11;
	v10 =	vor.u32 v3, v10  }
0x92: {  	v13 =	vand.u32 $0xFF0, v13;
	v11 =	vor.u32 v4, v11  }
0x93: {  	v13 =	vor.u32 v5, v13  }
0x94: {  	[tilespmem:v9+s9+$0x0] =	vst.idx.add.s32.msk $0xffff, v2  }
0x95: {  	[tilespmem:v12+s9+$0x0] =	vst.idx.add.s32.msk $0xffff, v2  }
0x96: {  	[tilespmem:v10+s9+$0x0] =	vst.idx.add.s32.msk $0xffff, v2  }
0x97: {  	[tilespmem:v11+s9+$0x0] =	vst.idx.add.s32.msk $0xffff, v2  }
0x98: {  	s18 =	sadd.s32 $0x2710, s18;
	[tilespmem:v13+s9+$0x0] =	vst.idx.add.s32.msk $0xffff, v2  }
0x99: {  	[tilespmem:s13], [sflag:$0x1] =	stream.linear.gather [hbm4b:s18+s3], $0x4E20, $0x38;
	[tilespmem:$0x1E780] =	vst v63  }
0x9a: {  	_ =	swait.ge [sflag:s11], $0x4E20  }
0x9b: {  	[sflag:s11] =	ssyncset.done $0x0  }
0x9c: {  	s31 =	simm.s32 $0xEAA0;
	[sflag:s11] =	ssyncadd.s32 $0xFFFFB1E0  }
0x9d: {  	v9 =	vld [tilespmem:s31+$0x0]  }
0x9e: {  	v11 =	vld [tilespmem:s31+$0xFFFFFFD0]  }
0x9f: {  	v13 =	vld [tilespmem:s31+$0xFFFFFFE0]  }
0xa0: {  	v16 =	vld [tilespmem:s31+$0xFFFFFFF0]  }
0xa1: {  	v14 =	vld [tilespmem:s31+$0xFFFFFFC0];
	_ =	sdelay $0x1  }
0xa2: {  	vm2 =	vlt.s32 v9, $0x0;
	v10 =	vxor.u32 $0xFFFFFFFF, v9;
	v9 =	vor.u32 $0x80000000, v9  }
0xa3: {  	vm1 =	vlt.s32 v11, $0x0;
	v9 =	vsel vm2, v10, v9  }
0xa4: {  	v12 =	vxor.u32 $0xFFFFFFFF, v13;
	vm3 =	vlt.s32 v16, $0x0;
	v9 =	vshrl.u32 v9, $0x14  }
0xa5: {  	vm4 =	vlt.s32 v14, $0x0;
	v15 =	vxor.u32 $0xFFFFFFFF, v14;
	v9 =	vand.u32 $0xFF0, v9  }
0xa6: {  	v14 =	vor.u32 $0x80000000, v14;
	v10 =	vxor.u32 $0xFFFFFFFF, v11;
	v9 =	vor.u32 v6, v9  }
0xa7: {  	v11 =	vor.u32 $0x80000000, v11;
	vm2 =	vlt.s32 v13, $0x0;
	v13 =	vor.u32 $0x80000000, v13  }
0xa8: {  	s19 =	simm.s32 $0xEAF0;
	s18 =	simm.s32 $0xEA6;
	v14 =	vsel vm4, v15, v14;
	v15 =	vxor.u32 $0xFFFFFFFF, v16;
	v16 =	vor.u32 $0x80000000, v16  }
.LBB2_11:
0xa9: {  	v17 =	vld [tilespmem:s19+$0x0];
	s18 =	sadd.s32 $0x5, s18;
	v10 =	vsel vm1, v10, v11;
	v11 =	vsel vm2, v12, v13;
	v12 =	vsel vm3, v15, v16  }
0xaa: {  	v14 =	vshrl.u32 v14, $0x14;
	v13 =	vld [tilespmem:s19+$0xFFFFFFD0];
	p0 =	slt.u32 s18, $0x1383;
	v10 =	vshrl.u32 v10, $0x14;
	v11 =	vshrl.u32 v11, $0x14  }
0xab: {  	v14 =	vand.u32 $0xFF0, v14;
	v12 =	vshrl.u32 v12, $0x14;
	v10 =	vand.u32 $0xFF0, v10;
	[tilespmem:v9+s9+$0x0] =	vst.idx.add.s32.msk $0xffff, v2  }
0xac: {  	v14 =	vor.u32 v1, v14;
	v11 =	vand.u32 $0xFF0, v11;
	v12 =	vand.u32 $0xFF0, v12;
	v9 =	vld [tilespmem:s19+$0xFFFFFFE0]  }
0xad: {  	v15 =	vor.u32 v3, v10;
	v18 =	vor.u32 v4, v11;
	v19 =	vor.u32 v5, v12;
	v16 =	vld [tilespmem:s19+$0xFFFFFFF0]  }
0xae: {  	v20 =	vld [tilespmem:s19+$0xFFFFFFC0];
	vm2 =	vlt.s32 v17, $0x0;
	v11 =	vxor.u32 $0xFFFFFFFF, v17;
	v12 =	vor.u32 $0x80000000, v17  }
0xaf: {  	vm1 =	vlt.s32 v13, $0x0;
	v10 =	vxor.u32 $0xFFFFFFFF, v13;
	v12 =	vsel vm2, v11, v12  }
.Ltmp4:
0xb0: {  	v11 =	vor.u32 $0x80000000, v13;
	v13 =	vshrl.u32 v12, $0x14;
	(pc) =	sbr.rel @p0 .LBB2_11-.Ltmp4, $4  }
0xb1: {  	vm2 =	vlt.s32 v9, $0x0;
	v12 =	vxor.u32 $0xFFFFFFFF, v9;
	v17 =	vand.u32 $0xFF0, v13;
	[tilespmem:v14+s9+$0x0] =	vst.idx.add.s32.msk $0xffff, v2  }
0xb2: {  	v13 =	vor.u32 $0x80000000, v9;
	vm3 =	vlt.s32 v16, $0x0;
	v9 =	vor.u32 v6, v17;
	[tilespmem:v15+s9+$0x0] =	vst.idx.add.s32.msk $0xffff, v2  }
0xb3: {  	vm4 =	vlt.s32 v20, $0x0;
	v14 =	vxor.u32 $0xFFFFFFFF, v20;
	v15 =	vor.u32 $0x80000000, v20;
	[tilespmem:v18+s9+$0x0] =	vst.idx.add.s32.msk $0xffff, v2  }
0xb4: {  	s19 =	sadd.s32 $0x50, s19;
	v14 =	vsel vm4, v14, v15;
	v15 =	vxor.u32 $0xFFFFFFFF, v16;
	v16 =	vor.u32 $0x80000000, v16;
	[tilespmem:v19+s9+$0x0] =	vst.idx.add.s32.msk $0xffff, v2  }
0xb5: {  	v10 =	vsel vm1, v10, v11;
	v11 =	vsel vm2, v12, v13;
	v12 =	vshrl.u32 v14, $0x14  }
0xb6: {  	v13 =	vsel vm3, v15, v16;
	v10 =	vshrl.u32 v10, $0x14;
	v12 =	vand.u32 $0xFF0, v12  }
0xb7: {  	v11 =	vshrl.u32 v11, $0x14;
	v10 =	vand.u32 $0xFF0, v10;
	v12 =	vor.u32 v1, v12  }
0xb8: {  	v13 =	vshrl.u32 v13, $0x14;
	v11 =	vand.u32 $0xFF0, v11;
	v10 =	vor.u32 v3, v10  }
0xb9: {  	v13 =	vand.u32 $0xFF0, v13;
	v11 =	vor.u32 v4, v11  }
0xba: {  	v13 =	vor.u32 v5, v13  }
0xbb: {  	[tilespmem:v9+s9+$0x0] =	vst.idx.add.s32.msk $0xffff, v2  }
0xbc: {  	[tilespmem:v12+s9+$0x0] =	vst.idx.add.s32.msk $0xffff, v2  }
0xbd: {  	[tilespmem:v10+s9+$0x0] =	vst.idx.add.s32.msk $0xffff, v2  }
0xbe: {  	[tilespmem:v11+s9+$0x0] =	vst.idx.add.s32.msk $0xffff, v2  }
0xbf: {  	[tilespmem:v13+s9+$0x0] =	vst.idx.add.s32.msk $0xffff, v2  }
0xc0: {  	_ =	swait.ge [sflag:s8], $0x4E20  }
0xc1: {  	[sflag:s8] =	ssyncset.done $0x0  }
0xc2: {  	s18 =	simm.s32 $0x138C0;
	[sflag:s8] =	ssyncadd.s32 $0xFFFFB1E0  }
0xc3: {  	v9 =	vld [tilespmem:s18+$0x0]  }
0xc4: {  	v11 =	vld [tilespmem:s18+$0xFFFFFFD0]  }
0xc5: {  	v13 =	vld [tilespmem:s18+$0xFFFFFFE0]  }
0xc6: {  	v16 =	vld [tilespmem:s18+$0xFFFFFFF0]  }
0xc7: {  	v14 =	vld [tilespmem:s18+$0xFFFFFFC0];
	_ =	sdelay $0x1  }
0xc8: {  	vm2 =	vlt.s32 v9, $0x0;
	v10 =	vxor.u32 $0xFFFFFFFF, v9;
	v9 =	vor.u32 $0x80000000, v9  }
0xc9: {  	vm1 =	vlt.s32 v11, $0x0;
	v9 =	vsel vm2, v10, v9  }
0xca: {  	v12 =	vxor.u32 $0xFFFFFFFF, v13;
	vm3 =	vlt.s32 v16, $0x0;
	v9 =	vshrl.u32 v9, $0x14  }
0xcb: {  	vm4 =	vlt.s32 v14, $0x0;
	v15 =	vxor.u32 $0xFFFFFFFF, v14;
	v9 =	vand.u32 $0xFF0, v9  }
0xcc: {  	v14 =	vor.u32 $0x80000000, v14;
	v10 =	vxor.u32 $0xFFFFFFFF, v11;
	v9 =	vor.u32 v6, v9  }
0xcd: {  	v11 =	vor.u32 $0x80000000, v11;
	vm2 =	vlt.s32 v13, $0x0;
	v13 =	vor.u32 $0x80000000, v13  }
0xce: {  	s20 =	simm.s32 $0x1388;
	s21 =	simm.s32 $0x13910;
	v14 =	vsel vm4, v15, v14;
	v15 =	vxor.u32 $0xFFFFFFFF, v16;
	v16 =	vor.u32 $0x80000000, v16  }
.LBB2_13:
0xcf: {  	v17 =	vld [tilespmem:s21+$0x0];
	s20 =	sadd.s32 $0x5, s20;
	v10 =	vsel vm1, v10, v11;
	v11 =	vsel vm2, v12, v13;
	v12 =	vsel vm3, v15, v16  }
0xd0: {  	v14 =	vshrl.u32 v14, $0x14;
	s18 =	simm.s32 $0x18700;
	v13 =	vld [tilespmem:s21+$0xFFFFFFD0];
	p0 =	slt.u32 s20, $0x1865;
	v10 =	vshrl.u32 v10, $0x14;
	v11 =	vshrl.u32 v11, $0x14  }
0xd1: {  	s19 =	simm.s32 $0x1D720;
	v14 =	vand.u32 $0xFF0, v14;
	v12 =	vshrl.u32 v12, $0x14;
	v10 =	vand.u32 $0xFF0, v10;
	[tilespmem:v9+s18+$0x0] =	vst.idx.add.s32.msk $0xffff, v2  }
0xd2: {  	v14 =	vor.u32 v1, v14;
	v11 =	vand.u32 $0xFF0, v11;
	v12 =	vand.u32 $0xFF0, v12;
	v9 =	vld [tilespmem:s21+$0xFFFFFFE0]  }
0xd3: {  	v15 =	vor.u32 v3, v10;
	v18 =	vor.u32 v4, v11;
	v19 =	vor.u32 v5, v12;
	v16 =	vld [tilespmem:s21+$0xFFFFFFF0]  }
0xd4: {  	v20 =	vld [tilespmem:s21+$0xFFFFFFC0];
	vm2 =	vlt.s32 v17, $0x0;
	v11 =	vxor.u32 $0xFFFFFFFF, v17;
	v12 =	vor.u32 $0x80000000, v17  }
0xd5: {  	vm1 =	vlt.s32 v13, $0x0;
	v10 =	vxor.u32 $0xFFFFFFFF, v13;
	v12 =	vsel vm2, v11, v12  }
.Ltmp5:
0xd6: {  	v11 =	vor.u32 $0x80000000, v13;
	v13 =	vshrl.u32 v12, $0x14;
	(pc) =	sbr.rel @p0 .LBB2_13-.Ltmp5, $4  }
0xd7: {  	vm2 =	vlt.s32 v9, $0x0;
	v12 =	vxor.u32 $0xFFFFFFFF, v9;
	v17 =	vand.u32 $0xFF0, v13;
	[tilespmem:v14+s18+$0x0] =	vst.idx.add.s32.msk $0xffff, v2  }
0xd8: {  	v13 =	vor.u32 $0x80000000, v9;
	vm3 =	vlt.s32 v16, $0x0;
	v9 =	vor.u32 v6, v17;
	[tilespmem:v15+s18+$0x0] =	vst.idx.add.s32.msk $0xffff, v2  }
0xd9: {  	vm4 =	vlt.s32 v20, $0x0;
	v14 =	vxor.u32 $0xFFFFFFFF, v20;
	v15 =	vor.u32 $0x80000000, v20;
	[tilespmem:v18+s18+$0x0] =	vst.idx.add.s32.msk $0xffff, v2  }
0xda: {  	s21 =	sadd.s32 $0x50, s21;
	v14 =	vsel vm4, v14, v15;
	v15 =	vxor.u32 $0xFFFFFFFF, v16;
	v16 =	vor.u32 $0x80000000, v16;
	[tilespmem:v19+s18+$0x0] =	vst.idx.add.s32.msk $0xffff, v2  }
0xdb: {  	v10 =	vsel vm1, v10, v11;
	v11 =	vsel vm2, v12, v13;
	v12 =	vshrl.u32 v14, $0x14  }
0xdc: {  	v13 =	vsel vm3, v15, v16;
	v10 =	vshrl.u32 v10, $0x14;
	v12 =	vand.u32 $0xFF0, v12  }
0xdd: {  	v11 =	vshrl.u32 v11, $0x14;
	v10 =	vand.u32 $0xFF0, v10;
	v12 =	vor.u32 v1, v12  }
0xde: {  	v13 =	vshrl.u32 v13, $0x14;
	v11 =	vand.u32 $0xFF0, v11;
	v10 =	vor.u32 v3, v10  }
0xdf: {  	v13 =	vand.u32 $0xFF0, v13;
	v11 =	vor.u32 v4, v11  }
0xe0: {  	v13 =	vor.u32 v5, v13  }
0xe1: {  	[tilespmem:v9+s18+$0x0] =	vst.idx.add.s32.msk $0xffff, v2  }
0xe2: {  	[tilespmem:v12+s18+$0x0] =	vst.idx.add.s32.msk $0xffff, v2  }
0xe3: {  	[tilespmem:v10+s18+$0x0] =	vst.idx.add.s32.msk $0xffff, v2  }
0xe4: {  	[tilespmem:v11+s18+$0x0] =	vst.idx.add.s32.msk $0xffff, v2  }
0xe5: {  	[tilespmem:v13+s18+$0x0] =	vst.idx.add.s32.msk $0xffff, v2  }
0xe6: {  	v10 =	vld [tilespmem:s18+$0x0]  }
0xe7: {  	v15 =	vld [tilespmem:s18+$0x10]  }
0xe8: {  	v63 =	vld [tilespmem:s18+$0x20]  }
0xe9: {  	v9 =	vimm.s32 $0x0;
	v17 =	vld [tilespmem:s18+$0x2010]  }
0xea: {  	[tilespmem:s18+$0x0] =	vst v9;
	v18 =	vld [tilespmem:s18+$0x2020]  }
0xeb: {  	[tilespmem:s18+$0x10] =	vst v9;
	v19 =	vld [tilespmem:s18+$0x3010]  }
0xec: {  	[tilespmem:s18+$0x20] =	vst v9;
	v20 =	vld [tilespmem:s18+$0x3020]  }
0xed: {  	s21 =	simm.s32 $0x0;
	[tilespmem:s18+$0x2010] =	vst v9;
	v21 =	vld [tilespmem:s18+$0x2030]  }
0xee: {  	s20 =	sand.u32 $0xFC0, s21;
	[tilespmem:s18+$0x2020] =	vst v9;
	v22 =	vld [tilespmem:s18+$0x4010]  }
0xef: {  	[tilespmem:s18+$0x3010] =	vst v9;
	v11 =	vld [tilespmem:s20+$0x19700]  }
0xf0: {  	[tilespmem:s18+$0x3020] =	vst v9;
	v12 =	vld [tilespmem:s20+$0x1A700]  }
0xf1: {  	[tilespmem:s18+$0x4010] =	vst v9;
	v13 =	vld [tilespmem:s20+$0x1B700]  }
0xf2: {  	[tilespmem:s18+$0x2030] =	vst v9;
	v14 =	vld [tilespmem:s20+$0x1C700]  }
0xf3: {  	v23 =	vld [tilespmem:s18+$0x3030];
	[tilespmem:s18+$0x3030] =	vst v9  }
0xf4: {  	[tilespmem:s20+$0x19700] =	vst v9;
	v10 =	vadd.s32 v10, v11;
	v11 =	vld [tilespmem:s18+$0x1010]  }
0xf5: {  	[tilespmem:s20+$0x1A700] =	vst v9;
	v10 =	vadd.s32 v12, v10;
	v12 =	vld [tilespmem:s18+$0x1020]  }
0xf6: {  	[tilespmem:s20+$0x1B700] =	vst v9;
	v10 =	vadd.s32 v13, v10;
	v13 =	vld [tilespmem:s18+$0x30]  }
0xf7: {  	[tilespmem:s20+$0x1C700] =	vst v9;
	v10 =	vadd.s32 v14, v10;
	v14 =	vld [tilespmem:s18+$0x1030]  }
0xf8: {  	[tilespmem:s18+$0x1010] =	vst v9  }
0xf9: {  	[tilespmem:s18+$0x1020] =	vst v9  }
0xfa: {  	[tilespmem:s19+$0xFFFFFFE0] =	vst v10;
	v10 =	vld [tilespmem:s18+$0x4020]  }
0xfb: {  	[tilespmem:s18+$0x30] =	vst v9;
	v15 =	vadd.s32 v15, v11;
	v11 =	vld [tilespmem:s18+$0x4030]  }
0xfc: {  	[tilespmem:s18+$0x1030] =	vst v9;
	v12 =	vadd.s32 v63, v12;
	v13 =	vadd.s32 v13, v14;
	v14 =	vadd.s32 v17, v15  }
0xfd: {  	s23 =	simm.s32 $0x0;
	[tilespmem:s18+$0x4020] =	vst v9;
	v12 =	vadd.s32 v18, v12;
	v15 =	vadd.s32 v21, v13;
	v14 =	vadd.s32 v19, v14  }
0xfe: {  	s22 =	simm.s32 $0x1E6F0;
	s24 =	simm.s32 $0x1D720;
	s20 =	simm.s32 $0xF;
	[tilespmem:s18+$0x4030] =	vst v9;
	v13 =	vadd.s32 v20, v12;
	v12 =	vadd.s32 v23, v15;
	v14 =	vadd.s32 v22, v14  }
.LBB2_15:
0xff: {  	s23 =	sadd.s32 $0x4, s23;
	[tilespmem:s19+$0xFFFFFFF0] =	vst v14;
	v10 =	vadd.s32 v10, v13;
	s18 =	sadd.s32 $0x40, s18;
	s21 =	sadd.s32 $0x40, s21  }
0x100: {  	v13 =	vld [tilespmem:s18+$0x0];
	[tilespmem:s18+$0x0] =	vst v9;
	s25 =	sand.u32 $0xFC0, s21;
	p0 =	slt.u32 s23, $0xFC;
	v11 =	vadd.s32 v11, v12  }
0x101: {  	v12 =	vld [tilespmem:s25+$0x19700];
	[tilespmem:s25+$0x19700] =	vst v9  }
0x102: {  	v14 =	vld [tilespmem:s25+$0x1A700];
	[tilespmem:s25+$0x1A700] =	vst v9  }
0x103: {  	v15 =	vld [tilespmem:s25+$0x1B700];
	[tilespmem:s25+$0x1B700] =	vst v9  }
0x104: {  	v16 =	vld [tilespmem:s25+$0x1C700];
	[tilespmem:s19+$0x10] =	vst v11  }
0x105: {  	v11 =	vld [tilespmem:s18+$0x10];
	[tilespmem:s18+$0x10] =	vst v9  }
0x106: {  	v12 =	vadd.s32 v13, v12;
	v13 =	vld [tilespmem:s18+$0x1010];
	[tilespmem:s18+$0x1010] =	vst v9  }
0x107: {  	v12 =	vadd.s32 v14, v12;
	v14 =	vld [tilespmem:s18+$0x20];
	[tilespmem:s18+$0x20] =	vst v9  }
0x108: {  	v12 =	vadd.s32 v15, v12;
	v15 =	vld [tilespmem:s18+$0x1020];
	[tilespmem:s18+$0x1020] =	vst v9  }
0x109: {  	s19 =	sadd.s32 $0x40, s19;
	v12 =	vadd.s32 v16, v12;
	[tilespmem:s25+$0x1C700] =	vst v9;
	v16 =	vld [tilespmem:s18+$0x30]  }
0x10a: {  	[tilespmem:s19+$0xFFFFFFE0] =	vst v12;
	v12 =	vld [tilespmem:s18+$0x1030]  }
0x10b: {  	v11 =	vadd.s32 v11, v13;
	v13 =	vld [tilespmem:s18+$0x2010];
	[tilespmem:s18+$0x2010] =	vst v9  }
0x10c: {  	v17 =	vld [tilespmem:s18+$0x2020];
	[tilespmem:s18+$0x2020] =	vst v9  }
0x10d: {  	v14 =	vadd.s32 v14, v15;
	v15 =	vld [tilespmem:s18+$0x2030];
	[tilespmem:s24+$0x0] =	vst v10;
	s24 =	smov.u32 s19  }
0x10e: {  	v18 =	vld [tilespmem:s18+$0x3010];
	[tilespmem:s18+$0x3010] =	vst v9  }
0x10f: {  	v19 =	vld [tilespmem:s18+$0x3020];
	[tilespmem:s18+$0x3020] =	vst v9;
	v12 =	vadd.s32 v16, v12  }
0x110: {  	v11 =	vadd.s32 v13, v11;
	[tilespmem:s18+$0x30] =	vst v9;
	v16 =	vld [tilespmem:s18+$0x3030]  }
0x111: {  	v20 =	vld [tilespmem:s18+$0x4010];
	[tilespmem:s18+$0x4010] =	vst v9;
	v13 =	vadd.s32 v17, v14  }
.Ltmp6:
0x112: {  	v10 =	vld [tilespmem:s18+$0x4020];
	[tilespmem:s18+$0x4020] =	vst v9;
	v12 =	vadd.s32 v15, v12;
	(pc) =	sbr.rel @p0 .LBB2_15-.Ltmp6, $4  }
0x113: {  	v14 =	vadd.s32 v18, v11;
	[tilespmem:s18+$0x1030] =	vst v9;
	v11 =	vld [tilespmem:s18+$0x4030]  }
0x114: {  	v13 =	vadd.s32 v19, v13;
	[tilespmem:s18+$0x2030] =	vst v9  }
0x115: {  	v12 =	vadd.s32 v16, v12;
	[tilespmem:s18+$0x3030] =	vst v9  }
0x116: {  	v14 =	vadd.s32 v20, v14;
	[tilespmem:s18+$0x4030] =	vst v9  }
0x117: {  	[tilespmem:s19+$0xFFFFFFF0] =	vst v14;
	v10 =	vadd.s32 v10, v13  }
0x118: {  	v11 =	vadd.s32 v11, v12;
	[tilespmem:s24+$0x0] =	vst v10  }
0x119: {  	[tilespmem:s19+$0x10] =	vst v11  }
0x11a: {  	v10 =	vld [tilespmem:s22+$0xFFFFFF10]  }
0x11b: {  	v11 =	vld [tilespmem:s22+$0xFFFFFF20]  }
0x11c: {  	v12 =	vld [tilespmem:s22+$0xFFFFFF30]  }
0x11d: {  	v13 =	vld [tilespmem:s22+$0xFFFFFF40]  }
0x11e: {  	v14 =	vld [tilespmem:s22+$0xFFFFFF50]  }
0x11f: {  	s18 =	simm.s32 $0x1E5F0;
	v15 =	vld [tilespmem:s22+$0xFFFFFF60]  }
0x120: {  	v16 =	vld [tilespmem:s18+$0xFFFFFF10]  }
0x121: {  	v10 =	vadd.s32 v10, v11;
	v11 =	vld [tilespmem:s22+$0xFFFFFF70]  }
0x122: {  	v10 =	vadd.s32 v12, v10;
	v12 =	vld [tilespmem:s22+$0xFFFFFF80]  }
0x123: {  	v10 =	vadd.s32 v13, v10;
	v13 =	vld [tilespmem:s22+$0xFFFFFF90]  }
0x124: {  	v10 =	vadd.s32 v14, v10;
	v14 =	vld [tilespmem:s22+$0xFFFFFFA0]  }
0x125: {  	v10 =	vadd.s32 v15, v10;
	v15 =	vld [tilespmem:s22+$0xFFFFFFB0]  }
0x126: {  	v10 =	vadd.s32 v11, v10;
	v11 =	vld [tilespmem:s22+$0xFFFFFFC0]  }
0x127: {  	v10 =	vadd.s32 v12, v10;
	v12 =	vld [tilespmem:s22+$0xFFFFFFD0]  }
0x128: {  	v10 =	vadd.s32 v13, v10;
	v13 =	vld [tilespmem:s22+$0xFFFFFFE0]  }
0x129: {  	v10 =	vadd.s32 v14, v10;
	v14 =	vld [tilespmem:s22+$0xFFFFFFF0]  }
0x12a: {  	v10 =	vadd.s32 v15, v10;
	v15 =	vld [tilespmem:s22+$0x0]  }
0x12b: {  	v10 =	vadd.s32 v11, v10;
	v11 =	vld [tilespmem:s18+$0xFFFFFF20]  }
0x12c: {  	v10 =	vadd.s32 v12, v10;
	v12 =	vld [tilespmem:s18+$0xFFFFFF30]  }
0x12d: {  	v10 =	vadd.s32 v13, v10;
	v13 =	vld [tilespmem:s18+$0xFFFFFF40]  }
0x12e: {  	v10 =	vadd.s32 v14, v10;
	v14 =	vld [tilespmem:s18+$0xFFFFFF50]  }
0x12f: {  	v10 =	vadd.s32 v15, v10;
	v15 =	vld [tilespmem:s18+$0xFFFFFF60]  }
0x130: {  	(xrf0) =	vadd.scan.msk.s32 $0xffff, v10;
	v10 =	vadd.s32 v16, v11;
	v11 =	vld [tilespmem:s18+$0xFFFFFF70]  }
0x131: {  	v10 =	vadd.s32 v12, v10;
	v12 =	vld [tilespmem:s18+$0xFFFFFF80]  }
0x132: {  	v10 =	vadd.s32 v13, v10;
	v13 =	vld [tilespmem:s18+$0xFFFFFF90]  }
0x133: {  	v10 =	vadd.s32 v14, v10;
	v14 =	vld [tilespmem:s18+$0xFFFFFFA0]  }
0x134: {  	v10 =	vadd.s32 v15, v10;
	v15 =	vld [tilespmem:s18+$0xFFFFFFB0]  }
0x135: {  	v17 =	vld [tilespmem:s18+$0xFFFFFFC0];
	v10 =	vadd.s32 v11, v10  }
0x136: {  	v10 =	vadd.s32 v12, v10  }
0x137: {  	v11, _, _ =	vpop (xrf0);
	v12 =	vld [tilespmem:s18+$0xFFFFFFD0];
	v10 =	vadd.s32 v13, v10  }
0x138: {  	v11 =	vbroadcast v11, $0xF;
	v10 =	vadd.s32 v14, v10  }
0x139: {  	v13 =	vld [tilespmem:s18+$0xFFFFFFE0];
	v10 =	vadd.s32 v15, v10  }
0x13a: {  	v14 =	vld [tilespmem:s18+$0xFFFFFFF0];
	v11 =	vadd.s32 v9, v11;
	v10 =	vadd.s32 v17, v10  }
0x13b: {  	s21 =	simm.s32 $0x1E4F0;
	vm1 =	vmneg vm0;
	v15 =	vld [tilespmem:s18+$0x0];
	vm2 =	vgt.s32 v11, $0x270F  }
0x13c: {  	v18 =	vld [tilespmem:s21+$0xFFFFFF20];
	vm3 =	vmand vm2, vm1;
	v17 =	vadd.s32 v12, v10  }
0x13d: {  	s19 =	simm.s32 $0xE;
	s22 =	simm.s32 $0xC;
	v16 =	vld [tilespmem:s21+$0xFFFFFF10];
	s18 =	simm.s32 $0xD;
	v12 =	vsel vm3, s20, v9;
	v9 =	vsel vm3, v9, v9;
	vm3 =	vmmov vm0;
	v10 =	vmovc v11  }
.LBB2_17:
0x13e: {  	p0 =	sne.s32 s22, $0x0;
	v19 =	vld [tilespmem:s21+$0xFFFFFF30];
	v13 =	vadd.s32 v13, v17  }
0x13f: {  	v17 =	vld [tilespmem:s21+$0xFFFFFF40];
	v13 =	vadd.s32 v14, v13  }
0x140: {  	v14 =	vld [tilespmem:s21+$0xFFFFFF50];
	v13 =	vadd.s32 v15, v13  }
0x141: {  	v15 =	vld [tilespmem:s21+$0xFFFFFF60];
	(xrf0) =	vadd.scan.msk.s32 $0xffff, v13  }
0x142: {  	v13 =	vadd.s32 v16, v18;
	v16 =	vld [tilespmem:s21+$0xFFFFFF70]  }
0x143: {  	v13 =	vadd.s32 v19, v13;
	v18 =	vld [tilespmem:s21+$0xFFFFFF80]  }
0x144: {  	v13 =	vadd.s32 v17, v13;
	v17 =	vld [tilespmem:s21+$0xFFFFFF90]  }
0x145: {  	v13 =	vadd.s32 v14, v13;
	v14 =	vld [tilespmem:s21+$0xFFFFFFA0]  }
0x146: {  	v13 =	vadd.s32 v15, v13;
	v15 =	vld [tilespmem:s21+$0xFFFFFFB0]  }
0x147: {  	v13 =	vadd.s32 v16, v13;
	v19 =	vld [tilespmem:s21+$0xFFFFFFC0];
	v16, _, _ =	vpop (xrf0)  }
0x148: {  	v13 =	vadd.s32 v18, v13;
	v20 =	vld [tilespmem:s21+$0xFFFFFFD0];
	v16 =	vbroadcast v16, $0xF  }
.Ltmp7:
0x149: {  	v17 =	vadd.s32 v17, v13;
	v13 =	vld [tilespmem:s21+$0xFFFFFFE0];
	(pc) =	sbr.rel @p0 .LBB2_17-.Ltmp7, $4  }
0x14a: {  	vm3 =	vmor vm3, vm2;
	v17 =	vadd.s32 v14, v17;
	v14 =	vld [tilespmem:s21+$0xFFFFFFF0];
	v11 =	vadd.s32 v11, v16  }
0x14b: {  	vm4 =	vmneg vm3;
	v17 =	vadd.s32 v15, v17;
	v15 =	vld [tilespmem:s21+$0x0];
	s21 =	sadd.s32 $0xFFFFFF00, s21;
	vm2 =	vgt.s32 v11, $0x270F  }
0x14c: {  	v16 =	vld [tilespmem:s21+$0xFFFFFF10];
	v17 =	vadd.s32 v19, v17;
	vm4 =	vmand vm2, vm4  }
0x14d: {  	v18 =	vld [tilespmem:s21+$0xFFFFFF20];
	v17 =	vadd.s32 v20, v17;
	v12 =	vsel vm4, s19, v12;
	v9 =	vsel vm4, v10, v9;
	v10 =	vmovc v11;
	s19 =	smov.u32 s18;
	s18 =	smov.u32 s22;
	s22 =	sadd.s32 $0xFFFFFFFF, s22  }
0x14e: {  	v19 =	vld [tilespmem:s21+$0xFFFFFF30]  }
0x14f: {  	v20 =	vld [tilespmem:s21+$0xFFFFFF40]  }
0x150: {  	v21 =	vld [tilespmem:s21+$0xFFFFFF50]  }
0x151: {  	v22 =	vld [tilespmem:s21+$0xFFFFFF60]  }
0x152: {  	v54 =	vld [tilespmem:s21+$0xFFFFFF70];
	v16 =	vadd.s32 v16, v18  }
0x153: {  	v55 =	vld [tilespmem:s21+$0xFFFFFF80];
	v16 =	vadd.s32 v19, v16  }
0x154: {  	v56 =	vld [tilespmem:s21+$0xFFFFFF90];
	v16 =	vadd.s32 v20, v16  }
0x155: {  	v57 =	vld [tilespmem:s21+$0xFFFFFFA0];
	v16 =	vadd.s32 v21, v16  }
0x156: {  	v58 =	vld [tilespmem:s21+$0xFFFFFFB0];
	v16 =	vadd.s32 v22, v16  }
0x157: {  	v59 =	vld [tilespmem:s21+$0xFFFFFFC0];
	v16 =	vadd.s32 v54, v16  }
0x158: {  	v60 =	vld [tilespmem:s21+$0xFFFFFFD0];
	v16 =	vadd.s32 v55, v16  }
0x159: {  	v61 =	vld [tilespmem:s21+$0xFFFFFFE0];
	v16 =	vadd.s32 v56, v16  }
0x15a: {  	v62 =	vld [tilespmem:s21+$0xFFFFFFF0];
	v16 =	vadd.s32 v57, v16  }
0x15b: {  	v63 =	vld [tilespmem:s21+$0x0];
	v16 =	vadd.s32 v58, v16  }
0x15c: {  	v13 =	vadd.s32 v13, v17;
	v16 =	vadd.s32 v59, v16  }
0x15d: {  	v13 =	vadd.s32 v14, v13;
	v14 =	vadd.s32 v60, v16  }
0x15e: {  	v13 =	vadd.s32 v15, v13;
	v14 =	vadd.s32 v61, v14  }
0x15f: {  	(xrf0) =	vadd.scan.msk.s32 $0xffff, v13;
	v13 =	vadd.s32 v62, v14  }
0x160: {  	v13 =	vadd.s32 v63, v13  }
0x161: {  	(xrf0) =	vadd.scan.msk.s32 $0xffff, v13;
	_ =	sdelay $0x3  }
0x162: {  	v13, _, _ =	vpop (xrf0)  }
0x163: {  	v13 =	vbroadcast v13, $0xF  }
0x164: {  	v14, _, _ =	vpop (xrf0)  }
0x165: {  	v11 =	vadd.s32 v11, v13;
	v13 =	vbroadcast v14, $0xF  }
0x166: {  	vm2 =	vmor vm3, vm2;
	vm3 =	vgt.s32 v11, $0x270F  }
0x167: {  	vm4 =	vmneg vm2;
	vm2 =	vmor vm2, vm3;
	v13 =	vadd.s32 v11, v13  }
0x168: {  	vm3 =	vmand vm3, vm4;
	vm2 =	vmneg vm2;
	vm15 =	vgt.s32 v13, $0x270F  }
0x169: {  	v12 =	vsel vm3, s19, v12;
	vm2 =	vmand vm15, vm2  }
0x16a: {  	v12 =	vsel vm2, s18, v12  }
0x16b: {  	v13 =	vxor.u32 $0x80000000, v12  }
0x16c: {  	(xrf0) =	vmax.scan.msk.u32 $0xffff, v13;
	_ =	sdelay $0x5  }
0x16d: {  	v13, _, _ =	vpop (xrf0)  }
0x16e: {  	(v2sf) =	vpush v13, $0xF;
	_ =	sdelay $0xe  }
0x16f: {  	s24 =	spop (v2sf)  }
0x170: {  	s18 =	sshll.u32 s24, $0xA  }
0x171: {  	s25 =	simm.s32 $0xF0;
	s18 =	sshra.s32 s18, $0x2  }
0x172: {  	s20 =	sand.u32 $0x80, s25;
	s18 =	sadd.s32 $0x1D700, s18  }
0x173: {  	s19 =	sand.u32 $0x70, s25;
	s20 =	sadd.s32 s20, s18  }
0x174: {  	s19 =	sadd.s32 s19, s20  }
0x175: {  	v13 =	vld [tilespmem:s19+$0x0];
	_ =	sdelay $0x2  }
0x176: {  	s26 =	simm.s32 $0xE0  }
0x177: {  	s28 =	sand.u32 $0x80, s26  }
0x178: {  	s20 =	sadd.s32 s28, s18;
	s19 =	sand.u32 $0x70, s26;
	(xrf0) =	vadd.scan.msk.s32 $0xffff, v13  }
0x179: {  	s19 =	sadd.s32 s19, s20  }
0x17a: {  	v13 =	vld [tilespmem:s19+$0x0];
	_ =	sdelay $0x1  }
0x17b: {  	s29 =	simm.s32 $0xD0  }
0x17c: {  	s30 =	sand.u32 $0x80, s29  }
0x17d: {  	s20 =	sadd.s32 s30, s18;
	s19 =	sand.u32 $0x70, s29;
	v14, _, _ =	vpop (xrf0)  }
0x17e: {  	v9 =	vsel vm3, v10, v9;
	s31 =	sadd.s32 s19, s20;
	(xrf0) =	vadd.scan.msk.s32 $0xffff, v13;
	v10 =	vbroadcast v14, $0xF  }
0x17f: {  	v11 =	vsel vm2, v11, v9;
	vm2 =	vmmov vm0;
	v9 =	vshll.u32 v12, $0x4;
	v14 =	vld [tilespmem:s31+$0x0]  }
0x180: {  	v12 =	vimm.s32 $0x0;
	s19 =	simm.s32 $0xF;
	s20 =	simm.s32 $0xC0;
	v13 =	vimm.s32 $0x0;
	v10 =	vadd.s32 v11, v10  }
.LBB2_19:
0x181: {  	s21 =	sand.u32 $0x80, s20  }
0x182: {  	p0 =	sne.s32 s20, $0x0;
	vm3 =	vgt.s32 v10, $0x270F;
	vm4 =	vmneg vm2;
	s22 =	smov.u32 s20;
	s20 =	sadd.s32 $0xFFFFFFF0, s20  }
.Ltmp8:
0x183: {  	v15 =	vor.u32 s19, v9;
	s22 =	sand.u32 $0x70, s22;
	s21 =	sadd.s32 s21, s18;
	vm4 =	vmand vm3, vm4;
	(pc) =	sbr.rel @p0 .LBB2_19-.Ltmp8, $3  }
0x184: {  	s21 =	sadd.s32 s22, s21;
	(xrf0) =	vadd.scan.msk.s32 $0xffff, v14;
	v16, _, _ =	vpop (xrf0);
	v12 =	vsel vm4, v15, v12;
	v13 =	vsel vm4, v11, v13;
	v11 =	vmov v10  }
0x185: {  	v14 =	vld [tilespmem:s21+$0x0];
	v15 =	vbroadcast v16, $0xF;
	_ =	sdelay $0x1  }
0x186: {  	s19 =	sadd.s32 $0xFFFFFFFF, s19;
	vm2 =	vmor vm2, vm3;
	v10 =	vadd.s32 v10, v15  }
0x187: {  	_ =	sdelay $0x1  }
0x188: {  	(xrf0) =	vadd.scan.msk.s32 $0xffff, v14;
	_ =	sdelay $0x1  }
0x189: {  	v14, _, _ =	vpop (xrf0)  }
0x18a: {  	v15 =	vor.u32 s19, v9;
	v14 =	vbroadcast v14, $0xF  }
0x18b: {  	vm3 =	vgt.s32 v10, $0x270F;
	vm4 =	vmneg vm2  }
0x18c: {  	vm4 =	vmand vm3, vm4;
	vm2 =	vmor vm2, vm3;
	v14 =	vadd.s32 v10, v14  }
0x18d: {  	v12 =	vsel vm4, v15, v12;
	vm14 =	vmneg vm2;
	vm3 =	vgt.s32 v14, $0x270F;
	v15, _, _ =	vpop (xrf0)  }
0x18e: {  	s18 =	simm.s32 $0x20;
	v11 =	vsel vm4, v11, v13;
	vm4 =	vmand vm3, vm14;
	v15 =	vbroadcast v15, $0xF  }
0x18f: {  	s31 =	sadd.s32 $0xFFFFFFFF, s19;
	v10 =	vsel vm4, v10, v11;
	v11 =	vld [tilespmem:s18+$0x0]  }
0x190: {  	v16 =	vor.u32 s31, v9;
	v13 =	vadd.s32 v14, v15;
	v15 =	vld [tilespmem:s18+$0x20]  }
0x191: {  	vm2 =	vmor vm2, vm3;
	v12 =	vsel vm4, v16, v12;
	v16 =	vld [tilespmem:s18+$0x10]  }
0x192: {  	s19 =	sadd.s32 $0xFFFFFFFF, s31;
	vm2 =	vmneg vm2;
	vm3 =	vgt.s32 v13, $0x270F  }
0x193: {  	v9 =	vor.u32 s19, v9;
	v13 =	vld [tilespmem:s18+$0xFFFFFFF0];
	vm2 =	vmand vm3, vm2  }
0x194: {  	v18 =	vxor.u32 $0xFFFFFFFF, v11;
	v9 =	vsel vm2, v9, v12;
	v10 =	vsel vm2, v14, v10  }
0x195: {  	vm2 =	vlt.s32 v15, $0x0;
	v14 =	vxor.u32 $0xFFFFFFFF, v15;
	v15 =	vor.u32 $0x80000000, v15  }
0x196: {  	vm6 =	vlt.s32 v16, $0x0;
	v20 =	vxor.u32 $0xFFFFFFFF, v16;
	v12 =	vld [tilespmem:s18+$0xFFFFFFE0];
	v14 =	vsel vm2, v14, v15  }
0x197: {  	v9 =	vshll.u32 v9, $0x18;
	v15 =	vshrl.u32 v14, $0xC;
	v14 =	vand.u32 $0xFF000000, v14  }
0x198: {  	vm3 =	vlt.s32 v13, $0x0;
	v15 =	vand.u32 $0xFF0, v15;
	vm15 =	veq.s32 v14, v9  }
0x199: {  	v17 =	vxor.u32 $0xFFFFFFFF, v13;
	v13 =	vor.u32 $0x80000000, v13;
	v19 =	vor.u32 v6, v15  }
0x19a: {  	v16 =	vor.u32 $0x80000000, v16;
	vm2 =	vlt.s32 v11, $0x0;
	v13 =	vsel vm3, v17, v13  }
0x19b: {  	vm5 =	vlt.s32 v12, $0x0;
	v14 =	vxor.u32 $0xFFFFFFFF, v12;
	v12 =	vor.u32 $0x80000000, v12  }
0x19c: {  	v11 =	vor.u32 $0x80000000, v11;
	v17 =	vshrl.u32 v13, $0xC;
	v15 =	vsel vm5, v14, v12  }
0x19d: {  	s19 =	simm.s32 $0x18700;
	v12 =	vsel vm2, v18, v11;
	v11 =	vsel vm6, v20, v16;
	v14 =	vshrl.u32 v15, $0xC  }
0x19e: {  	s20 =	simm.s32 $0x0;
	s21 =	simm.s32 $0x70;
	v18 =	vshrl.u32 v12, $0xC;
	v16 =	vshrl.u32 v11, $0xC;
	v14 =	vand.u32 $0xFF0, v14;
	[tilespmem:v19+s19+$0x0] =	vst.idx.add.s32.msk vm15, v2  }
.LBB2_21:
0x19f: {  	v19 =	vld [tilespmem:s21+$0x20];
	s20 =	sadd.s32 $0x5, s20;
	v15 =	vand.u32 $0xFF000000, v15;
	v17 =	vand.u32 $0xFF0, v17;
	v13 =	vand.u32 $0xFF000000, v13  }
0x1a0: {  	v18 =	vand.u32 $0xFF0, v18;
	v12 =	vand.u32 $0xFF000000, v12;
	v16 =	vand.u32 $0xFF0, v16;
	v20 =	vld [tilespmem:s21+$0xFFFFFFF0];
	p0 =	slt.u32 s20, $0x1865  }
0x1a1: {  	v14 =	vor.u32 v1, v14;
	v11 =	vand.u32 $0xFF000000, v11;
	vm3 =	veq.s32 v15, v9;
	v21 =	vld [tilespmem:s21+$0x0]  }
0x1a2: {  	vm4 =	veq.s32 v13, v9;
	v13 =	vor.u32 v3, v17;
	vm5 =	veq.s32 v12, v9;
	v15 =	vld [tilespmem:s21+$0x10]  }
0x1a3: {  	v17 =	vor.u32 v4, v18;
	vm2 =	veq.s32 v11, v9;
	v11 =	vor.u32 v5, v16;
	v12 =	vld [tilespmem:s21+$0xFFFFFFE0]  }
0x1a4: {  	vm6 =	vlt.s32 v19, $0x0;
	v16 =	vxor.u32 $0xFFFFFFFF, v19;
	v18 =	vor.u32 $0x80000000, v19  }
0x1a5: {  	vm7 =	vlt.s32 v20, $0x0;
	v19 =	vxor.u32 $0xFFFFFFFF, v20;
	v16 =	vsel vm6, v16, v18  }
0x1a6: {  	v18 =	vor.u32 $0x80000000, v20;
	v20 =	vshrl.u32 v16, $0xC;
	v16 =	vand.u32 $0xFF000000, v16  }
0x1a7: {  	vm6 =	vlt.s32 v21, $0x0;
	v20 =	vand.u32 $0xFF0, v20;
	vm8 =	veq.s32 v16, v9;
	[tilespmem:v14+s19+$0x0] =	vst.idx.add.s32.msk vm3, v2  }
0x1a8: {  	vm3 =	vlt.s32 v12, $0x0;
	v14 =	vxor.u32 $0xFFFFFFFF, v12;
	v20 =	vor.u32 v6, v20;
	[tilespmem:v13+s19+$0x0] =	vst.idx.add.s32.msk vm4, v2  }
.Ltmp9:
0x1a9: {  	v16 =	vxor.u32 $0xFFFFFFFF, v21;
	v21 =	vor.u32 $0x80000000, v21;
	v12 =	vor.u32 $0x80000000, v12;
	[tilespmem:v17+s19+$0x0] =	vst.idx.add.s32.msk vm5, v2;
	(pc) =	sbr.rel @p0 .LBB2_21-.Ltmp9, $4  }
0x1aa: {  	v22 =	vxor.u32 $0xFFFFFFFF, v15;
	v23 =	vor.u32 $0x80000000, v15;
	vm4 =	vlt.s32 v15, $0x0;
	[tilespmem:v11+s19+$0x0] =	vst.idx.add.s32.msk vm2, v2  }
0x1ab: {  	v13 =	vsel vm7, v19, v18;
	v15 =	vsel vm3, v14, v12;
	v12 =	vsel vm6, v16, v21  }
0x1ac: {  	s22 =	simm.s32 $0x0;
	v17 =	vshrl.u32 v13, $0xC;
	v14 =	vshrl.u32 v15, $0xC;
	v11 =	vsel vm4, v22, v23  }
0x1ad: {  	s18 =	simm.s32 $0x1D720;
	s21 =	sadd.s32 $0x50, s21;
	v18 =	vshrl.u32 v12, $0xC;
	v14 =	vand.u32 $0xFF0, v14;
	v16 =	vshrl.u32 v11, $0xC;
	[tilespmem:v20+s19+$0x0] =	vst.idx.add.s32.msk vm8, v2  }
0x1ae: {  	v15 =	vand.u32 $0xFF000000, v15;
	v17 =	vand.u32 $0xFF0, v17  }
0x1af: {  	v13 =	vand.u32 $0xFF000000, v13;
	v18 =	vand.u32 $0xFF0, v18;
	vm2 =	veq.s32 v15, v9  }
0x1b0: {  	v12 =	vand.u32 $0xFF000000, v12;
	v14 =	vor.u32 v1, v14;
	vm3 =	veq.s32 v13, v9  }
0x1b1: {  	v11 =	vand.u32 $0xFF000000, v11;
	v13 =	vor.u32 v3, v17;
	vm4 =	veq.s32 v12, v9  }
0x1b2: {  	v12 =	vand.u32 $0xFF0, v16;
	v15 =	vor.u32 v4, v18;
	vm5 =	veq.s32 v11, v9  }
0x1b3: {  	v11 =	vor.u32 v5, v12;
	_ =	sdelay $0x1  }
0x1b4: {  	[tilespmem:v14+s19+$0x0] =	vst.idx.add.s32.msk vm2, v2  }
0x1b5: {  	[tilespmem:v13+s19+$0x0] =	vst.idx.add.s32.msk vm3, v2  }
0x1b6: {  	[tilespmem:v15+s19+$0x0] =	vst.idx.add.s32.msk vm4, v2  }
0x1b7: {  	[tilespmem:v11+s19+$0x0] =	vst.idx.add.s32.msk vm5, v2  }
0x1b8: {  	v11 =	vld [tilespmem:s19+$0x0]  }
0x1b9: {  	v61 =	vld [tilespmem:s19+$0x10]  }
0x1ba: {  	v63 =	vld [tilespmem:s19+$0x2020]  }
0x1bb: {  	v19 =	vld [tilespmem:s19+$0x3010]  }
0x1bc: {  	[tilespmem:s19+$0x0] =	vst v0;
	v20 =	vld [tilespmem:s19+$0x3020]  }
0x1bd: {  	s20 =	sand.u32 $0xFC0, s22;
	[tilespmem:s19+$0x10] =	vst v0;
	v22 =	vld [tilespmem:s19+$0x4010]  }
0x1be: {  	[tilespmem:s19+$0x2020] =	vst v0;
	v12 =	vld [tilespmem:s20+$0x19700]  }
0x1bf: {  	[tilespmem:s19+$0x3010] =	vst v0;
	v13 =	vld [tilespmem:s20+$0x1A700]  }
0x1c0: {  	[tilespmem:s19+$0x3020] =	vst v0;
	v14 =	vld [tilespmem:s20+$0x1B700]  }
0x1c1: {  	[tilespmem:s19+$0x4010] =	vst v0;
	v15 =	vld [tilespmem:s20+$0x1C700]  }
0x1c2: {  	v23 =	vld [tilespmem:s19+$0x4020];
	[tilespmem:s19+$0x4020] =	vst v0  }
0x1c3: {  	v62 =	vld [tilespmem:s19+$0x1030];
	[tilespmem:s20+$0x19700] =	vst v0;
	v11 =	vadd.s32 v11, v12  }
0x1c4: {  	v21 =	vld [tilespmem:s19+$0x2030];
	[tilespmem:s20+$0x1A700] =	vst v0;
	v11 =	vadd.s32 v13, v11  }
0x1c5: {  	[tilespmem:s20+$0x1B700] =	vst v0;
	v12 =	vld [tilespmem:s19+$0x1010];
	v11 =	vadd.s32 v14, v11  }
0x1c6: {  	[tilespmem:s20+$0x1C700] =	vst v0;
	v13 =	vld [tilespmem:s19+$0x20];
	v11 =	vadd.s32 v15, v11  }
0x1c7: {  	[tilespmem:s18+$0xFFFFFFE0] =	vst v11;
	v11 =	vld [tilespmem:s19+$0x2010]  }
0x1c8: {  	[tilespmem:s19+$0x1030] =	vst v0;
	v14 =	vld [tilespmem:s19+$0x1020]  }
0x1c9: {  	v24 =	vld [tilespmem:s19+$0x3030];
	[tilespmem:s19+$0x2030] =	vst v0  }
0x1ca: {  	[tilespmem:s19+$0x3030] =	vst v0;
	v15 =	vld [tilespmem:s19+$0x30]  }
0x1cb: {  	[tilespmem:s19+$0x1010] =	vst v0;
	v12 =	vadd.s32 v61, v12  }
0x1cc: {  	[tilespmem:s19+$0x20] =	vst v0;
	v11 =	vadd.s32 v11, v12  }
0x1cd: {  	[tilespmem:s19+$0x1020] =	vst v0;
	v13 =	vadd.s32 v13, v14;
	v14 =	vadd.s32 v19, v11;
	v11 =	vld [tilespmem:s19+$0x4030]  }
0x1ce: {  	[tilespmem:s19+$0x30] =	vst v0  }
0x1cf: {  	[tilespmem:s19+$0x2010] =	vst v0;
	v13 =	vadd.s32 v63, v13;
	v12 =	vadd.s32 v15, v62  }
0x1d0: {  	v15 =	vadd.s32 v20, v13;
	v12 =	vadd.s32 v21, v12;
	[tilespmem:s19+$0x4030] =	vst v0;
	v14 =	vadd.s32 v22, v14  }
0x1d1: {  	s21 =	simm.s32 $0x40;
	s20 =	simm.s32 $0x18740;
	s19 =	simm.s32 $0x0;
	v13 =	vadd.s32 v24, v12;
	v12 =	vadd.s32 v23, v15;
	[tilespmem:s18+$0xFFFFFFF0] =	vst v14  }
.LBB2_23:
0x1d2: {  	v14 =	vld [tilespmem:s20+$0x0];
	[tilespmem:s20+$0x0] =	vst v0;
	s22 =	sand.u32 $0xFC0, s21;
	s19 =	sadd.s32 $0x4, s19;
	v11 =	vadd.s32 v11, v13  }
0x1d3: {  	v13 =	vld [tilespmem:s22+$0x19700];
	[tilespmem:s22+$0x19700] =	vst v0;
	p0 =	slt.u32 s19, $0xFC  }
0x1d4: {  	v15 =	vld [tilespmem:s22+$0x1A700];
	[tilespmem:s22+$0x1A700] =	vst v0  }
0x1d5: {  	v16 =	vld [tilespmem:s22+$0x1B700];
	[tilespmem:s22+$0x1B700] =	vst v0  }
0x1d6: {  	v17 =	vld [tilespmem:s22+$0x1C700];
	[tilespmem:s18+$0x0] =	vst v12  }
0x1d7: {  	v12 =	vld [tilespmem:s20+$0x10];
	[tilespmem:s20+$0x10] =	vst v0  }
0x1d8: {  	v13 =	vadd.s32 v14, v13;
	v14 =	vld [tilespmem:s20+$0x1010];
	[tilespmem:s20+$0x1010] =	vst v0  }
0x1d9: {  	v13 =	vadd.s32 v15, v13;
	v15 =	vld [tilespmem:s20+$0x20];
	[tilespmem:s18+$0x10] =	vst v11  }
0x1da: {  	v11 =	vadd.s32 v16, v13;
	[tilespmem:s20+$0x20] =	vst v0;
	v13 =	vld [tilespmem:s20+$0x1020]  }
0x1db: {  	s18 =	sadd.s32 $0x40, s18;
	v11 =	vadd.s32 v17, v11;
	[tilespmem:s22+$0x1C700] =	vst v0;
	v16 =	vld [tilespmem:s20+$0x30]  }
0x1dc: {  	[tilespmem:s18+$0xFFFFFFE0] =	vst v11;
	v11 =	vld [tilespmem:s20+$0x1030]  }
0x1dd: {  	v12 =	vadd.s32 v12, v14;
	v14 =	vld [tilespmem:s20+$0x2010];
	[tilespmem:s20+$0x2010] =	vst v0  }
0x1de: {  	[tilespmem:s20+$0x1020] =	vst v0;
	v17 =	vld [tilespmem:s20+$0x2020]  }
0x1df: {  	v13 =	vadd.s32 v15, v13;
	[tilespmem:s20+$0x2020] =	vst v0;
	v15 =	vld [tilespmem:s20+$0x2030]  }
0x1e0: {  	v18 =	vld [tilespmem:s20+$0x3010];
	[tilespmem:s20+$0x3010] =	vst v0  }
0x1e1: {  	v19 =	vld [tilespmem:s20+$0x3020];
	[tilespmem:s20+$0x3020] =	vst v0;
	v11 =	vadd.s32 v16, v11  }
0x1e2: {  	v12 =	vadd.s32 v14, v12;
	[tilespmem:s20+$0x30] =	vst v0;
	v14 =	vld [tilespmem:s20+$0x3030]  }
0x1e3: {  	v16 =	vld [tilespmem:s20+$0x4010];
	[tilespmem:s20+$0x4010] =	vst v0;
	v13 =	vadd.s32 v17, v13  }
0x1e4: {  	v17 =	vld [tilespmem:s20+$0x4020];
	[tilespmem:s20+$0x4020] =	vst v0;
	v15 =	vadd.s32 v15, v11  }
.Ltmp10:
0x1e5: {  	v12 =	vadd.s32 v18, v12;
	[tilespmem:s20+$0x1030] =	vst v0;
	v11 =	vld [tilespmem:s20+$0x4030];
	(pc) =	sbr.rel @p0 .LBB2_23-.Ltmp10, $4  }
0x1e6: {  	v18 =	vadd.s32 v19, v13;
	[tilespmem:s20+$0x2030] =	vst v0  }
0x1e7: {  	v13 =	vadd.s32 v14, v15;
	[tilespmem:s20+$0x3030] =	vst v0  }
0x1e8: {  	v12 =	vadd.s32 v16, v12;
	[tilespmem:s20+$0x4030] =	vst v0  }
0x1e9: {  	s21 =	sadd.s32 $0x40, s21;
	s20 =	sadd.s32 $0x40, s20;
	[tilespmem:s18+$0xFFFFFFF0] =	vst v12;
	v12 =	vadd.s32 v17, v18  }
0x1ea: {  	v11 =	vadd.s32 v11, v13;
	[tilespmem:s18+$0x0] =	vst v12  }
0x1eb: {  	s30 =	simm.s32 $0x1E6F0;
	[tilespmem:s18+$0x10] =	vst v11  }
0x1ec: {  	v11 =	vld [tilespmem:s30+$0xFFFFFF10]  }
0x1ed: {  	v12 =	vld [tilespmem:s30+$0xFFFFFF20]  }
0x1ee: {  	v13 =	vld [tilespmem:s30+$0xFFFFFF30]  }
0x1ef: {  	v14 =	vld [tilespmem:s30+$0xFFFFFF40]  }
0x1f0: {  	v15 =	vld [tilespmem:s30+$0xFFFFFF50]  }
0x1f1: {  	s31 =	simm.s32 $0x1E5F0;
	v16 =	vld [tilespmem:s30+$0xFFFFFF60]  }
0x1f2: {  	v17 =	vld [tilespmem:s31+$0xFFFFFF10]  }
0x1f3: {  	v11 =	vadd.s32 v11, v12;
	v12 =	vld [tilespmem:s30+$0xFFFFFF70]  }
0x1f4: {  	v11 =	vadd.s32 v13, v11;
	v13 =	vld [tilespmem:s30+$0xFFFFFF80]  }
0x1f5: {  	v11 =	vadd.s32 v14, v11;
	v14 =	vld [tilespmem:s30+$0xFFFFFF90]  }
0x1f6: {  	v11 =	vadd.s32 v15, v11;
	v15 =	vld [tilespmem:s30+$0xFFFFFFA0]  }
0x1f7: {  	v11 =	vadd.s32 v16, v11;
	v16 =	vld [tilespmem:s30+$0xFFFFFFB0]  }
0x1f8: {  	v11 =	vadd.s32 v12, v11;
	v12 =	vld [tilespmem:s30+$0xFFFFFFC0]  }
0x1f9: {  	v11 =	vadd.s32 v13, v11;
	v13 =	vld [tilespmem:s30+$0xFFFFFFD0]  }
0x1fa: {  	v11 =	vadd.s32 v14, v11;
	v14 =	vld [tilespmem:s30+$0xFFFFFFE0]  }
0x1fb: {  	v11 =	vadd.s32 v15, v11;
	v15 =	vld [tilespmem:s30+$0xFFFFFFF0]  }
0x1fc: {  	v11 =	vadd.s32 v16, v11;
	v16 =	vld [tilespmem:s30+$0x0]  }
0x1fd: {  	v11 =	vadd.s32 v12, v11;
	v12 =	vld [tilespmem:s31+$0xFFFFFF20]  }
0x1fe: {  	v11 =	vadd.s32 v13, v11;
	v13 =	vld [tilespmem:s31+$0xFFFFFF30]  }
0x1ff: {  	v11 =	vadd.s32 v14, v11;
	v14 =	vld [tilespmem:s31+$0xFFFFFF40]  }
0x200: {  	v11 =	vadd.s32 v15, v11;
	v15 =	vld [tilespmem:s31+$0xFFFFFF50]  }
0x201: {  	v11 =	vadd.s32 v16, v11;
	v16 =	vld [tilespmem:s31+$0xFFFFFF60]  }
0x202: {  	(xrf0) =	vadd.scan.msk.s32 $0xffff, v11;
	v11 =	vadd.s32 v17, v12;
	v12 =	vld [tilespmem:s31+$0xFFFFFF70]  }
0x203: {  	v11 =	vadd.s32 v13, v11;
	v13 =	vld [tilespmem:s31+$0xFFFFFF80]  }
0x204: {  	v11 =	vadd.s32 v14, v11;
	v14 =	vld [tilespmem:s31+$0xFFFFFF90]  }
0x205: {  	v17 =	vld [tilespmem:s31+$0xFFFFFFA0];
	v11 =	vadd.s32 v15, v11  }
0x206: {  	v18 =	vld [tilespmem:s31+$0xFFFFFFB0];
	v11 =	vadd.s32 v16, v11  }
0x207: {  	v11 =	vadd.s32 v12, v11;
	v12 =	vld [tilespmem:s31+$0xFFFFFFC0]  }
0x208: {  	v19 =	vld [tilespmem:s31+$0xFFFFFFD0];
	v15, _, _ =	vpop (xrf0);
	v11 =	vadd.s32 v13, v11  }
0x209: {  	v13 =	vbroadcast v15, $0xF;
	v11 =	vadd.s32 v14, v11  }
0x20a: {  	v21 =	vimm.s32 $0x0;
	v15 =	vld [tilespmem:s31+$0xFFFFFFE0];
	v11 =	vadd.s32 v17, v11  }
0x20b: {  	v10 =	vsub.s32 $0x2710, v10;
	v16 =	vld [tilespmem:s31+$0xFFFFFFF0];
	v13 =	vadd.s32 v21, v13;
	v11 =	vadd.s32 v18, v11  }
0x20c: {  	s20 =	simm.s32 $0x1E4F0;
	v17 =	vld [tilespmem:s31+$0x0];
	vm2 =	vge.s32 v13, v10;
	v11 =	vadd.s32 v12, v11  }
0x20d: {  	s22 =	simm.s32 $0xF;
	v20 =	vld [tilespmem:s20+$0xFFFFFF20];
	vm3 =	vmand vm2, vm1;
	v19 =	vadd.s32 v19, v11  }
0x20e: {  	s19 =	simm.s32 $0xE;
	s21 =	simm.s32 $0xC;
	s18 =	simm.s32 $0xD;
	v18 =	vld [tilespmem:s20+$0xFFFFFF10];
	v12 =	vmovc v13;
	v14 =	vsel vm3, s22, v21;
	v11 =	vsel vm3, v21, v21;
	vm3 =	vmmov vm0  }
.LBB2_25:
0x20f: {  	p0 =	sne.s32 s21, $0x0;
	v21 =	vld [tilespmem:s20+$0xFFFFFF30];
	v15 =	vadd.s32 v15, v19  }
0x210: {  	v19 =	vld [tilespmem:s20+$0xFFFFFF40];
	v15 =	vadd.s32 v16, v15  }
0x211: {  	v16 =	vld [tilespmem:s20+$0xFFFFFF50];
	v15 =	vadd.s32 v17, v15  }
0x212: {  	v17 =	vld [tilespmem:s20+$0xFFFFFF60];
	(xrf0) =	vadd.scan.msk.s32 $0xffff, v15  }
0x213: {  	v15 =	vadd.s32 v18, v20;
	v18 =	vld [tilespmem:s20+$0xFFFFFF70]  }
0x214: {  	v15 =	vadd.s32 v21, v15;
	v20 =	vld [tilespmem:s20+$0xFFFFFF80]  }
0x215: {  	v15 =	vadd.s32 v19, v15;
	v19 =	vld [tilespmem:s20+$0xFFFFFF90]  }
0x216: {  	v15 =	vadd.s32 v16, v15;
	v16 =	vld [tilespmem:s20+$0xFFFFFFA0]  }
0x217: {  	v15 =	vadd.s32 v17, v15;
	v17 =	vld [tilespmem:s20+$0xFFFFFFB0]  }
0x218: {  	v15 =	vadd.s32 v18, v15;
	v21 =	vld [tilespmem:s20+$0xFFFFFFC0];
	v18, _, _ =	vpop (xrf0)  }
0x219: {  	v15 =	vadd.s32 v20, v15;
	v22 =	vld [tilespmem:s20+$0xFFFFFFD0];
	v18 =	vbroadcast v18, $0xF  }
.Ltmp11:
0x21a: {  	v19 =	vadd.s32 v19, v15;
	v15 =	vld [tilespmem:s20+$0xFFFFFFE0];
	(pc) =	sbr.rel @p0 .LBB2_25-.Ltmp11, $4  }
0x21b: {  	vm3 =	vmor vm3, vm2;
	v19 =	vadd.s32 v16, v19;
	v16 =	vld [tilespmem:s20+$0xFFFFFFF0];
	v13 =	vadd.s32 v13, v18  }
0x21c: {  	vm4 =	vmneg vm3;
	v19 =	vadd.s32 v17, v19;
	v17 =	vld [tilespmem:s20+$0x0];
	s20 =	sadd.s32 $0xFFFFFF00, s20;
	vm2 =	vge.s32 v13, v10  }
0x21d: {  	v18 =	vld [tilespmem:s20+$0xFFFFFF10];
	v19 =	vadd.s32 v21, v19;
	vm4 =	vmand vm2, vm4  }
0x21e: {  	v20 =	vld [tilespmem:s20+$0xFFFFFF20];
	v19 =	vadd.s32 v22, v19;
	v14 =	vsel vm4, s19, v14;
	v11 =	vsel vm4, v12, v11;
	v12 =	vmovc v13;
	s19 =	smov.u32 s18;
	s18 =	smov.u32 s21;
	s21 =	sadd.s32 $0xFFFFFFFF, s21  }
0x21f: {  	v21 =	vld [tilespmem:s20+$0xFFFFFF30]  }
0x220: {  	v22 =	vld [tilespmem:s20+$0xFFFFFF40]  }
0x221: {  	v23 =	vld [tilespmem:s20+$0xFFFFFF50]  }
0x222: {  	v24 =	vld [tilespmem:s20+$0xFFFFFF60]  }
0x223: {  	v54 =	vld [tilespmem:s20+$0xFFFFFF70];
	v18 =	vadd.s32 v18, v20  }
0x224: {  	v55 =	vld [tilespmem:s20+$0xFFFFFF80];
	v18 =	vadd.s32 v21, v18  }
0x225: {  	v56 =	vld [tilespmem:s20+$0xFFFFFF90];
	v18 =	vadd.s32 v22, v18  }
0x226: {  	v57 =	vld [tilespmem:s20+$0xFFFFFFA0];
	v18 =	vadd.s32 v23, v18  }
0x227: {  	v58 =	vld [tilespmem:s20+$0xFFFFFFB0];
	v18 =	vadd.s32 v24, v18  }
0x228: {  	v59 =	vld [tilespmem:s20+$0xFFFFFFC0];
	v18 =	vadd.s32 v54, v18  }
0x229: {  	v60 =	vld [tilespmem:s20+$0xFFFFFFD0];
	v18 =	vadd.s32 v55, v18  }
0x22a: {  	v61 =	vld [tilespmem:s20+$0xFFFFFFE0];
	v18 =	vadd.s32 v56, v18  }
0x22b: {  	v62 =	vld [tilespmem:s20+$0xFFFFFFF0];
	v18 =	vadd.s32 v57, v18  }
0x22c: {  	v63 =	vld [tilespmem:s20+$0x0];
	v18 =	vadd.s32 v58, v18  }
0x22d: {  	v15 =	vadd.s32 v15, v19;
	v18 =	vadd.s32 v59, v18  }
0x22e: {  	v15 =	vadd.s32 v16, v15;
	v16 =	vadd.s32 v60, v18  }
0x22f: {  	v15 =	vadd.s32 v17, v15;
	v16 =	vadd.s32 v61, v16  }
0x230: {  	(xrf0) =	vadd.scan.msk.s32 $0xffff, v15;
	v15 =	vadd.s32 v62, v16  }
0x231: {  	v15 =	vadd.s32 v63, v15  }
0x232: {  	(xrf0) =	vadd.scan.msk.s32 $0xffff, v15;
	_ =	sdelay $0x3  }
0x233: {  	v15, _, _ =	vpop (xrf0)  }
0x234: {  	v15 =	vbroadcast v15, $0xF  }
0x235: {  	v16, _, _ =	vpop (xrf0)  }
0x236: {  	v13 =	vadd.s32 v13, v15;
	v15 =	vbroadcast v16, $0xF  }
0x237: {  	vm2 =	vmor vm3, vm2;
	vm3 =	vge.s32 v13, v10  }
0x238: {  	vm4 =	vmneg vm2;
	vm2 =	vmor vm2, vm3;
	v15 =	vadd.s32 v13, v15  }
0x239: {  	vm3 =	vmand vm3, vm4;
	vm2 =	vmneg vm2;
	vm15 =	vge.s32 v15, v10  }
0x23a: {  	v14 =	vsel vm3, s19, v14;
	vm2 =	vmand vm15, vm2  }
0x23b: {  	v14 =	vsel vm2, s18, v14  }
0x23c: {  	v15 =	vxor.u32 $0x80000000, v14  }
0x23d: {  	(xrf0) =	vmax.scan.msk.u32 $0xffff, v15;
	_ =	sdelay $0x5  }
0x23e: {  	v15, _, _ =	vpop (xrf0)  }
0x23f: {  	(v2sf) =	vpush v15, $0xF;
	_ =	sdelay $0xe  }
0x240: {  	s24 =	spop (v2sf)  }
0x241: {  	s18 =	sshll.u32 s24, $0xA  }
0x242: {  	s25 =	simm.s32 $0xF0;
	s18 =	sshra.s32 s18, $0x2  }
0x243: {  	s26 =	sand.u32 $0x80, s25;
	s18 =	sadd.s32 $0x1D700, s18  }
0x244: {  	s19 =	sand.u32 $0x70, s25;
	s20 =	sadd.s32 s26, s18  }
0x245: {  	s19 =	sadd.s32 s19, s20  }
0x246: {  	v15 =	vld [tilespmem:s19+$0x0];
	_ =	sdelay $0x2  }
0x247: {  	s28 =	simm.s32 $0xE0  }
0x248: {  	s29 =	sand.u32 $0x80, s28  }
0x249: {  	s20 =	sadd.s32 s29, s18;
	s19 =	sand.u32 $0x70, s28;
	(xrf0) =	vadd.scan.msk.s32 $0xffff, v15  }
0x24a: {  	s19 =	sadd.s32 s19, s20  }
0x24b: {  	v16 =	vld [tilespmem:s19+$0x0];
	_ =	sdelay $0x1  }
0x24c: {  	s30 =	simm.s32 $0xD0  }
0x24d: {  	s31 =	sand.u32 $0x80, s30  }
0x24e: {  	s20 =	sadd.s32 s31, s18;
	s19 =	sand.u32 $0x70, s30;
	v15, _, _ =	vpop (xrf0)  }
0x24f: {  	v11 =	vsel vm3, v12, v11;
	s21 =	sadd.s32 s19, s20;
	(xrf0) =	vadd.scan.msk.s32 $0xffff, v16;
	v17 =	vbroadcast v15, $0xF  }
0x250: {  	v11 =	vsel vm2, v13, v11;
	vm2 =	vmmov vm0;
	v12 =	vshll.u32 v14, $0x4;
	v16 =	vld [tilespmem:s21+$0x0]  }
0x251: {  	v14 =	vimm.s32 $0x0;
	s19 =	simm.s32 $0xF;
	s20 =	simm.s32 $0xC0;
	v15 =	vimm.s32 $0x0;
	v13 =	vadd.s32 v11, v17  }
.LBB2_27:
0x252: {  	s21 =	sand.u32 $0x80, s20  }
0x253: {  	p0 =	sne.s32 s20, $0x0;
	vm3 =	vge.s32 v13, v10;
	vm4 =	vmneg vm2;
	s22 =	smov.u32 s20;
	s20 =	sadd.s32 $0xFFFFFFF0, s20  }
.Ltmp12:
0x254: {  	v17 =	vor.u32 s19, v12;
	s22 =	sand.u32 $0x70, s22;
	s21 =	sadd.s32 s21, s18;
	vm4 =	vmand vm3, vm4;
	(pc) =	sbr.rel @p0 .LBB2_27-.Ltmp12, $3  }
0x255: {  	s21 =	sadd.s32 s22, s21;
	(xrf0) =	vadd.scan.msk.s32 $0xffff, v16;
	v18, _, _ =	vpop (xrf0);
	v15 =	vsel vm4, v17, v15;
	v14 =	vsel vm4, v11, v14;
	v11 =	vmov v13  }
0x256: {  	v16 =	vld [tilespmem:s21+$0x0];
	v17 =	vbroadcast v18, $0xF;
	_ =	sdelay $0x1  }
0x257: {  	s19 =	sadd.s32 $0xFFFFFFFF, s19;
	vm2 =	vmor vm2, vm3;
	v13 =	vadd.s32 v13, v17  }
0x258: {  	_ =	sdelay $0x1  }
0x259: {  	(xrf0) =	vadd.scan.msk.s32 $0xffff, v16;
	_ =	sdelay $0x3  }
0x25a: {  	v16, _, _ =	vpop (xrf0)  }
0x25b: {  	vm3 =	vge.s32 v13, v10;
	vm4 =	vmneg vm2;
	v16 =	vbroadcast v16, $0xF  }
0x25c: {  	v17 =	vor.u32 s19, v12;
	vm4 =	vmand vm3, vm4;
	v18, _, _ =	vpop (xrf0)  }
0x25d: {  	vm2 =	vmor vm2, vm3;
	v16 =	vadd.s32 v13, v16;
	v18 =	vbroadcast v18, $0xF  }
0x25e: {  	v15 =	vsel vm4, v17, v15;
	vm5 =	vmneg vm2;
	vm3 =	vge.s32 v16, v10  }
0x25f: {  	s18 =	sadd.s32 $0xFFFFFFFF, s19;
	s31 =	simm.s32 $0x20;
	vm5 =	vmand vm3, vm5;
	vm2 =	vmor vm2, vm3;
	v17 =	vadd.s32 v16, v18  }
0x260: {  	vm2 =	vmneg vm2;
	v18 =	vor.u32 s18, v12;
	s18 =	sadd.s32 $0xFFFFFFFF, s18;
	vm3 =	vge.s32 v17, v10;
	v17 =	vld [tilespmem:s31+$0x20]  }
0x261: {  	v15 =	vsel vm5, v18, v15;
	v12 =	vor.u32 s18, v12;
	v18 =	vld [tilespmem:s31+$0xFFFFFFF0];
	vm2 =	vmand vm3, vm2  }
0x262: {  	v11 =	vsel vm4, v11, v14;
	v12 =	vsel vm2, v12, v15  }
0x263: {  	v11 =	vsel vm5, v13, v11;
	v13 =	vld [tilespmem:s31+$0x0];
	v12 =	vshll.u32 v12, $0x10  }
0x264: {  	v11 =	vsel vm2, v16, v11;
	v16 =	vld [tilespmem:s31+$0x10];
	v9 =	vor.u32 v9, v12  }
0x265: {  	v12 =	vld [tilespmem:s31+$0xFFFFFFE0];
	vm2 =	vlt.s32 v17, $0x0;
	v14 =	vxor.u32 $0xFFFFFFFF, v17;
	v15 =	vor.u32 $0x80000000, v17  }
0x266: {  	vm3 =	vlt.s32 v18, $0x0;
	v17 =	vxor.u32 $0xFFFFFFFF, v18;
	v14 =	vsel vm2, v14, v15  }
0x267: {  	v15 =	vor.u32 $0x80000000, v18;
	v18 =	vshrl.u32 v14, $0x4;
	v14 =	vand.u32 $0xFFFF0000, v14  }
0x268: {  	vm2 =	vlt.s32 v13, $0x0;
	v18 =	vand.u32 $0xFF0, v18;
	vm14 =	veq.s32 v14, v9  }
0x269: {  	vm6 =	vlt.s32 v16, $0x0;
	v19 =	vxor.u32 $0xFFFFFFFF, v16;
	v20 =	vor.u32 v6, v18  }
0x26a: {  	v21 =	vor.u32 $0x80000000, v16;
	vm15 =	vlt.s32 v12, $0x0;
	v14 =	vxor.u32 $0xFFFFFFFF, v12  }
0x26b: {  	v12 =	vor.u32 $0x80000000, v12;
	v18 =	vxor.u32 $0xFFFFFFFF, v13;
	v13 =	vor.u32 $0x80000000, v13  }
0x26c: {  	v16 =	vsel vm15, v14, v12;
	v14 =	vsel vm3, v17, v15;
	v13 =	vsel vm2, v18, v13  }
0x26d: {  	s19 =	simm.s32 $0x18700;
	v12 =	vsel vm6, v19, v21;
	v15 =	vshrl.u32 v16, $0x4;
	v18 =	vshrl.u32 v14, $0x4  }
0x26e: {  	s20 =	simm.s32 $0x0;
	s21 =	simm.s32 $0x70;
	v19 =	vshrl.u32 v13, $0x4;
	v17 =	vshrl.u32 v12, $0x4;
	v15 =	vand.u32 $0xFF0, v15;
	[tilespmem:v20+s19+$0x0] =	vst.idx.add.s32.msk vm14, v2  }
.LBB2_29:
0x26f: {  	v20 =	vld [tilespmem:s21+$0x20];
	s20 =	sadd.s32 $0x5, s20;
	v16 =	vand.u32 $0xFFFF0000, v16;
	v18 =	vand.u32 $0xFF0, v18;
	v14 =	vand.u32 $0xFFFF0000, v14  }
0x270: {  	v19 =	vand.u32 $0xFF0, v19;
	v13 =	vand.u32 $0xFFFF0000, v13;
	v17 =	vand.u32 $0xFF0, v17;
	v21 =	vld [tilespmem:s21+$0xFFFFFFF0];
	p0 =	slt.u32 s20, $0x1865  }
0x271: {  	v15 =	vor.u32 v1, v15;
	v12 =	vand.u32 $0xFFFF0000, v12;
	vm3 =	veq.s32 v16, v9;
	v22 =	vld [tilespmem:s21+$0x0]  }
0x272: {  	vm4 =	veq.s32 v14, v9;
	v14 =	vor.u32 v3, v18;
	vm5 =	veq.s32 v13, v9;
	v16 =	vld [tilespmem:s21+$0x10]  }
0x273: {  	v18 =	vor.u32 v4, v19;
	vm2 =	veq.s32 v12, v9;
	v12 =	vor.u32 v5, v17;
	v13 =	vld [tilespmem:s21+$0xFFFFFFE0]  }
0x274: {  	vm6 =	vlt.s32 v20, $0x0;
	v17 =	vxor.u32 $0xFFFFFFFF, v20;
	v19 =	vor.u32 $0x80000000, v20  }
0x275: {  	vm7 =	vlt.s32 v21, $0x0;
	v20 =	vxor.u32 $0xFFFFFFFF, v21;
	v17 =	vsel vm6, v17, v19  }
0x276: {  	v19 =	vor.u32 $0x80000000, v21;
	v21 =	vshrl.u32 v17, $0x4;
	v17 =	vand.u32 $0xFFFF0000, v17  }
0x277: {  	vm6 =	vlt.s32 v22, $0x0;
	v21 =	vand.u32 $0xFF0, v21;
	vm8 =	veq.s32 v17, v9;
	[tilespmem:v15+s19+$0x0] =	vst.idx.add.s32.msk vm3, v2  }
0x278: {  	vm3 =	vlt.s32 v13, $0x0;
	v15 =	vxor.u32 $0xFFFFFFFF, v13;
	v21 =	vor.u32 v6, v21;
	[tilespmem:v14+s19+$0x0] =	vst.idx.add.s32.msk vm4, v2  }
.Ltmp13:
0x279: {  	v17 =	vxor.u32 $0xFFFFFFFF, v22;
	v22 =	vor.u32 $0x80000000, v22;
	v13 =	vor.u32 $0x80000000, v13;
	[tilespmem:v18+s19+$0x0] =	vst.idx.add.s32.msk vm5, v2;
	(pc) =	sbr.rel @p0 .LBB2_29-.Ltmp13, $4  }
0x27a: {  	v23 =	vxor.u32 $0xFFFFFFFF, v16;
	v24 =	vor.u32 $0x80000000, v16;
	vm4 =	vlt.s32 v16, $0x0;
	[tilespmem:v12+s19+$0x0] =	vst.idx.add.s32.msk vm2, v2  }
0x27b: {  	v14 =	vsel vm7, v20, v19;
	v16 =	vsel vm3, v15, v13;
	v13 =	vsel vm6, v17, v22  }
0x27c: {  	s22 =	simm.s32 $0x0;
	v18 =	vshrl.u32 v14, $0x4;
	v15 =	vshrl.u32 v16, $0x4;
	v12 =	vsel vm4, v23, v24  }
0x27d: {  	s18 =	simm.s32 $0x1D720;
	s21 =	sadd.s32 $0x50, s21;
	v19 =	vshrl.u32 v13, $0x4;
	v15 =	vand.u32 $0xFF0, v15;
	v17 =	vshrl.u32 v12, $0x4;
	[tilespmem:v21+s19+$0x0] =	vst.idx.add.s32.msk vm8, v2  }
0x27e: {  	v16 =	vand.u32 $0xFFFF0000, v16;
	v18 =	vand.u32 $0xFF0, v18  }
0x27f: {  	v14 =	vand.u32 $0xFFFF0000, v14;
	v19 =	vand.u32 $0xFF0, v19;
	vm2 =	veq.s32 v16, v9  }
0x280: {  	v13 =	vand.u32 $0xFFFF0000, v13;
	v15 =	vor.u32 v1, v15;
	vm3 =	veq.s32 v14, v9  }
0x281: {  	v12 =	vand.u32 $0xFFFF0000, v12;
	v14 =	vor.u32 v3, v18;
	vm4 =	veq.s32 v13, v9  }
0x282: {  	v13 =	vand.u32 $0xFF0, v17;
	v58 =	vor.u32 v4, v19;
	vm5 =	veq.s32 v12, v9  }
0x283: {  	v12 =	vor.u32 v5, v13;
	_ =	sdelay $0x1  }
0x284: {  	[tilespmem:v15+s19+$0x0] =	vst.idx.add.s32.msk vm2, v2  }
0x285: {  	[tilespmem:v14+s19+$0x0] =	vst.idx.add.s32.msk vm3, v2  }
0x286: {  	[tilespmem:v58+s19+$0x0] =	vst.idx.add.s32.msk vm4, v2  }
0x287: {  	[tilespmem:v12+s19+$0x0] =	vst.idx.add.s32.msk vm5, v2  }
0x288: {  	v12 =	vld [tilespmem:s19+$0x0]  }
0x289: {  	v59 =	vld [tilespmem:s19+$0x10]  }
0x28a: {  	v60 =	vld [tilespmem:s19+$0x30]  }
0x28b: {  	v62 =	vld [tilespmem:s19+$0x2020]  }
0x28c: {  	[tilespmem:s19+$0x0] =	vst v0;
	v20 =	vld [tilespmem:s19+$0x3010]  }
0x28d: {  	s20 =	sand.u32 $0xFC0, s22;
	[tilespmem:s19+$0x10] =	vst v0;
	v21 =	vld [tilespmem:s19+$0x3020]  }
0x28e: {  	[tilespmem:s19+$0x2020] =	vst v0;
	v13 =	vld [tilespmem:s20+$0x19700]  }
0x28f: {  	[tilespmem:s19+$0x3010] =	vst v0;
	v14 =	vld [tilespmem:s20+$0x1A700]  }
0x290: {  	[tilespmem:s19+$0x3020] =	vst v0;
	v15 =	vld [tilespmem:s20+$0x1B700]  }
0x291: {  	[tilespmem:s19+$0x30] =	vst v0;
	v16 =	vld [tilespmem:s20+$0x1C700]  }
0x292: {  	v23 =	vld [tilespmem:s19+$0x4010];
	[tilespmem:s19+$0x4010] =	vst v0  }
0x293: {  	[tilespmem:s20+$0x19700] =	vst v0;
	v12 =	vadd.s32 v12, v13  }
0x294: {  	v24 =	vld [tilespmem:s19+$0x4020];
	[tilespmem:s20+$0x1A700] =	vst v0;
	v12 =	vadd.s32 v14, v12  }
0x295: {  	[tilespmem:s20+$0x1B700] =	vst v0;
	v13 =	vld [tilespmem:s19+$0x1010];
	v12 =	vadd.s32 v15, v12  }
0x296: {  	[tilespmem:s20+$0x1C700] =	vst v0;
	v14 =	vld [tilespmem:s19+$0x20];
	v12 =	vadd.s32 v16, v12  }
0x297: {  	[tilespmem:s18+$0xFFFFFFE0] =	vst v12;
	v12 =	vld [tilespmem:s19+$0x2010]  }
0x298: {  	[tilespmem:s19+$0x4020] =	vst v0;
	v15 =	vld [tilespmem:s19+$0x1020]  }
0x299: {  	v61 =	vld [tilespmem:s19+$0x1030];
	[tilespmem:s19+$0x1030] =	vst v0  }
0x29a: {  	v22 =	vld [tilespmem:s19+$0x2030];
	[tilespmem:s19+$0x2030] =	vst v0  }
0x29b: {  	v25 =	vld [tilespmem:s19+$0x3030];
	[tilespmem:s19+$0x3030] =	vst v0;
	v13 =	vadd.s32 v59, v13  }
0x29c: {  	[tilespmem:s19+$0x1010] =	vst v0;
	v12 =	vadd.s32 v12, v13  }
0x29d: {  	[tilespmem:s19+$0x20] =	vst v0;
	v14 =	vadd.s32 v14, v15;
	v15 =	vadd.s32 v20, v12;
	v12 =	vld [tilespmem:s19+$0x4030]  }
0x29e: {  	[tilespmem:s19+$0x1020] =	vst v0  }
0x29f: {  	[tilespmem:s19+$0x2010] =	vst v0;
	v14 =	vadd.s32 v62, v14;
	v13 =	vadd.s32 v60, v61  }
0x2a0: {  	v63 =	vadd.s32 v21, v14;
	v13 =	vadd.s32 v22, v13;
	[tilespmem:s19+$0x4030] =	vst v0;
	v15 =	vadd.s32 v23, v15  }
0x2a1: {  	s21 =	simm.s32 $0x40;
	s20 =	simm.s32 $0x18740;
	s19 =	simm.s32 $0x0;
	v14 =	vadd.s32 v25, v13;
	v13 =	vadd.s32 v24, v63;
	[tilespmem:s18+$0xFFFFFFF0] =	vst v15  }
.LBB2_31:
0x2a2: {  	v15 =	vld [tilespmem:s20+$0x0];
	[tilespmem:s20+$0x0] =	vst v0;
	s22 =	sand.u32 $0xFC0, s21;
	s19 =	sadd.s32 $0x4, s19;
	v12 =	vadd.s32 v12, v14  }
0x2a3: {  	v14 =	vld [tilespmem:s22+$0x19700];
	[tilespmem:s22+$0x19700] =	vst v0;
	p0 =	slt.u32 s19, $0xFC  }
0x2a4: {  	v16 =	vld [tilespmem:s22+$0x1A700];
	[tilespmem:s22+$0x1A700] =	vst v0  }
0x2a5: {  	v17 =	vld [tilespmem:s22+$0x1B700];
	[tilespmem:s22+$0x1B700] =	vst v0  }
0x2a6: {  	v18 =	vld [tilespmem:s22+$0x1C700];
	[tilespmem:s18+$0x0] =	vst v13  }
0x2a7: {  	v13 =	vld [tilespmem:s20+$0x10];
	[tilespmem:s20+$0x10] =	vst v0  }
0x2a8: {  	v14 =	vadd.s32 v15, v14;
	v15 =	vld [tilespmem:s20+$0x1010];
	[tilespmem:s20+$0x1010] =	vst v0  }
0x2a9: {  	v14 =	vadd.s32 v16, v14;
	v16 =	vld [tilespmem:s20+$0x20];
	[tilespmem:s18+$0x10] =	vst v12  }
0x2aa: {  	v12 =	vadd.s32 v17, v14;
	[tilespmem:s20+$0x20] =	vst v0;
	v14 =	vld [tilespmem:s20+$0x1020]  }
0x2ab: {  	s18 =	sadd.s32 $0x40, s18;
	v12 =	vadd.s32 v18, v12;
	[tilespmem:s22+$0x1C700] =	vst v0;
	v17 =	vld [tilespmem:s20+$0x30]  }
0x2ac: {  	[tilespmem:s18+$0xFFFFFFE0] =	vst v12;
	v12 =	vld [tilespmem:s20+$0x1030]  }
0x2ad: {  	v13 =	vadd.s32 v13, v15;
	v15 =	vld [tilespmem:s20+$0x2010];
	[tilespmem:s20+$0x2010] =	vst v0  }
0x2ae: {  	[tilespmem:s20+$0x1020] =	vst v0;
	v18 =	vld [tilespmem:s20+$0x2020]  }
0x2af: {  	v14 =	vadd.s32 v16, v14;
	[tilespmem:s20+$0x2020] =	vst v0;
	v16 =	vld [tilespmem:s20+$0x2030]  }
0x2b0: {  	v19 =	vld [tilespmem:s20+$0x3010];
	[tilespmem:s20+$0x3010] =	vst v0  }
0x2b1: {  	v20 =	vld [tilespmem:s20+$0x3020];
	[tilespmem:s20+$0x3020] =	vst v0;
	v12 =	vadd.s32 v17, v12  }
0x2b2: {  	v13 =	vadd.s32 v15, v13;
	[tilespmem:s20+$0x30] =	vst v0;
	v15 =	vld [tilespmem:s20+$0x3030]  }
0x2b3: {  	v17 =	vld [tilespmem:s20+$0x4010];
	[tilespmem:s20+$0x4010] =	vst v0;
	v14 =	vadd.s32 v18, v14  }
0x2b4: {  	v18 =	vld [tilespmem:s20+$0x4020];
	[tilespmem:s20+$0x4020] =	vst v0;
	v16 =	vadd.s32 v16, v12  }
.Ltmp14:
0x2b5: {  	v13 =	vadd.s32 v19, v13;
	[tilespmem:s20+$0x1030] =	vst v0;
	v12 =	vld [tilespmem:s20+$0x4030];
	(pc) =	sbr.rel @p0 .LBB2_31-.Ltmp14, $4  }
0x2b6: {  	v19 =	vadd.s32 v20, v14;
	[tilespmem:s20+$0x2030] =	vst v0  }
0x2b7: {  	v14 =	vadd.s32 v15, v16;
	[tilespmem:s20+$0x3030] =	vst v0  }
0x2b8: {  	v13 =	vadd.s32 v17, v13;
	[tilespmem:s20+$0x4030] =	vst v0  }
0x2b9: {  	s21 =	sadd.s32 $0x40, s21;
	s20 =	sadd.s32 $0x40, s20;
	[tilespmem:s18+$0xFFFFFFF0] =	vst v13;
	v13 =	vadd.s32 v18, v19  }
0x2ba: {  	v12 =	vadd.s32 v12, v14;
	[tilespmem:s18+$0x0] =	vst v13  }
0x2bb: {  	s30 =	simm.s32 $0x1E6F0;
	[tilespmem:s18+$0x10] =	vst v12  }
0x2bc: {  	v12 =	vld [tilespmem:s30+$0xFFFFFF10]  }
0x2bd: {  	v13 =	vld [tilespmem:s30+$0xFFFFFF20]  }
0x2be: {  	v14 =	vld [tilespmem:s30+$0xFFFFFF30]  }
0x2bf: {  	v15 =	vld [tilespmem:s30+$0xFFFFFF40]  }
0x2c0: {  	v16 =	vld [tilespmem:s30+$0xFFFFFF50]  }
0x2c1: {  	s31 =	simm.s32 $0x1E5F0;
	v17 =	vld [tilespmem:s30+$0xFFFFFF60]  }
0x2c2: {  	v18 =	vld [tilespmem:s31+$0xFFFFFF10]  }
0x2c3: {  	v12 =	vadd.s32 v12, v13;
	v13 =	vld [tilespmem:s30+$0xFFFFFF70]  }
0x2c4: {  	v12 =	vadd.s32 v14, v12;
	v14 =	vld [tilespmem:s30+$0xFFFFFF80]  }
0x2c5: {  	v12 =	vadd.s32 v15, v12;
	v15 =	vld [tilespmem:s30+$0xFFFFFF90]  }
0x2c6: {  	v12 =	vadd.s32 v16, v12;
	v16 =	vld [tilespmem:s30+$0xFFFFFFA0]  }
0x2c7: {  	v12 =	vadd.s32 v17, v12;
	v17 =	vld [tilespmem:s30+$0xFFFFFFB0]  }
0x2c8: {  	v12 =	vadd.s32 v13, v12;
	v13 =	vld [tilespmem:s30+$0xFFFFFFC0]  }
0x2c9: {  	v12 =	vadd.s32 v14, v12;
	v14 =	vld [tilespmem:s30+$0xFFFFFFD0]  }
0x2ca: {  	v12 =	vadd.s32 v15, v12;
	v15 =	vld [tilespmem:s30+$0xFFFFFFE0]  }
0x2cb: {  	v12 =	vadd.s32 v16, v12;
	v16 =	vld [tilespmem:s30+$0xFFFFFFF0]  }
0x2cc: {  	v12 =	vadd.s32 v17, v12;
	v17 =	vld [tilespmem:s30+$0x0]  }
0x2cd: {  	v12 =	vadd.s32 v13, v12;
	v13 =	vld [tilespmem:s31+$0xFFFFFF20]  }
0x2ce: {  	v12 =	vadd.s32 v14, v12;
	v14 =	vld [tilespmem:s31+$0xFFFFFF30]  }
0x2cf: {  	v12 =	vadd.s32 v15, v12;
	v15 =	vld [tilespmem:s31+$0xFFFFFF40]  }
0x2d0: {  	v12 =	vadd.s32 v16, v12;
	v16 =	vld [tilespmem:s31+$0xFFFFFF50]  }
0x2d1: {  	v12 =	vadd.s32 v17, v12;
	v17 =	vld [tilespmem:s31+$0xFFFFFF60]  }
0x2d2: {  	(xrf0) =	vadd.scan.msk.s32 $0xffff, v12;
	v12 =	vadd.s32 v18, v13;
	v13 =	vld [tilespmem:s31+$0xFFFFFF70]  }
0x2d3: {  	v12 =	vadd.s32 v14, v12;
	v14 =	vld [tilespmem:s31+$0xFFFFFF80]  }
0x2d4: {  	v12 =	vadd.s32 v15, v12;
	v15 =	vld [tilespmem:s31+$0xFFFFFF90]  }
0x2d5: {  	v12 =	vadd.s32 v16, v12;
	v16 =	vld [tilespmem:s31+$0xFFFFFFA0]  }
0x2d6: {  	v12 =	vadd.s32 v17, v12;
	v17 =	vld [tilespmem:s31+$0xFFFFFFB0]  }
0x2d7: {  	v19 =	vld [tilespmem:s31+$0xFFFFFFC0];
	v12 =	vadd.s32 v13, v12  }
0x2d8: {  	v13, _, _ =	vpop (xrf0);
	v12 =	vadd.s32 v14, v12;
	v14 =	vld [tilespmem:s31+$0xFFFFFFD0]  }
0x2d9: {  	v13 =	vbroadcast v13, $0xF;
	v12 =	vadd.s32 v15, v12  }
0x2da: {  	v21 =	vimm.s32 $0x0;
	v10 =	vsub.s32 v10, v11;
	v15 =	vld [tilespmem:s31+$0xFFFFFFE0];
	v11 =	vadd.s32 v16, v12  }
0x2db: {  	v16 =	vld [tilespmem:s31+$0xFFFFFFF0];
	v13 =	vadd.s32 v21, v13;
	v11 =	vadd.s32 v17, v11  }
0x2dc: {  	s20 =	simm.s32 $0x1E4F0;
	v17 =	vld [tilespmem:s31+$0x0];
	vm2 =	vge.s32 v13, v10;
	v11 =	vadd.s32 v19, v11  }
0x2dd: {  	s22 =	simm.s32 $0xF;
	v20 =	vld [tilespmem:s20+$0xFFFFFF20];
	vm3 =	vmand vm2, vm1;
	v19 =	vadd.s32 v14, v11  }
0x2de: {  	s19 =	simm.s32 $0xE;
	s21 =	simm.s32 $0xC;
	s18 =	simm.s32 $0xD;
	v18 =	vld [tilespmem:s20+$0xFFFFFF10];
	v12 =	vmovc v13;
	v14 =	vsel vm3, s22, v21;
	v11 =	vsel vm3, v21, v21;
	vm3 =	vmmov vm0  }
.LBB2_33:
0x2df: {  	p0 =	sne.s32 s21, $0x0;
	v21 =	vld [tilespmem:s20+$0xFFFFFF30];
	v15 =	vadd.s32 v15, v19  }
0x2e0: {  	v19 =	vld [tilespmem:s20+$0xFFFFFF40];
	v15 =	vadd.s32 v16, v15  }
0x2e1: {  	v16 =	vld [tilespmem:s20+$0xFFFFFF50];
	v15 =	vadd.s32 v17, v15  }
0x2e2: {  	v17 =	vld [tilespmem:s20+$0xFFFFFF60];
	(xrf0) =	vadd.scan.msk.s32 $0xffff, v15  }
0x2e3: {  	v15 =	vadd.s32 v18, v20;
	v18 =	vld [tilespmem:s20+$0xFFFFFF70]  }
0x2e4: {  	v15 =	vadd.s32 v21, v15;
	v20 =	vld [tilespmem:s20+$0xFFFFFF80]  }
0x2e5: {  	v15 =	vadd.s32 v19, v15;
	v19 =	vld [tilespmem:s20+$0xFFFFFF90]  }
0x2e6: {  	v15 =	vadd.s32 v16, v15;
	v16 =	vld [tilespmem:s20+$0xFFFFFFA0]  }
0x2e7: {  	v15 =	vadd.s32 v17, v15;
	v17 =	vld [tilespmem:s20+$0xFFFFFFB0]  }
0x2e8: {  	v15 =	vadd.s32 v18, v15;
	v21 =	vld [tilespmem:s20+$0xFFFFFFC0];
	v18, _, _ =	vpop (xrf0)  }
0x2e9: {  	v15 =	vadd.s32 v20, v15;
	v22 =	vld [tilespmem:s20+$0xFFFFFFD0];
	v18 =	vbroadcast v18, $0xF  }
.Ltmp15:
0x2ea: {  	v19 =	vadd.s32 v19, v15;
	v15 =	vld [tilespmem:s20+$0xFFFFFFE0];
	(pc) =	sbr.rel @p0 .LBB2_33-.Ltmp15, $4  }
0x2eb: {  	vm3 =	vmor vm3, vm2;
	v19 =	vadd.s32 v16, v19;
	v16 =	vld [tilespmem:s20+$0xFFFFFFF0];
	v13 =	vadd.s32 v13, v18  }
0x2ec: {  	vm4 =	vmneg vm3;
	v19 =	vadd.s32 v17, v19;
	v17 =	vld [tilespmem:s20+$0x0];
	s20 =	sadd.s32 $0xFFFFFF00, s20;
	vm2 =	vge.s32 v13, v10  }
0x2ed: {  	v18 =	vld [tilespmem:s20+$0xFFFFFF10];
	v19 =	vadd.s32 v21, v19;
	vm4 =	vmand vm2, vm4  }
0x2ee: {  	v20 =	vld [tilespmem:s20+$0xFFFFFF20];
	v19 =	vadd.s32 v22, v19;
	v14 =	vsel vm4, s19, v14;
	v11 =	vsel vm4, v12, v11;
	v12 =	vmovc v13;
	s19 =	smov.u32 s18;
	s18 =	smov.u32 s21;
	s21 =	sadd.s32 $0xFFFFFFFF, s21  }
0x2ef: {  	v21 =	vld [tilespmem:s20+$0xFFFFFF30]  }
0x2f0: {  	v22 =	vld [tilespmem:s20+$0xFFFFFF40]  }
0x2f1: {  	v23 =	vld [tilespmem:s20+$0xFFFFFF50]  }
0x2f2: {  	v24 =	vld [tilespmem:s20+$0xFFFFFF60]  }
0x2f3: {  	v54 =	vld [tilespmem:s20+$0xFFFFFF70];
	v18 =	vadd.s32 v18, v20  }
0x2f4: {  	v55 =	vld [tilespmem:s20+$0xFFFFFF80];
	v18 =	vadd.s32 v21, v18  }
0x2f5: {  	v56 =	vld [tilespmem:s20+$0xFFFFFF90];
	v18 =	vadd.s32 v22, v18  }
0x2f6: {  	v57 =	vld [tilespmem:s20+$0xFFFFFFA0];
	v18 =	vadd.s32 v23, v18  }
0x2f7: {  	v58 =	vld [tilespmem:s20+$0xFFFFFFB0];
	v18 =	vadd.s32 v24, v18  }
0x2f8: {  	v59 =	vld [tilespmem:s20+$0xFFFFFFC0];
	v18 =	vadd.s32 v54, v18  }
0x2f9: {  	v60 =	vld [tilespmem:s20+$0xFFFFFFD0];
	v18 =	vadd.s32 v55, v18  }
0x2fa: {  	v61 =	vld [tilespmem:s20+$0xFFFFFFE0];
	v18 =	vadd.s32 v56, v18  }
0x2fb: {  	v62 =	vld [tilespmem:s20+$0xFFFFFFF0];
	v18 =	vadd.s32 v57, v18  }
0x2fc: {  	v63 =	vld [tilespmem:s20+$0x0];
	v18 =	vadd.s32 v58, v18  }
0x2fd: {  	v15 =	vadd.s32 v15, v19;
	v18 =	vadd.s32 v59, v18  }
0x2fe: {  	v15 =	vadd.s32 v16, v15;
	v16 =	vadd.s32 v60, v18  }
0x2ff: {  	v15 =	vadd.s32 v17, v15;
	v16 =	vadd.s32 v61, v16  }
0x300: {  	(xrf0) =	vadd.scan.msk.s32 $0xffff, v15;
	v15 =	vadd.s32 v62, v16  }
0x301: {  	v15 =	vadd.s32 v63, v15  }
0x302: {  	(xrf0) =	vadd.scan.msk.s32 $0xffff, v15;
	_ =	sdelay $0x3  }
0x303: {  	v15, _, _ =	vpop (xrf0)  }
0x304: {  	v15 =	vbroadcast v15, $0xF  }
0x305: {  	v16, _, _ =	vpop (xrf0)  }
0x306: {  	v13 =	vadd.s32 v13, v15;
	v15 =	vbroadcast v16, $0xF  }
0x307: {  	vm2 =	vmor vm3, vm2;
	vm3 =	vge.s32 v13, v10  }
0x308: {  	vm4 =	vmneg vm2;
	vm2 =	vmor vm2, vm3;
	v15 =	vadd.s32 v13, v15  }
0x309: {  	vm3 =	vmand vm3, vm4;
	vm2 =	vmneg vm2;
	vm15 =	vge.s32 v15, v10  }
0x30a: {  	v14 =	vsel vm3, s19, v14;
	vm2 =	vmand vm15, vm2  }
0x30b: {  	v14 =	vsel vm2, s18, v14  }
0x30c: {  	v15 =	vxor.u32 $0x80000000, v14  }
0x30d: {  	(xrf0) =	vmax.scan.msk.u32 $0xffff, v15;
	_ =	sdelay $0x5  }
0x30e: {  	v15, _, _ =	vpop (xrf0)  }
0x30f: {  	(v2sf) =	vpush v15, $0xF;
	_ =	sdelay $0xe  }
0x310: {  	s24 =	spop (v2sf)  }
0x311: {  	s18 =	sshll.u32 s24, $0xA  }
0x312: {  	s25 =	simm.s32 $0xF0;
	s18 =	sshra.s32 s18, $0x2  }
0x313: {  	s26 =	sand.u32 $0x80, s25;
	s18 =	sadd.s32 $0x1D700, s18  }
0x314: {  	s19 =	sand.u32 $0x70, s25;
	s20 =	sadd.s32 s26, s18  }
0x315: {  	s19 =	sadd.s32 s19, s20  }
0x316: {  	v15 =	vld [tilespmem:s19+$0x0];
	_ =	sdelay $0x2  }
0x317: {  	s28 =	simm.s32 $0xE0  }
0x318: {  	s29 =	sand.u32 $0x80, s28  }
0x319: {  	s20 =	sadd.s32 s29, s18;
	s19 =	sand.u32 $0x70, s28;
	(xrf0) =	vadd.scan.msk.s32 $0xffff, v15  }
0x31a: {  	s19 =	sadd.s32 s19, s20  }
0x31b: {  	v16 =	vld [tilespmem:s19+$0x0];
	_ =	sdelay $0x1  }
0x31c: {  	s30 =	simm.s32 $0xD0  }
0x31d: {  	s31 =	sand.u32 $0x80, s30  }
0x31e: {  	s20 =	sadd.s32 s31, s18;
	s19 =	sand.u32 $0x70, s30;
	v15, _, _ =	vpop (xrf0)  }
0x31f: {  	v11 =	vsel vm3, v12, v11;
	s21 =	sadd.s32 s19, s20;
	(xrf0) =	vadd.scan.msk.s32 $0xffff, v16;
	v17 =	vbroadcast v15, $0xF  }
0x320: {  	v11 =	vsel vm2, v13, v11;
	vm2 =	vmmov vm0;
	v12 =	vshll.u32 v14, $0x4;
	v16 =	vld [tilespmem:s21+$0x0]  }
0x321: {  	v14 =	vimm.s32 $0x0;
	s19 =	simm.s32 $0xF;
	s20 =	simm.s32 $0xC0;
	v15 =	vimm.s32 $0x0;
	v13 =	vadd.s32 v11, v17  }
.LBB2_35:
0x322: {  	s21 =	sand.u32 $0x80, s20  }
0x323: {  	p0 =	sne.s32 s20, $0x0;
	vm3 =	vge.s32 v13, v10;
	vm4 =	vmneg vm2;
	s22 =	smov.u32 s20;
	s20 =	sadd.s32 $0xFFFFFFF0, s20  }
.Ltmp16:
0x324: {  	v17 =	vor.u32 s19, v12;
	s22 =	sand.u32 $0x70, s22;
	s21 =	sadd.s32 s21, s18;
	vm4 =	vmand vm3, vm4;
	(pc) =	sbr.rel @p0 .LBB2_35-.Ltmp16, $3  }
0x325: {  	s21 =	sadd.s32 s22, s21;
	(xrf0) =	vadd.scan.msk.s32 $0xffff, v16;
	v18, _, _ =	vpop (xrf0);
	v15 =	vsel vm4, v17, v15;
	v14 =	vsel vm4, v11, v14;
	v11 =	vmov v13  }
0x326: {  	v16 =	vld [tilespmem:s21+$0x0];
	v17 =	vbroadcast v18, $0xF;
	_ =	sdelay $0x1  }
0x327: {  	s19 =	sadd.s32 $0xFFFFFFFF, s19;
	vm2 =	vmor vm2, vm3;
	v13 =	vadd.s32 v13, v17  }
0x328: {  	_ =	sdelay $0x1  }
0x329: {  	(xrf0) =	vadd.scan.msk.s32 $0xffff, v16;
	_ =	sdelay $0x3  }
0x32a: {  	v16, _, _ =	vpop (xrf0)  }
0x32b: {  	vm3 =	vge.s32 v13, v10;
	vm4 =	vmneg vm2;
	v16 =	vbroadcast v16, $0xF  }
0x32c: {  	v17 =	vor.u32 s19, v12;
	vm4 =	vmand vm3, vm4;
	v18, _, _ =	vpop (xrf0)  }
0x32d: {  	vm2 =	vmor vm2, vm3;
	v16 =	vadd.s32 v13, v16;
	v18 =	vbroadcast v18, $0xF  }
0x32e: {  	v15 =	vsel vm4, v17, v15;
	vm5 =	vmneg vm2;
	vm3 =	vge.s32 v16, v10  }
0x32f: {  	s18 =	sadd.s32 $0xFFFFFFFF, s19;
	s31 =	simm.s32 $0x20;
	vm5 =	vmand vm3, vm5;
	vm2 =	vmor vm2, vm3;
	v17 =	vadd.s32 v16, v18  }
0x330: {  	vm2 =	vmneg vm2;
	v18 =	vor.u32 s18, v12;
	s18 =	sadd.s32 $0xFFFFFFFF, s18;
	vm3 =	vge.s32 v17, v10;
	v17 =	vld [tilespmem:s31+$0x20]  }
0x331: {  	v15 =	vsel vm5, v18, v15;
	v12 =	vor.u32 s18, v12;
	v18 =	vld [tilespmem:s31+$0xFFFFFFF0];
	vm2 =	vmand vm3, vm2  }
0x332: {  	v11 =	vsel vm4, v11, v14;
	v12 =	vsel vm2, v12, v15  }
0x333: {  	v11 =	vsel vm5, v13, v11;
	v13 =	vld [tilespmem:s31+$0x0];
	v12 =	vshll.u32 v12, $0x8  }
0x334: {  	v11 =	vsel vm2, v16, v11;
	v16 =	vld [tilespmem:s31+$0x10];
	v9 =	vor.u32 v9, v12  }
0x335: {  	v12 =	vld [tilespmem:s31+$0xFFFFFFE0];
	vm2 =	vlt.s32 v17, $0x0;
	v14 =	vxor.u32 $0xFFFFFFFF, v17;
	v15 =	vor.u32 $0x80000000, v17  }
0x336: {  	vm3 =	vlt.s32 v18, $0x0;
	v17 =	vxor.u32 $0xFFFFFFFF, v18;
	v14 =	vsel vm2, v14, v15  }
0x337: {  	v15 =	vor.u32 $0x80000000, v18;
	v18 =	vshll.u32 v14, $0x4;
	v14 =	vand.u32 $0xFFFFFF00, v14  }
0x338: {  	vm2 =	vlt.s32 v13, $0x0;
	v18 =	vand.u32 $0xFF0, v18;
	vm14 =	veq.s32 v14, v9  }
0x339: {  	vm6 =	vlt.s32 v16, $0x0;
	v19 =	vxor.u32 $0xFFFFFFFF, v16;
	v20 =	vor.u32 v6, v18  }
0x33a: {  	v21 =	vor.u32 $0x80000000, v16;
	vm15 =	vlt.s32 v12, $0x0;
	v14 =	vxor.u32 $0xFFFFFFFF, v12  }
0x33b: {  	v12 =	vor.u32 $0x80000000, v12;
	v18 =	vxor.u32 $0xFFFFFFFF, v13;
	v13 =	vor.u32 $0x80000000, v13  }
0x33c: {  	v16 =	vsel vm15, v14, v12;
	v14 =	vsel vm3, v17, v15;
	v13 =	vsel vm2, v18, v13  }
0x33d: {  	s19 =	simm.s32 $0x18700;
	v12 =	vsel vm6, v19, v21;
	v15 =	vshll.u32 v16, $0x4;
	v18 =	vshll.u32 v14, $0x4  }
0x33e: {  	s20 =	simm.s32 $0x0;
	s21 =	simm.s32 $0x70;
	v19 =	vshll.u32 v13, $0x4;
	v17 =	vshll.u32 v12, $0x4;
	v15 =	vand.u32 $0xFF0, v15;
	[tilespmem:v20+s19+$0x0] =	vst.idx.add.s32.msk vm14, v2  }
.LBB2_37:
0x33f: {  	v20 =	vld [tilespmem:s21+$0x20];
	s20 =	sadd.s32 $0x5, s20;
	v16 =	vand.u32 $0xFFFFFF00, v16;
	v18 =	vand.u32 $0xFF0, v18;
	v14 =	vand.u32 $0xFFFFFF00, v14  }
0x340: {  	v19 =	vand.u32 $0xFF0, v19;
	v13 =	vand.u32 $0xFFFFFF00, v13;
	v17 =	vand.u32 $0xFF0, v17;
	v21 =	vld [tilespmem:s21+$0xFFFFFFF0];
	p0 =	slt.u32 s20, $0x1865  }
0x341: {  	v15 =	vor.u32 v1, v15;
	v12 =	vand.u32 $0xFFFFFF00, v12;
	vm3 =	veq.s32 v16, v9;
	v22 =	vld [tilespmem:s21+$0x0]  }
0x342: {  	vm4 =	veq.s32 v14, v9;
	v14 =	vor.u32 v3, v18;
	vm5 =	veq.s32 v13, v9;
	v16 =	vld [tilespmem:s21+$0x10]  }
0x343: {  	v18 =	vor.u32 v4, v19;
	vm2 =	veq.s32 v12, v9;
	v12 =	vor.u32 v5, v17;
	v13 =	vld [tilespmem:s21+$0xFFFFFFE0]  }
0x344: {  	vm6 =	vlt.s32 v20, $0x0;
	v17 =	vxor.u32 $0xFFFFFFFF, v20;
	v19 =	vor.u32 $0x80000000, v20  }
0x345: {  	vm7 =	vlt.s32 v21, $0x0;
	v20 =	vxor.u32 $0xFFFFFFFF, v21;
	v17 =	vsel vm6, v17, v19  }
0x346: {  	v19 =	vor.u32 $0x80000000, v21;
	v21 =	vshll.u32 v17, $0x4;
	v17 =	vand.u32 $0xFFFFFF00, v17  }
0x347: {  	vm6 =	vlt.s32 v22, $0x0;
	v21 =	vand.u32 $0xFF0, v21;
	vm8 =	veq.s32 v17, v9;
	[tilespmem:v15+s19+$0x0] =	vst.idx.add.s32.msk vm3, v2  }
0x348: {  	vm3 =	vlt.s32 v13, $0x0;
	v15 =	vxor.u32 $0xFFFFFFFF, v13;
	v21 =	vor.u32 v6, v21;
	[tilespmem:v14+s19+$0x0] =	vst.idx.add.s32.msk vm4, v2  }
.Ltmp17:
0x349: {  	v17 =	vxor.u32 $0xFFFFFFFF, v22;
	v22 =	vor.u32 $0x80000000, v22;
	v13 =	vor.u32 $0x80000000, v13;
	[tilespmem:v18+s19+$0x0] =	vst.idx.add.s32.msk vm5, v2;
	(pc) =	sbr.rel @p0 .LBB2_37-.Ltmp17, $4  }
0x34a: {  	v23 =	vxor.u32 $0xFFFFFFFF, v16;
	v24 =	vor.u32 $0x80000000, v16;
	vm4 =	vlt.s32 v16, $0x0;
	[tilespmem:v12+s19+$0x0] =	vst.idx.add.s32.msk vm2, v2  }
0x34b: {  	v14 =	vsel vm7, v20, v19;
	v16 =	vsel vm3, v15, v13;
	v13 =	vsel vm6, v17, v22  }
0x34c: {  	s22 =	simm.s32 $0x0;
	v18 =	vshll.u32 v14, $0x4;
	v15 =	vshll.u32 v16, $0x4;
	v12 =	vsel vm4, v23, v24  }
0x34d: {  	s18 =	simm.s32 $0x1D720;
	s21 =	sadd.s32 $0x50, s21;
	v19 =	vshll.u32 v13, $0x4;
	v15 =	vand.u32 $0xFF0, v15;
	v17 =	vshll.u32 v12, $0x4;
	[tilespmem:v21+s19+$0x0] =	vst.idx.add.s32.msk vm8, v2  }
0x34e: {  	v16 =	vand.u32 $0xFFFFFF00, v16;
	v18 =	vand.u32 $0xFF0, v18  }
0x34f: {  	v14 =	vand.u32 $0xFFFFFF00, v14;
	v19 =	vand.u32 $0xFF0, v19;
	vm2 =	veq.s32 v16, v9  }
0x350: {  	v13 =	vand.u32 $0xFFFFFF00, v13;
	v15 =	vor.u32 v1, v15;
	vm3 =	veq.s32 v14, v9  }
0x351: {  	v12 =	vand.u32 $0xFFFFFF00, v12;
	v14 =	vor.u32 v3, v18;
	vm4 =	veq.s32 v13, v9  }
0x352: {  	v13 =	vand.u32 $0xFF0, v17;
	v58 =	vor.u32 v4, v19;
	vm5 =	veq.s32 v12, v9  }
0x353: {  	v12 =	vor.u32 v5, v13;
	_ =	sdelay $0x1  }
0x354: {  	[tilespmem:v15+s19+$0x0] =	vst.idx.add.s32.msk vm2, v2  }
0x355: {  	[tilespmem:v14+s19+$0x0] =	vst.idx.add.s32.msk vm3, v2  }
0x356: {  	[tilespmem:v58+s19+$0x0] =	vst.idx.add.s32.msk vm4, v2  }
0x357: {  	[tilespmem:v12+s19+$0x0] =	vst.idx.add.s32.msk vm5, v2  }
0x358: {  	v12 =	vld [tilespmem:s19+$0x0]  }
0x359: {  	v59 =	vld [tilespmem:s19+$0x10]  }
0x35a: {  	v60 =	vld [tilespmem:s19+$0x30]  }
0x35b: {  	v62 =	vld [tilespmem:s19+$0x2020]  }
0x35c: {  	[tilespmem:s19+$0x0] =	vst v0;
	v20 =	vld [tilespmem:s19+$0x3010]  }
0x35d: {  	s20 =	sand.u32 $0xFC0, s22;
	[tilespmem:s19+$0x10] =	vst v0;
	v21 =	vld [tilespmem:s19+$0x3020]  }
0x35e: {  	[tilespmem:s19+$0x2020] =	vst v0;
	v13 =	vld [tilespmem:s20+$0x19700]  }
0x35f: {  	[tilespmem:s19+$0x3010] =	vst v0;
	v14 =	vld [tilespmem:s20+$0x1A700]  }
0x360: {  	[tilespmem:s19+$0x3020] =	vst v0;
	v15 =	vld [tilespmem:s20+$0x1B700]  }
0x361: {  	[tilespmem:s19+$0x30] =	vst v0;
	v16 =	vld [tilespmem:s20+$0x1C700]  }
0x362: {  	v23 =	vld [tilespmem:s19+$0x4010];
	[tilespmem:s19+$0x4010] =	vst v0  }
0x363: {  	[tilespmem:s20+$0x19700] =	vst v0;
	v12 =	vadd.s32 v12, v13  }
0x364: {  	v24 =	vld [tilespmem:s19+$0x4020];
	[tilespmem:s20+$0x1A700] =	vst v0;
	v12 =	vadd.s32 v14, v12  }
0x365: {  	[tilespmem:s20+$0x1B700] =	vst v0;
	v13 =	vld [tilespmem:s19+$0x1010];
	v12 =	vadd.s32 v15, v12  }
0x366: {  	[tilespmem:s20+$0x1C700] =	vst v0;
	v14 =	vld [tilespmem:s19+$0x20];
	v12 =	vadd.s32 v16, v12  }
0x367: {  	[tilespmem:s18+$0xFFFFFFE0] =	vst v12;
	v12 =	vld [tilespmem:s19+$0x2010]  }
0x368: {  	[tilespmem:s19+$0x4020] =	vst v0;
	v15 =	vld [tilespmem:s19+$0x1020]  }
0x369: {  	v61 =	vld [tilespmem:s19+$0x1030];
	[tilespmem:s19+$0x1030] =	vst v0  }
0x36a: {  	v22 =	vld [tilespmem:s19+$0x2030];
	[tilespmem:s19+$0x2030] =	vst v0  }
0x36b: {  	v25 =	vld [tilespmem:s19+$0x3030];
	[tilespmem:s19+$0x3030] =	vst v0;
	v13 =	vadd.s32 v59, v13  }
0x36c: {  	[tilespmem:s19+$0x1010] =	vst v0;
	v12 =	vadd.s32 v12, v13  }
0x36d: {  	[tilespmem:s19+$0x20] =	vst v0;
	v14 =	vadd.s32 v14, v15;
	v15 =	vadd.s32 v20, v12;
	v12 =	vld [tilespmem:s19+$0x4030]  }
0x36e: {  	[tilespmem:s19+$0x1020] =	vst v0  }
0x36f: {  	[tilespmem:s19+$0x2010] =	vst v0;
	v14 =	vadd.s32 v62, v14;
	v13 =	vadd.s32 v60, v61  }
0x370: {  	v63 =	vadd.s32 v21, v14;
	v13 =	vadd.s32 v22, v13;
	[tilespmem:s19+$0x4030] =	vst v0;
	v15 =	vadd.s32 v23, v15  }
0x371: {  	s21 =	simm.s32 $0x40;
	s20 =	simm.s32 $0x18740;
	s19 =	simm.s32 $0x0;
	v14 =	vadd.s32 v25, v13;
	v13 =	vadd.s32 v24, v63;
	[tilespmem:s18+$0xFFFFFFF0] =	vst v15  }
.LBB2_39:
0x372: {  	v15 =	vld [tilespmem:s20+$0x0];
	[tilespmem:s20+$0x0] =	vst v0;
	s22 =	sand.u32 $0xFC0, s21;
	s19 =	sadd.s32 $0x4, s19;
	v12 =	vadd.s32 v12, v14  }
0x373: {  	v14 =	vld [tilespmem:s22+$0x19700];
	[tilespmem:s22+$0x19700] =	vst v0;
	p0 =	slt.u32 s19, $0xFC  }
0x374: {  	v16 =	vld [tilespmem:s22+$0x1A700];
	[tilespmem:s22+$0x1A700] =	vst v0  }
0x375: {  	v17 =	vld [tilespmem:s22+$0x1B700];
	[tilespmem:s22+$0x1B700] =	vst v0  }
0x376: {  	v18 =	vld [tilespmem:s22+$0x1C700];
	[tilespmem:s18+$0x0] =	vst v13  }
0x377: {  	v13 =	vld [tilespmem:s20+$0x10];
	[tilespmem:s20+$0x10] =	vst v0  }
0x378: {  	v14 =	vadd.s32 v15, v14;
	v15 =	vld [tilespmem:s20+$0x1010];
	[tilespmem:s20+$0x1010] =	vst v0  }
0x379: {  	v14 =	vadd.s32 v16, v14;
	v16 =	vld [tilespmem:s20+$0x20];
	[tilespmem:s18+$0x10] =	vst v12  }
0x37a: {  	v12 =	vadd.s32 v17, v14;
	[tilespmem:s20+$0x20] =	vst v0;
	v14 =	vld [tilespmem:s20+$0x1020]  }
0x37b: {  	s18 =	sadd.s32 $0x40, s18;
	v12 =	vadd.s32 v18, v12;
	[tilespmem:s22+$0x1C700] =	vst v0;
	v17 =	vld [tilespmem:s20+$0x30]  }
0x37c: {  	[tilespmem:s18+$0xFFFFFFE0] =	vst v12;
	v12 =	vld [tilespmem:s20+$0x1030]  }
0x37d: {  	v13 =	vadd.s32 v13, v15;
	v15 =	vld [tilespmem:s20+$0x2010];
	[tilespmem:s20+$0x2010] =	vst v0  }
0x37e: {  	[tilespmem:s20+$0x1020] =	vst v0;
	v18 =	vld [tilespmem:s20+$0x2020]  }
0x37f: {  	v14 =	vadd.s32 v16, v14;
	[tilespmem:s20+$0x2020] =	vst v0;
	v16 =	vld [tilespmem:s20+$0x2030]  }
0x380: {  	v19 =	vld [tilespmem:s20+$0x3010];
	[tilespmem:s20+$0x3010] =	vst v0  }
0x381: {  	v20 =	vld [tilespmem:s20+$0x3020];
	[tilespmem:s20+$0x3020] =	vst v0;
	v12 =	vadd.s32 v17, v12  }
0x382: {  	v13 =	vadd.s32 v15, v13;
	[tilespmem:s20+$0x30] =	vst v0;
	v15 =	vld [tilespmem:s20+$0x3030]  }
0x383: {  	v17 =	vld [tilespmem:s20+$0x4010];
	[tilespmem:s20+$0x4010] =	vst v0;
	v14 =	vadd.s32 v18, v14  }
0x384: {  	v18 =	vld [tilespmem:s20+$0x4020];
	[tilespmem:s20+$0x4020] =	vst v0;
	v16 =	vadd.s32 v16, v12  }
.Ltmp18:
0x385: {  	v13 =	vadd.s32 v19, v13;
	[tilespmem:s20+$0x1030] =	vst v0;
	v12 =	vld [tilespmem:s20+$0x4030];
	(pc) =	sbr.rel @p0 .LBB2_39-.Ltmp18, $4  }
0x386: {  	v19 =	vadd.s32 v20, v14;
	[tilespmem:s20+$0x2030] =	vst v0  }
0x387: {  	v14 =	vadd.s32 v15, v16;
	[tilespmem:s20+$0x3030] =	vst v0  }
0x388: {  	v13 =	vadd.s32 v17, v13;
	[tilespmem:s20+$0x4030] =	vst v0  }
0x389: {  	s21 =	sadd.s32 $0x40, s21;
	s20 =	sadd.s32 $0x40, s20;
	[tilespmem:s18+$0xFFFFFFF0] =	vst v13;
	v13 =	vadd.s32 v18, v19  }
0x38a: {  	v12 =	vadd.s32 v12, v14;
	[tilespmem:s18+$0x0] =	vst v13  }
0x38b: {  	s30 =	simm.s32 $0x1E6F0;
	[tilespmem:s18+$0x10] =	vst v12  }
0x38c: {  	v12 =	vld [tilespmem:s30+$0xFFFFFF10]  }
0x38d: {  	v13 =	vld [tilespmem:s30+$0xFFFFFF20]  }
0x38e: {  	v14 =	vld [tilespmem:s30+$0xFFFFFF30]  }
0x38f: {  	v15 =	vld [tilespmem:s30+$0xFFFFFF40]  }
0x390: {  	v16 =	vld [tilespmem:s30+$0xFFFFFF50]  }
0x391: {  	s31 =	simm.s32 $0x1E5F0;
	v17 =	vld [tilespmem:s30+$0xFFFFFF60]  }
0x392: {  	v18 =	vld [tilespmem:s31+$0xFFFFFF10]  }
0x393: {  	v12 =	vadd.s32 v12, v13;
	v13 =	vld [tilespmem:s30+$0xFFFFFF70]  }
0x394: {  	v12 =	vadd.s32 v14, v12;
	v14 =	vld [tilespmem:s30+$0xFFFFFF80]  }
0x395: {  	v12 =	vadd.s32 v15, v12;
	v15 =	vld [tilespmem:s30+$0xFFFFFF90]  }
0x396: {  	v12 =	vadd.s32 v16, v12;
	v16 =	vld [tilespmem:s30+$0xFFFFFFA0]  }
0x397: {  	v12 =	vadd.s32 v17, v12;
	v17 =	vld [tilespmem:s30+$0xFFFFFFB0]  }
0x398: {  	v12 =	vadd.s32 v13, v12;
	v13 =	vld [tilespmem:s30+$0xFFFFFFC0]  }
0x399: {  	v12 =	vadd.s32 v14, v12;
	v14 =	vld [tilespmem:s30+$0xFFFFFFD0]  }
0x39a: {  	v12 =	vadd.s32 v15, v12;
	v15 =	vld [tilespmem:s30+$0xFFFFFFE0]  }
0x39b: {  	v12 =	vadd.s32 v16, v12;
	v16 =	vld [tilespmem:s30+$0xFFFFFFF0]  }
0x39c: {  	v12 =	vadd.s32 v17, v12;
	v17 =	vld [tilespmem:s30+$0x0]  }
0x39d: {  	v12 =	vadd.s32 v13, v12;
	v13 =	vld [tilespmem:s31+$0xFFFFFF20]  }
0x39e: {  	v12 =	vadd.s32 v14, v12;
	v14 =	vld [tilespmem:s31+$0xFFFFFF30]  }
0x39f: {  	v12 =	vadd.s32 v15, v12;
	v15 =	vld [tilespmem:s31+$0xFFFFFF40]  }
0x3a0: {  	v12 =	vadd.s32 v16, v12;
	v16 =	vld [tilespmem:s31+$0xFFFFFF50]  }
0x3a1: {  	v12 =	vadd.s32 v17, v12;
	v17 =	vld [tilespmem:s31+$0xFFFFFF60]  }
0x3a2: {  	(xrf0) =	vadd.scan.msk.s32 $0xffff, v12;
	v12 =	vadd.s32 v18, v13;
	v13 =	vld [tilespmem:s31+$0xFFFFFF70]  }
0x3a3: {  	v12 =	vadd.s32 v14, v12;
	v14 =	vld [tilespmem:s31+$0xFFFFFF80]  }
0x3a4: {  	v12 =	vadd.s32 v15, v12;
	v15 =	vld [tilespmem:s31+$0xFFFFFF90]  }
0x3a5: {  	v12 =	vadd.s32 v16, v12;
	v16 =	vld [tilespmem:s31+$0xFFFFFFA0]  }
0x3a6: {  	v12 =	vadd.s32 v17, v12;
	v17 =	vld [tilespmem:s31+$0xFFFFFFB0]  }
0x3a7: {  	v19 =	vld [tilespmem:s31+$0xFFFFFFC0];
	v12 =	vadd.s32 v13, v12  }
0x3a8: {  	v13, _, _ =	vpop (xrf0);
	v12 =	vadd.s32 v14, v12;
	v14 =	vld [tilespmem:s31+$0xFFFFFFD0]  }
0x3a9: {  	v13 =	vbroadcast v13, $0xF;
	v12 =	vadd.s32 v15, v12  }
0x3aa: {  	v21 =	vimm.s32 $0x0;
	v10 =	vsub.s32 v10, v11;
	v15 =	vld [tilespmem:s31+$0xFFFFFFE0];
	v11 =	vadd.s32 v16, v12  }
0x3ab: {  	v16 =	vld [tilespmem:s31+$0xFFFFFFF0];
	v13 =	vadd.s32 v21, v13;
	v11 =	vadd.s32 v17, v11  }
0x3ac: {  	s20 =	simm.s32 $0x1E4F0;
	v17 =	vld [tilespmem:s31+$0x0];
	vm2 =	vge.s32 v13, v10;
	v11 =	vadd.s32 v19, v11  }
0x3ad: {  	s22 =	simm.s32 $0xF;
	v20 =	vld [tilespmem:s20+$0xFFFFFF20];
	vm1 =	vmand vm2, vm1;
	v19 =	vadd.s32 v14, v11  }
0x3ae: {  	s19 =	simm.s32 $0xE;
	s21 =	simm.s32 $0xC;
	s18 =	simm.s32 $0xD;
	v18 =	vld [tilespmem:s20+$0xFFFFFF10];
	v12 =	vmovc v13;
	v14 =	vsel vm1, s22, v21;
	v11 =	vsel vm1, v21, v21;
	vm1 =	vmmov vm0  }
.LBB2_41:
0x3af: {  	p0 =	sne.s32 s21, $0x0;
	v21 =	vld [tilespmem:s20+$0xFFFFFF30];
	v15 =	vadd.s32 v15, v19  }
0x3b0: {  	v19 =	vld [tilespmem:s20+$0xFFFFFF40];
	v15 =	vadd.s32 v16, v15  }
0x3b1: {  	v16 =	vld [tilespmem:s20+$0xFFFFFF50];
	v15 =	vadd.s32 v17, v15  }
0x3b2: {  	v17 =	vld [tilespmem:s20+$0xFFFFFF60];
	(xrf0) =	vadd.scan.msk.s32 $0xffff, v15  }
0x3b3: {  	v15 =	vadd.s32 v18, v20;
	v18 =	vld [tilespmem:s20+$0xFFFFFF70]  }
0x3b4: {  	v15 =	vadd.s32 v21, v15;
	v20 =	vld [tilespmem:s20+$0xFFFFFF80]  }
0x3b5: {  	v15 =	vadd.s32 v19, v15;
	v19 =	vld [tilespmem:s20+$0xFFFFFF90]  }
0x3b6: {  	v15 =	vadd.s32 v16, v15;
	v16 =	vld [tilespmem:s20+$0xFFFFFFA0]  }
0x3b7: {  	v15 =	vadd.s32 v17, v15;
	v17 =	vld [tilespmem:s20+$0xFFFFFFB0]  }
0x3b8: {  	v15 =	vadd.s32 v18, v15;
	v21 =	vld [tilespmem:s20+$0xFFFFFFC0];
	v18, _, _ =	vpop (xrf0)  }
0x3b9: {  	v15 =	vadd.s32 v20, v15;
	v22 =	vld [tilespmem:s20+$0xFFFFFFD0];
	v18 =	vbroadcast v18, $0xF  }
.Ltmp19:
0x3ba: {  	v19 =	vadd.s32 v19, v15;
	v15 =	vld [tilespmem:s20+$0xFFFFFFE0];
	(pc) =	sbr.rel @p0 .LBB2_41-.Ltmp19, $4  }
0x3bb: {  	vm1 =	vmor vm1, vm2;
	v19 =	vadd.s32 v16, v19;
	v16 =	vld [tilespmem:s20+$0xFFFFFFF0];
	v13 =	vadd.s32 v13, v18  }
0x3bc: {  	vm3 =	vmneg vm1;
	v19 =	vadd.s32 v17, v19;
	v17 =	vld [tilespmem:s20+$0x0];
	s20 =	sadd.s32 $0xFFFFFF00, s20;
	vm2 =	vge.s32 v13, v10  }
0x3bd: {  	v18 =	vld [tilespmem:s20+$0xFFFFFF10];
	v19 =	vadd.s32 v21, v19;
	vm3 =	vmand vm2, vm3  }
0x3be: {  	v20 =	vld [tilespmem:s20+$0xFFFFFF20];
	v19 =	vadd.s32 v22, v19;
	v14 =	vsel vm3, s19, v14;
	v11 =	vsel vm3, v12, v11;
	v12 =	vmovc v13;
	s19 =	smov.u32 s18;
	s18 =	smov.u32 s21;
	s21 =	sadd.s32 $0xFFFFFFFF, s21  }
0x3bf: {  	v21 =	vld [tilespmem:s20+$0xFFFFFF30]  }
0x3c0: {  	v22 =	vld [tilespmem:s20+$0xFFFFFF40]  }
0x3c1: {  	v23 =	vld [tilespmem:s20+$0xFFFFFF50]  }
0x3c2: {  	v24 =	vld [tilespmem:s20+$0xFFFFFF60]  }
0x3c3: {  	v51 =	vld [tilespmem:s20+$0xFFFFFF70];
	v18 =	vadd.s32 v18, v20  }
0x3c4: {  	v52 =	vld [tilespmem:s20+$0xFFFFFF80];
	v18 =	vadd.s32 v21, v18  }
0x3c5: {  	v53 =	vld [tilespmem:s20+$0xFFFFFF90];
	v18 =	vadd.s32 v22, v18  }
0x3c6: {  	v54 =	vld [tilespmem:s20+$0xFFFFFFA0];
	v18 =	vadd.s32 v23, v18  }
0x3c7: {  	v55 =	vld [tilespmem:s20+$0xFFFFFFB0];
	v18 =	vadd.s32 v24, v18  }
0x3c8: {  	v56 =	vld [tilespmem:s20+$0xFFFFFFC0];
	v18 =	vadd.s32 v51, v18  }
0x3c9: {  	v57 =	vld [tilespmem:s20+$0xFFFFFFD0];
	v18 =	vadd.s32 v52, v18  }
0x3ca: {  	v58 =	vld [tilespmem:s20+$0xFFFFFFE0];
	v18 =	vadd.s32 v53, v18  }
0x3cb: {  	v59 =	vld [tilespmem:s20+$0xFFFFFFF0];
	v18 =	vadd.s32 v54, v18  }
0x3cc: {  	v60 =	vld [tilespmem:s20+$0x0];
	v18 =	vadd.s32 v55, v18  }
0x3cd: {  	v15 =	vadd.s32 v15, v19;
	v18 =	vadd.s32 v56, v18  }
0x3ce: {  	v15 =	vadd.s32 v16, v15;
	v61 =	vadd.s32 v57, v18  }
0x3cf: {  	v15 =	vadd.s32 v17, v15;
	v16 =	vadd.s32 v58, v61  }
0x3d0: {  	(xrf0) =	vadd.scan.msk.s32 $0xffff, v15;
	v15 =	vadd.s32 v59, v16  }
0x3d1: {  	v15 =	vadd.s32 v60, v15  }
0x3d2: {  	(xrf0) =	vadd.scan.msk.s32 $0xffff, v15;
	_ =	sdelay $0x3  }
0x3d3: {  	v15, _, _ =	vpop (xrf0)  }
0x3d4: {  	v15 =	vbroadcast v15, $0xF  }
0x3d5: {  	v62, _, _ =	vpop (xrf0)  }
0x3d6: {  	v13 =	vadd.s32 v13, v15;
	v15 =	vbroadcast v62, $0xF  }
0x3d7: {  	vm1 =	vmor vm1, vm2;
	vm2 =	vge.s32 v13, v10  }
0x3d8: {  	vm3 =	vmneg vm1;
	vm1 =	vmor vm1, vm2;
	v15 =	vadd.s32 v13, v15  }
0x3d9: {  	vm2 =	vmand vm2, vm3;
	vm1 =	vmneg vm1;
	vm3 =	vge.s32 v15, v10  }
0x3da: {  	v14 =	vsel vm2, s19, v14;
	vm1 =	vmand vm3, vm1  }
0x3db: {  	v14 =	vsel vm1, s18, v14  }
0x3dc: {  	v15 =	vxor.u32 $0x80000000, v14  }
0x3dd: {  	(xrf0) =	vmax.scan.msk.u32 $0xffff, v15;
	_ =	sdelay $0x5  }
0x3de: {  	v15, _, _ =	vpop (xrf0)  }
0x3df: {  	(v2sf) =	vpush v15, $0xF;
	_ =	sdelay $0xe  }
0x3e0: {  	s24 =	spop (v2sf)  }
0x3e1: {  	s18 =	sshll.u32 s24, $0xA  }
0x3e2: {  	s25 =	simm.s32 $0xF0;
	s18 =	sshra.s32 s18, $0x2  }
0x3e3: {  	s26 =	sand.u32 $0x80, s25;
	s18 =	sadd.s32 $0x1D700, s18  }
0x3e4: {  	s19 =	sand.u32 $0x70, s25;
	s20 =	sadd.s32 s26, s18  }
0x3e5: {  	s19 =	sadd.s32 s19, s20  }
0x3e6: {  	v15 =	vld [tilespmem:s19+$0x0];
	_ =	sdelay $0x2  }
0x3e7: {  	s28 =	simm.s32 $0xE0  }
0x3e8: {  	s29 =	sand.u32 $0x80, s28  }
0x3e9: {  	s20 =	sadd.s32 s29, s18;
	s19 =	sand.u32 $0x70, s28;
	(xrf0) =	vadd.scan.msk.s32 $0xffff, v15  }
0x3ea: {  	s19 =	sadd.s32 s19, s20  }
0x3eb: {  	v15 =	vld [tilespmem:s19+$0x0];
	_ =	sdelay $0x1  }
0x3ec: {  	s30 =	simm.s32 $0xD0  }
0x3ed: {  	s31 =	sand.u32 $0x80, s30  }
0x3ee: {  	s20 =	sadd.s32 s31, s18;
	s19 =	sand.u32 $0x70, s30;
	v63, _, _ =	vpop (xrf0)  }
0x3ef: {  	v11 =	vsel vm2, v12, v11;
	s21 =	sadd.s32 s19, s20;
	(xrf0) =	vadd.scan.msk.s32 $0xffff, v15;
	v16 =	vbroadcast v63, $0xF  }
0x3f0: {  	v13 =	vsel vm1, v13, v11;
	v11 =	vshll.u32 v14, $0x4;
	v14 =	vld [tilespmem:s21+$0x0]  }
0x3f1: {  	v12 =	vimm.s32 $0x0;
	vm1 =	vmmov vm0;
	s19 =	simm.s32 $0xF;
	s20 =	simm.s32 $0xC0;
	v13 =	vadd.s32 v13, v16  }
.LBB2_43:
0x3f2: {  	s21 =	sand.u32 $0x80, s20  }
0x3f3: {  	p0 =	sne.s32 s20, $0x0;
	vm2 =	vge.s32 v13, v10;
	vm3 =	vmneg vm1;
	s22 =	smov.u32 s20;
	s20 =	sadd.s32 $0xFFFFFFF0, s20  }
.Ltmp20:
0x3f4: {  	v15 =	vor.u32 s19, v11;
	s22 =	sand.u32 $0x70, s22;
	s21 =	sadd.s32 s21, s18;
	vm3 =	vmand vm2, vm3;
	(pc) =	sbr.rel @p0 .LBB2_43-.Ltmp20, $3  }
0x3f5: {  	s21 =	sadd.s32 s22, s21;
	(xrf0) =	vadd.scan.msk.s32 $0xffff, v14;
	v16, _, _ =	vpop (xrf0);
	v12 =	vsel vm3, v15, v12  }
0x3f6: {  	v14 =	vld [tilespmem:s21+$0x0];
	v15 =	vbroadcast v16, $0xF;
	_ =	sdelay $0x1  }
0x3f7: {  	s19 =	sadd.s32 $0xFFFFFFFF, s19;
	vm1 =	vmor vm1, vm2;
	v13 =	vadd.s32 v13, v15  }
0x3f8: {  	_ =	sdelay $0x1  }
0x3f9: {  	(xrf0) =	vadd.scan.msk.s32 $0xffff, v14;
	_ =	sdelay $0x3  }
0x3fa: {  	v60, _, _ =	vpop (xrf0)  }
0x3fb: {  	vm2 =	vge.s32 v13, v10;
	vm3 =	vmneg vm1;
	v14 =	vbroadcast v60, $0xF  }
0x3fc: {  	v15 =	vor.u32 s19, v11;
	vm3 =	vmand vm2, vm3;
	v62, _, _ =	vpop (xrf0)  }
0x3fd: {  	s18 =	sadd.s32 $0xFFFFFFFF, s19;
	vm1 =	vmor vm1, vm2;
	v61 =	vadd.s32 v13, v14;
	v14 =	vbroadcast v62, $0xF  }
0x3fe: {  	v63 =	vor.u32 s18, v11;
	v12 =	vsel vm3, v15, v12;
	vm2 =	vge.s32 v61, v10  }
0x3ff: {  	vm3 =	vmneg vm1;
	vm1 =	vmor vm1, vm2;
	v13 =	vadd.s32 v61, v14  }
0x400: {  	s18 =	sadd.s32 $0xFFFFFFFF, s18;
	vm3 =	vmand vm2, vm3;
	vm1 =	vmneg vm1;
	vm2 =	vge.s32 v13, v10  }
0x401: {  	v11 =	vor.u32 s18, v11;
	v10 =	vsel vm3, v63, v12;
	vm1 =	vmand vm2, vm1  }
0x402: {  	v10 =	vsel vm1, v11, v10  }
0x403: {  	v9 =	vor.u32 v9, v10;
	v10 =	vmov s17;
	s17 =	sadd.s32 $0x1, s17  }
0x404: {  	p0 =	sne.s32 s17, $0x4  }
.Ltmp21:
0x405: {  	_ = 	snop;
	(pc) =	sbr.rel @p0 .LBB2_4-.Ltmp21, $4  }
0x406: {  	vm1 =	vgt.s32 v9, $0xFFFFFFFF  }
0x407: {  	v11 =	vsel vm1, $0xFFFFFFFF, v7  }
0x408: {  	vm1 =	veq.s32 v10, v1;
	v9 =	vxor.u32 v9, v11  }
0x409: {  	v8 =	vsel vm1, v9, v8  }
0x40a: {  	s16 =	sadd.s32 $0x1, s16  }
0x40b: {  	p0 =	sne.s32 s16, s6  }
.Ltmp22:
0x40c: {  	[tilespmem:$0x1E700] =	vst v8;
	(pc) =	sbr.rel @p0 .LBB2_1-.Ltmp22, $4  }
0x40d: {  	[hbm4b:s5+s3] =	stream.linear.scatter [tilespmem:s14], [sflag:$0x3], $0x80, $0x38;
	[tilespmem:$0x1E780] =	vst v63  }
0x40e: {  	_ =	swait.ge [sflag:s15], $0x80  }
0x40f: {  	[sflag:s15] =	ssyncset.done $0x0  }
0x410: {  	[sflag:s15] =	ssyncadd.s32 $0xFFFFFF80  }
0x411: {  	_ =	sfence.sel $0x180000  }
0x412: {  	[bflag:$0x0] =	sbarrier.arrive $0xFFFF  }
0x413: {  	p0 =	sne.s32 s1, $0x0;
	_ =	strace $0x90000047  }
0x414: {  	s0 =	sadd.s32 @!p0 $0x100000, s0;
	[bflag:$0x2] =	sbarrier.arrive $0xFFFF  }
0x415: {  	[sflag:s0] =	ssyncadd.tile.s32 @!p0 $0x1;
	_ =	shalt  }
.Lfunc_end2:
_tile_overlayer_lowered:
.L_overlay_start_2:
0x416: {  	(tag) =	ssettag $0x2  }
0x417: {  	s0 =	rddreg [dreg:$0x0];
	s2 =	stileid.u32  }
0x418: {  	s1 =	rddreg [dreg:$0x1];
	p0 =	sne.s32 s2, $0x0  }
0x419: {  	s3 =	rddreg [dreg:$0x2];
	[bflag:$0x3] =	sbarrier.arrive $0xFFFF;
	s2 =	simm.s32 @!p0 $0x1C03  }
0x41a: {  	[timem:s3], [sflag:s2] =	dma.local @!p0 [hbm:s0], s1  }
0x41b: {  	s0 =	simm.s32 @!p0 $0x3  }
0x41c: {  	_ =	swait.ge @!p0 [sflag:s0], s1  }
0x41d: {  	s1 =	ssub.s32 @!p0 $0x0, s1;
	[sflag:s0] =	ssyncset.done @!p0 $0x0  }
0x41e: {  	[sflag:s0] =	ssyncadd.s32 @!p0 s1  }
0x41f: {  	[bflag:$0x3] =	sbarrier.arrive $0xFFFF  }
0x420: {  	_ =	shalt  }

</sc_bundles>
